<compile_context>
chip_gen: v7x
topology: tpu7x:2x2x1
jax: 0.10.2.dev20260603
libtpu: 0.0.44.dev20260713+nightly
codegen_flags: <defaults>
</compile_context>

<pallas_src>
import jax
import jax.numpy as jnp
from jax import lax
from jax.experimental import pallas as pl
from jax.experimental.pallas import tpu as pltpu
from jax.experimental.pallas import tpu_sc as plsc

EMBED_DIM = 64
CHUNK = 512
LANES = 16
NUM_WORKERS = 32


def _emb_body(z, table, out1, table_v, idx_v, rows_v, sem_i, sem_w):
    n = z.shape[0]
    per_w = n // NUM_WORKERS
    n_chunks = per_w // CHUNK
    wid = lax.axis_index("s") * 2 + lax.axis_index("c")
    base = wid * per_w

    pltpu.sync_copy(table, table_v)
    pltpu.async_copy(z.at[pl.ds(base, CHUNK)],
                     idx_v.at[pl.ds(0, CHUNK)], sem_i.at[0])

    def pair(i, carry):
        for b in range(2):
            ci = 2 * i + b
            e0 = base + ci * CHUNK
            pltpu.make_async_copy(
                z.at[pl.ds(e0, CHUNK)],
                idx_v.at[pl.ds(b * CHUNK, CHUNK)], sem_i.at[b]).wait()
            @pl.when(ci + 1 < n_chunks)
            def _():
                pltpu.async_copy(
                    z.at[pl.ds(e0 + CHUNK, CHUNK)],
                    idx_v.at[pl.ds((1 - b) * CHUNK, CHUNK)],
                    sem_i.at[1 - b])
            @pl.when(ci >= 2)
            def _():
                pltpu.make_async_copy(
                    rows_v.at[pl.ds(b * CHUNK * EMBED_DIM,
                                    CHUNK * EMBED_DIM)],
                    out1.at[pl.ds(e0 * EMBED_DIM, CHUNK * EMBED_DIM)],
                    sem_w.at[b]).wait()

            @plsc.parallel_loop(0, CHUNK // LANES, step=1, unroll=1)
            def _grp(g):
                idxv = idx_v[pl.ds(b * CHUNK + g * LANES, LANES)]
                base_d = (b * CHUNK * EMBED_DIM) + (g << 10)
                for l in range(LANES):
                    a = idxv[l] << 6
                    d = base_d + (l << 6)
                    for q in range(EMBED_DIM // LANES):
                        rows_v[pl.ds(d + q * LANES, LANES)] = (
                            table_v[pl.ds(a + q * LANES, LANES)])

            pltpu.async_copy(
                rows_v.at[pl.ds(b * CHUNK * EMBED_DIM, CHUNK * EMBED_DIM)],
                out1.at[pl.ds(e0 * EMBED_DIM, CHUNK * EMBED_DIM)],
                sem_w.at[b])
        return carry

    lax.fori_loop(0, n_chunks // 2, pair, 0)

    for b in range(2):
        e0 = base + (n_chunks - 2 + b) * CHUNK
        pltpu.make_async_copy(
            rows_v.at[pl.ds(b * CHUNK * EMBED_DIM, CHUNK * EMBED_DIM)],
            out1.at[pl.ds(e0 * EMBED_DIM, CHUNK * EMBED_DIM)],
            sem_w.at[b]).wait()


@jax.jit
def kernel(z, table):
    B, S = z.shape
    n = B * S
    z_flat = z.reshape(n).astype(jnp.int32)
    table = table.at[0].set(jnp.zeros((table.shape[1],), table.dtype))
    table_flat = table.reshape(table.shape[0] * table.shape[1])

    mesh = plsc.VectorSubcoreMesh(core_axis_name="c", subcore_axis_name="s")
    out1 = pl.kernel(
        _emb_body,
        mesh=mesh,
        out_type=jax.ShapeDtypeStruct((n * EMBED_DIM,), jnp.float32),
        scratch_types=[
            pltpu.VMEM((100 * EMBED_DIM,), jnp.float32),
            pltpu.VMEM((2 * CHUNK,), jnp.int32),
            pltpu.VMEM((2 * CHUNK * EMBED_DIM,), jnp.float32),
            pltpu.SemaphoreType.DMA((2,)),
            pltpu.SemaphoreType.DMA((2,)),
        ],
        compiler_params=pltpu.CompilerParams(use_tc_tiling_on_sc=True,
                                             needs_layout_passes=False),
    )(z_flat, table_flat)
    return out1.reshape(B, S, EMBED_DIM)

# --- scband reference (transcript-rebuilt; emitter-appended) ---
"""Pipeline reference for scband-node-embedding-13005160972690 (READ-ONLY COPY).

The authoritative reference and input builder live on the scoring server;
editing this copy changes nothing except your own understanding.
"""

import jax, jax.numpy as jnp
import numpy as np

VOCAB = 100
EMBED_DIM = 64

def setup_inputs(seed: int = 0) -> dict:
    key = jax.random.key(seed)
    k1, k2 = jax.random.split(key)
    z = jax.random.randint(k1, (16384, 50), 0, VOCAB, dtype=jnp.int64 if jax.config.jax_enable_x64 else jnp.int32)
    table = jax.random.normal(k2, (VOCAB, EMBED_DIM), dtype=jnp.float32)
    # padding_idx=0: row 0 is zero-initialized in torch nn.Embedding
    table = table.at[0].set(jnp.zeros((EMBED_DIM,), dtype=jnp.float32))
    return {"z": z, "table": table}

def reference(z, table):
    # nn.Embedding(100, embed_dim, padding_idx=0): enforce padding row = 0, then gather
    table = table.at[0].set(jnp.zeros((table.shape[1],), dtype=table.dtype))
    out = jnp.take(table, z, axis=0)
    return out

if __name__ == "__main__":
    import jax
    _d = setup_inputs()
    print(jax.jit(kernel)(*tuple(_d.values())))

</pallas_src>

<mosaic_0001>
#map = affine_map<(d0, d1) -> (0)>
module attributes {stable_mosaic.version = 14 : i64} {
  func.func @_emb_body(%arg0: i32, %arg1: i32, %arg2: memref<819200xi32, #tpu.memory_space<hbm>>, %arg3: memref<6400xf32, #tpu.memory_space<hbm>>, %arg4: memref<52428800xf32, #tpu.memory_space<hbm>>, %arg5: memref<6400xf32, #tpu.memory_space<vmem>>, %arg6: memref<1024xi32, #tpu.memory_space<vmem>>, %arg7: memref<65536xf32, #tpu.memory_space<vmem>>, %arg8: memref<2x!tpu.dma_semaphore, #tpu.memory_space<semaphore_mem>>, %arg9: memref<2x!tpu.dma_semaphore, #tpu.memory_space<semaphore_mem>>) attributes {dimension_semantics = [#tpu.dimension_semantics<core_parallel>, #tpu.dimension_semantics<subcore_parallel>], iteration_bounds = array<i64: 2, 16>, scalar_prefetch = 0 : i64, scratch_operands = 5 : i64, tpu.core_type = #tpu.core_type<sc_vector_subcore>, window_params = [{transform_indices = #map}, {transform_indices = #map}, {transform_indices = #map}]} {
    %mul3A = arith.constant 2 : i32
    %mul3A_0 = arith.muli %arg1, %mul3A : i32
    %add3A = arith.addi %mul3A_0, %arg0 : i32
    %mul3A_1 = arith.constant 25600 : i32
    %mul3A_2 = arith.muli %add3A, %mul3A_1 : i32
    "tpu.region"() ({
      %run_scoped3A = tpu.sem_alloc : memref<!tpu.dma_semaphore, #tpu.memory_space<semaphore_mem>>
      tpu.enqueue_dma source(%arg3 : memref<6400xf32, #tpu.memory_space<hbm>>) target(%arg5 : memref<6400xf32, #tpu.memory_space<vmem>>) target_semaphore(%run_scoped3A : memref<!tpu.dma_semaphore, #tpu.memory_space<semaphore_mem>>)
      tpu.wait_dma2 semaphore(%run_scoped3A : memref<!tpu.dma_semaphore, #tpu.memory_space<semaphore_mem>>) src(%arg3 : memref<6400xf32, #tpu.memory_space<hbm>>) dst(%arg5 : memref<6400xf32, #tpu.memory_space<vmem>>)
      tpu.yield
    }) : () -> ()
    %dma_start3A = arith.constant 0 : i32
    %dma_start3A_3 = arith.constant 0 : i32
    %dma_start3A_4 = tpu.memref_slice %arg6[%dma_start3A_3] : memref<1024xi32, #tpu.memory_space<vmem>> -> memref<512xi32, #tpu.memory_space<vmem>>
    %dma_start3A_5 = tpu.memref_slice %arg2[%mul3A_2] : memref<819200xi32, #tpu.memory_space<hbm>> -> memref<512xi32, #tpu.memory_space<hbm>>
    %dma_start3A_6 = tpu.memref_slice %arg8[%dma_start3A] : memref<2x!tpu.dma_semaphore, #tpu.memory_space<semaphore_mem>> -> memref<1x!tpu.dma_semaphore, #tpu.memory_space<semaphore_mem>>
    %dma_start3A_7 = tpu.memref_squeeze %dma_start3A_6 : memref<1x!tpu.dma_semaphore, #tpu.memory_space<semaphore_mem>> -> memref<!tpu.dma_semaphore, #tpu.memory_space<semaphore_mem>>
    %dma_start3A_8 = arith.constant 0 : i32
    %dma_start3A_9 = tpu.memref_slice %arg6[%dma_start3A_8] : memref<1024xi32, #tpu.memory_space<vmem>> -> memref<512xi32, #tpu.memory_space<vmem>>
    %dma_start3A_10 = tpu.memref_slice %arg2[%mul3A_2] : memref<819200xi32, #tpu.memory_space<hbm>> -> memref<512xi32, #tpu.memory_space<hbm>>
    tpu.enqueue_dma source(%dma_start3A_10 : memref<512xi32, #tpu.memory_space<hbm>>) target(%dma_start3A_9 : memref<512xi32, #tpu.memory_space<vmem>>) target_semaphore(%dma_start3A_7 : memref<!tpu.dma_semaphore, #tpu.memory_space<semaphore_mem>>)
    %scan3A = arith.constant 0 : i32
    %scan3A_11 = arith.constant 0 : i32
    %scan3A_12 = arith.constant 25 : i32
    %scan3A_13 = arith.addi %scan3A_11, %scan3A_12 : i32
    %scan3A_14 = arith.constant 1 : i32
    scf.for %scan3A_41 = %scan3A_11 to %scan3A_13 step %scan3A_14  : i32 {
      %mul3A_42 = arith.constant 2 : i32
      %mul3A_43 = arith.muli %mul3A_42, %scan3A_41 : i32
      %add3A_44 = arith.constant 0 : i32
      %add3A_45 = arith.addi %mul3A_43, %add3A_44 : i32
      %mul3A_46 = arith.constant 512 : i32
      %mul3A_47 = arith.muli %add3A_45, %mul3A_46 : i32
      %add3A_48 = arith.addi %mul3A_2, %mul3A_47 : i32
      %dma_wait3A_49 = arith.constant 0 : i32
      %dma_wait3A_50 = arith.constant 0 : i32
      %dma_wait3A_51 = tpu.memref_slice %arg6[%dma_wait3A_50] : memref<1024xi32, #tpu.memory_space<vmem>> -> memref<512xi32, #tpu.memory_space<vmem>>
      %dma_wait3A_52 = tpu.memref_slice %arg2[%add3A_48] : memref<819200xi32, #tpu.memory_space<hbm>> -> memref<512xi32, #tpu.memory_space<hbm>>
      %dma_wait3A_53 = tpu.memref_slice %arg8[%dma_wait3A_49] : memref<2x!tpu.dma_semaphore, #tpu.memory_space<semaphore_mem>> -> memref<1x!tpu.dma_semaphore, #tpu.memory_space<semaphore_mem>>
      %dma_wait3A_54 = tpu.memref_squeeze %dma_wait3A_53 : memref<1x!tpu.dma_semaphore, #tpu.memory_space<semaphore_mem>> -> memref<!tpu.dma_semaphore, #tpu.memory_space<semaphore_mem>>
      %dma_wait3A_55 = arith.constant 0 : i32
      %dma_wait3A_56 = tpu.memref_slice %arg6[%dma_wait3A_55] : memref<1024xi32, #tpu.memory_space<vmem>> -> memref<512xi32, #tpu.memory_space<vmem>>
      %dma_wait3A_57 = tpu.memref_slice %arg2[%add3A_48] : memref<819200xi32, #tpu.memory_space<hbm>> -> memref<512xi32, #tpu.memory_space<hbm>>
      tpu.wait_dma2 semaphore(%dma_wait3A_54 : memref<!tpu.dma_semaphore, #tpu.memory_space<semaphore_mem>>) src(%dma_wait3A_57 : memref<512xi32, #tpu.memory_space<hbm>>) dst(%dma_wait3A_56 : memref<512xi32, #tpu.memory_space<vmem>>)
      %add3A_58 = arith.constant 1 : i32
      %add3A_59 = arith.addi %add3A_45, %add3A_58 : i32
      %lt3A = arith.constant 50 : i32
      %lt3A_60 = arith.cmpi slt, %add3A_59, %lt3A : i32
      %convert_element_type3A = arith.extui %lt3A_60 : i1 to i32
      %cond3A = arith.constant 0 : i32
      %cond3A_61 = arith.cmpi ne, %convert_element_type3A, %cond3A : i32
      scf.if %cond3A_61 {
        %add3A_121 = arith.constant 512 : i32
        %add3A_122 = arith.addi %add3A_48, %add3A_121 : i32
        %dma_start3A_123 = arith.constant 1 : i32
        %dma_start3A_124 = arith.constant 512 : i32
        %dma_start3A_125 = tpu.memref_slice %arg6[%dma_start3A_124] : memref<1024xi32, #tpu.memory_space<vmem>> -> memref<512xi32, #tpu.memory_space<vmem>>
        %dma_start3A_126 = tpu.memref_slice %arg2[%add3A_122] : memref<819200xi32, #tpu.memory_space<hbm>> -> memref<512xi32, #tpu.memory_space<hbm>>
        %dma_start3A_127 = tpu.memref_slice %arg8[%dma_start3A_123] : memref<2x!tpu.dma_semaphore, #tpu.memory_space<semaphore_mem>> -> memref<1x!tpu.dma_semaphore, #tpu.memory_space<semaphore_mem>>
        %dma_start3A_128 = tpu.memref_squeeze %dma_start3A_127 : memref<1x!tpu.dma_semaphore, #tpu.memory_space<semaphore_mem>> -> memref<!tpu.dma_semaphore, #tpu.memory_space<semaphore_mem>>
        %dma_start3A_129 = arith.constant 512 : i32
        %dma_start3A_130 = tpu.memref_slice %arg6[%dma_start3A_129] : memref<1024xi32, #tpu.memory_space<vmem>> -> memref<512xi32, #tpu.memory_space<vmem>>
        %dma_start3A_131 = tpu.memref_slice %arg2[%add3A_122] : memref<819200xi32, #tpu.memory_space<hbm>> -> memref<512xi32, #tpu.memory_space<hbm>>
        tpu.enqueue_dma source(%dma_start3A_131 : memref<512xi32, #tpu.memory_space<hbm>>) target(%dma_start3A_130 : memref<512xi32, #tpu.memory_space<vmem>>) target_semaphore(%dma_start3A_128 : memref<!tpu.dma_semaphore, #tpu.memory_space<semaphore_mem>>)
      } else {
      }
      %ge3A = arith.constant 2 : i32
      %ge3A_62 = arith.cmpi sge, %add3A_45, %ge3A : i32
      %convert_element_type3A_63 = arith.extui %ge3A_62 : i1 to i32
      %cond3A_64 = arith.constant 0 : i32
      %cond3A_65 = arith.cmpi ne, %convert_element_type3A_63, %cond3A_64 : i32
      scf.if %cond3A_65 {
        %mul3A_121 = arith.constant 64 : i32
        %mul3A_122 = arith.muli %add3A_48, %mul3A_121 : i32
        %dma_wait3A_123 = arith.constant 0 : i32
        %dma_wait3A_124 = arith.constant 0 : i32
        %dma_wait3A_125 = tpu.memref_slice %arg7[%dma_wait3A_124] : memref<65536xf32, #tpu.memory_space<vmem>> -> memref<32768xf32, #tpu.memory_space<vmem>>
        %dma_wait3A_126 = tpu.memref_slice %arg4[%mul3A_122] : memref<52428800xf32, #tpu.memory_space<hbm>> -> memref<32768xf32, #tpu.memory_space<hbm>>
        %dma_wait3A_127 = tpu.memref_slice %arg9[%dma_wait3A_123] : memref<2x!tpu.dma_semaphore, #tpu.memory_space<semaphore_mem>> -> memref<1x!tpu.dma_semaphore, #tpu.memory_space<semaphore_mem>>
        %dma_wait3A_128 = tpu.memref_squeeze %dma_wait3A_127 : memref<1x!tpu.dma_semaphore, #tpu.memory_space<semaphore_mem>> -> memref<!tpu.dma_semaphore, #tpu.memory_space<semaphore_mem>>
        %dma_wait3A_129 = tpu.memref_slice %arg4[%mul3A_122] : memref<52428800xf32, #tpu.memory_space<hbm>> -> memref<32768xf32, #tpu.memory_space<hbm>>
        %dma_wait3A_130 = arith.constant 0 : i32
        %dma_wait3A_131 = tpu.memref_slice %arg7[%dma_wait3A_130] : memref<65536xf32, #tpu.memory_space<vmem>> -> memref<32768xf32, #tpu.memory_space<vmem>>
        tpu.wait_dma2 semaphore(%dma_wait3A_128 : memref<!tpu.dma_semaphore, #tpu.memory_space<semaphore_mem>>) src(%dma_wait3A_131 : memref<32768xf32, #tpu.memory_space<vmem>>) dst(%dma_wait3A_129 : memref<32768xf32, #tpu.memory_space<hbm>>)
      } else {
      }
      %parallel_loop3A = arith.constant 0 : i32
      %parallel_loop3A_66 = arith.constant 32 : i32
      %parallel_loop3A_67 = arith.constant 1 : i32
      scf.for %parallel_loop3A_121 = %parallel_loop3A to %parallel_loop3A_66 step %parallel_loop3A_67  : i32 {
        %parallel_loop3A_122 = arith.constant 16 : i32
        %parallel_loop3A_123 = arith.muli %parallel_loop3A_121, %parallel_loop3A_122 : i32
        %parallel_loop3A_124 = arith.constant 0 : i32
        %parallel_loop3A_125 = arith.addi %parallel_loop3A_124, %parallel_loop3A_123 : i32
        %parallel_loop3A_126 = arith.index_cast %parallel_loop3A_125 : i32 to index
        %parallel_loop3A_127 = tpu.vector_load %arg6[%parallel_loop3A_126] {strides = array<i32>} : memref<1024xi32, #tpu.memory_space<vmem>>, vector<16xi32>,
        %parallel_loop3A_128 = arith.constant 10 : i32
        %parallel_loop3A_129 = arith.shli %parallel_loop3A_121, %parallel_loop3A_128 : i32
        %parallel_loop3A_130 = arith.constant 0 : i32
        %parallel_loop3A_131 = arith.addi %parallel_loop3A_130, %parallel_loop3A_129 : i32
        %parallel_loop3A_132 = vector.extract_strided_slice %parallel_loop3A_127 {offsets = [0], sizes = [1], strides = [1]} : vector<16xi32> to vector<1xi32>
        %parallel_loop3A_133 = vector.extract %parallel_loop3A_132[0] : i32 from vector<1xi32>
        %parallel_loop3A_134 = arith.constant 6 : i32
        %parallel_loop3A_135 = arith.shli %parallel_loop3A_133, %parallel_loop3A_134 : i32
        %parallel_loop3A_136 = arith.constant 0 : i32
        %parallel_loop3A_137 = arith.addi %parallel_loop3A_131, %parallel_loop3A_136 : i32
        %parallel_loop3A_138 = arith.constant 0 : i32
        %parallel_loop3A_139 = arith.addi %parallel_loop3A_135, %parallel_loop3A_138 : i32
        %parallel_loop3A_140 = arith.index_cast %parallel_loop3A_139 : i32 to index
        %parallel_loop3A_141 = tpu.vector_load %arg5[%parallel_loop3A_140] {strides = array<i32>} : memref<6400xf32, #tpu.memory_space<vmem>>, vector<16xf32>,
        %parallel_loop3A_142 = arith.constant 0 : i32
        %parallel_loop3A_143 = arith.addi %parallel_loop3A_137, %parallel_loop3A_142 : i32
        %parallel_loop3A_144 = arith.index_cast %parallel_loop3A_143 : i32 to index
        %parallel_loop3A_145 = tpu.vector_load %arg7[%parallel_loop3A_144] {strides = array<i32>} : memref<65536xf32, #tpu.memory_space<vmem>>, vector<16xf32>,
        tpu.vector_store %arg7[%parallel_loop3A_144], %parallel_loop3A_141 {strides = array<i32>} : memref<65536xf32, #tpu.memory_space<vmem>>, vector<16xf32>,
        %parallel_loop3A_146 = arith.constant 16 : i32
        %parallel_loop3A_147 = arith.addi %parallel_loop3A_135, %parallel_loop3A_146 : i32
        %parallel_loop3A_148 = arith.index_cast %parallel_loop3A_147 : i32 to index
        %parallel_loop3A_149 = tpu.vector_load %arg5[%parallel_loop3A_148] {strides = array<i32>} : memref<6400xf32, #tpu.memory_space<vmem>>, vector<16xf32>,
        %parallel_loop3A_150 = arith.constant 16 : i32
        %parallel_loop3A_151 = arith.addi %parallel_loop3A_137, %parallel_loop3A_150 : i32
        %parallel_loop3A_152 = arith.index_cast %parallel_loop3A_151 : i32 to index
        %parallel_loop3A_153 = tpu.vector_load %arg7[%parallel_loop3A_152] {strides = array<i32>} : memref<65536xf32, #tpu.memory_space<vmem>>, vector<16xf32>,
        tpu.vector_store %arg7[%parallel_loop3A_152], %parallel_loop3A_149 {strides = array<i32>} : memref<65536xf32, #tpu.memory_space<vmem>>, vector<16xf32>,
        %parallel_loop3A_154 = arith.constant 32 : i32
        %parallel_loop3A_155 = arith.addi %parallel_loop3A_135, %parallel_loop3A_154 : i32
        %parallel_loop3A_156 = arith.index_cast %parallel_loop3A_155 : i32 to index
        %parallel_loop3A_157 = tpu.vector_load %arg5[%parallel_loop3A_156] {strides = array<i32>} : memref<6400xf32, #tpu.memory_space<vmem>>, vector<16xf32>,
        %parallel_loop3A_158 = arith.constant 32 : i32
        %parallel_loop3A_159 = arith.addi %parallel_loop3A_137, %parallel_loop3A_158 : i32
        %parallel_loop3A_160 = arith.index_cast %parallel_loop3A_159 : i32 to index
        %parallel_loop3A_161 = tpu.vector_load %arg7[%parallel_loop3A_160] {strides = array<i32>} : memref<65536xf32, #tpu.memory_space<vmem>>, vector<16xf32>,
        tpu.vector_store %arg7[%parallel_loop3A_160], %parallel_loop3A_157 {strides = array<i32>} : memref<65536xf32, #tpu.memory_space<vmem>>, vector<16xf32>,
        %parallel_loop3A_162 = arith.constant 48 : i32
        %parallel_loop3A_163 = arith.addi %parallel_loop3A_135, %parallel_loop3A_162 : i32
        %parallel_loop3A_164 = arith.index_cast %parallel_loop3A_163 : i32 to index
        %parallel_loop3A_165 = tpu.vector_load %arg5[%parallel_loop3A_164] {strides = array<i32>} : memref<6400xf32, #tpu.memory_space<vmem>>, vector<16xf32>,
        %parallel_loop3A_166 = arith.constant 48 : i32
        %parallel_loop3A_167 = arith.addi %parallel_loop3A_137, %parallel_loop3A_166 : i32
        %parallel_loop3A_168 = arith.index_cast %parallel_loop3A_167 : i32 to index
        %parallel_loop3A_169 = tpu.vector_load %arg7[%parallel_loop3A_168] {strides = array<i32>} : memref<65536xf32, #tpu.memory_space<vmem>>, vector<16xf32>,
        tpu.vector_store %arg7[%parallel_loop3A_168], %parallel_loop3A_165 {strides = array<i32>} : memref<65536xf32, #tpu.memory_space<vmem>>, vector<16xf32>,
        %parallel_loop3A_170 = vector.extract_strided_slice %parallel_loop3A_127 {offsets = [1], sizes = [1], strides = [1]} : vector<16xi32> to vector<1xi32>
        %parallel_loop3A_171 = vector.extract %parallel_loop3A_170[0] : i32 from vector<1xi32>
        %parallel_loop3A_172 = arith.constant 6 : i32
        %parallel_loop3A_173 = arith.shli %parallel_loop3A_171, %parallel_loop3A_172 : i32
        %parallel_loop3A_174 = arith.constant 64 : i32
        %parallel_loop3A_175 = arith.addi %parallel_loop3A_131, %parallel_loop3A_174 : i32
        %parallel_loop3A_176 = arith.constant 0 : i32
        %parallel_loop3A_177 = arith.addi %parallel_loop3A_173, %parallel_loop3A_176 : i32
        %parallel_loop3A_178 = arith.index_cast %parallel_loop3A_177 : i32 to index
        %parallel_loop3A_179 = tpu.vector_load %arg5[%parallel_loop3A_178] {strides = array<i32>} : memref<6400xf32, #tpu.memory_space<vmem>>, vector<16xf32>,
        %parallel_loop3A_180 = arith.constant 0 : i32
        %parallel_loop3A_181 = arith.addi %parallel_loop3A_175, %parallel_loop3A_180 : i32
        %parallel_loop3A_182 = arith.index_cast %parallel_loop3A_181 : i32 to index
        %parallel_loop3A_183 = tpu.vector_load %arg7[%parallel_loop3A_182] {strides = array<i32>} : memref<65536xf32, #tpu.memory_space<vmem>>, vector<16xf32>,
        tpu.vector_store %arg7[%parallel_loop3A_182], %parallel_loop3A_179 {strides = array<i32>} : memref<65536xf32, #tpu.memory_space<vmem>>, vector<16xf32>,
        %parallel_loop3A_184 = arith.constant 16 : i32
        %parallel_loop3A_185 = arith.addi %parallel_loop3A_173, %parallel_loop3A_184 : i32
        %parallel_loop3A_186 = arith.index_cast %parallel_loop3A_185 : i32 to index
        %parallel_loop3A_187 = tpu.vector_load %arg5[%parallel_loop3A_186] {strides = array<i32>} : memref<6400xf32, #tpu.memory_space<vmem>>, vector<16xf32>,
        %parallel_loop3A_188 = arith.constant 16 : i32
        %parallel_loop3A_189 = arith.addi %parallel_loop3A_175, %parallel_loop3A_188 : i32
        %parallel_loop3A_190 = arith.index_cast %parallel_loop3A_189 : i32 to index
        %parallel_loop3A_191 = tpu.vector_load %arg7[%parallel_loop3A_190] {strides = array<i32>} : memref<65536xf32, #tpu.memory_space<vmem>>, vector<16xf32>,
        tpu.vector_store %arg7[%parallel_loop3A_190], %parallel_loop3A_187 {strides = array<i32>} : memref<65536xf32, #tpu.memory_space<vmem>>, vector<16xf32>,
        %parallel_loop3A_192 = arith.constant 32 : i32
        %parallel_loop3A_193 = arith.addi %parallel_loop3A_173, %parallel_loop3A_192 : i32
        %parallel_loop3A_194 = arith.index_cast %parallel_loop3A_193 : i32 to index
        %parallel_loop3A_195 = tpu.vector_load %arg5[%parallel_loop3A_194] {strides = array<i32>} : memref<6400xf32, #tpu.memory_space<vmem>>, vector<16xf32>,
        %parallel_loop3A_196 = arith.constant 32 : i32
        %parallel_loop3A_197 = arith.addi %parallel_loop3A_175, %parallel_loop3A_196 : i32
        %parallel_loop3A_198 = arith.index_cast %parallel_loop3A_197 : i32 to index
        %parallel_loop3A_199 = tpu.vector_load %arg7[%parallel_loop3A_198] {strides = array<i32>} : memref<65536xf32, #tpu.memory_space<vmem>>, vector<16xf32>,
        tpu.vector_store %arg7[%parallel_loop3A_198], %parallel_loop3A_195 {strides = array<i32>} : memref<65536xf32, #tpu.memory_space<vmem>>, vector<16xf32>,
        %parallel_loop3A_200 = arith.constant 48 : i32
        %parallel_loop3A_201 = arith.addi %parallel_loop3A_173, %parallel_loop3A_200 : i32
        %parallel_loop3A_202 = arith.index_cast %parallel_loop3A_201 : i32 to index
        %parallel_loop3A_203 = tpu.vector_load %arg5[%parallel_loop3A_202] {strides = array<i32>} : memref<6400xf32, #tpu.memory_space<vmem>>, vector<16xf32>,
        %parallel_loop3A_204 = arith.constant 48 : i32
        %parallel_loop3A_205 = arith.addi %parallel_loop3A_175, %parallel_loop3A_204 : i32
        %parallel_loop3A_206 = arith.index_cast %parallel_loop3A_205 : i32 to index
        %parallel_loop3A_207 = tpu.vector_load %arg7[%parallel_loop3A_206] {strides = array<i32>} : memref<65536xf32, #tpu.memory_space<vmem>>, vector<16xf32>,
        tpu.vector_store %arg7[%parallel_loop3A_206], %parallel_loop3A_203 {strides = array<i32>} : memref<65536xf32, #tpu.memory_space<vmem>>, vector<16xf32>,
        %parallel_loop3A_208 = vector.extract_strided_slice %parallel_loop3A_127 {offsets = [2], sizes = [1], strides = [1]} : vector<16xi32> to vector<1xi32>
        %parallel_loop3A_209 = vector.extract %parallel_loop3A_208[0] : i32 from vector<1xi32>
        %parallel_loop3A_210 = arith.constant 6 : i32
        %parallel_loop3A_211 = arith.shli %parallel_loop3A_209, %parallel_loop3A_210 : i32
        %parallel_loop3A_212 = arith.constant 128 : i32
        %parallel_loop3A_213 = arith.addi %parallel_loop3A_131, %parallel_loop3A_212 : i32
        %parallel_loop3A_214 = arith.constant 0 : i32
        %parallel_loop3A_215 = arith.addi %parallel_loop3A_211, %parallel_loop3A_214 : i32
        %parallel_loop3A_216 = arith.index_cast %parallel_loop3A_215 : i32 to index
        %parallel_loop3A_217 = tpu.vector_load %arg5[%parallel_loop3A_216] {strides = array<i32>} : memref<6400xf32, #tpu.memory_space<vmem>>, vector<16xf32>,
        %parallel_loop3A_218 = arith.constant 0 : i32
        %parallel_loop3A_219 = arith.addi %parallel_loop3A_213, %parallel_loop3A_218 : i32
        %parallel_loop3A_220 = arith.index_cast %parallel_loop3A_219 : i32 to index
        %parallel_loop3A_221 = tpu.vector_load %arg7[%parallel_loop3A_220] {strides = array<i32>} : memref<65536xf32, #tpu.memory_space<vmem>>, vector<16xf32>,
        tpu.vector_store %arg7[%parallel_loop3A_220], %parallel_loop3A_217 {strides = array<i32>} : memref<65536xf32, #tpu.memory_space<vmem>>, vector<16xf32>,
        %parallel_loop3A_222 = arith.constant 16 : i32
        %parallel_loop3A_223 = arith.addi %parallel_loop3A_211, %parallel_loop3A_222 : i32
        %parallel_loop3A_224 = arith.index_cast %parallel_loop3A_223 : i32 to index
        %parallel_loop3A_225 = tpu.vector_load %arg5[%parallel_loop3A_224] {strides = array<i32>} : memref<6400xf32, #tpu.memory_space<vmem>>, vector<16xf32>,
        %parallel_loop3A_226 = arith.constant 16 : i32
        %parallel_loop3A_227 = arith.addi %parallel_loop3A_213, %parallel_loop3A_226 : i32
        %parallel_loop3A_228 = arith.index_cast %parallel_loop3A_227 : i32 to index
        %parallel_loop3A_229 = tpu.vector_load %arg7[%parallel_loop3A_228] {strides = array<i32>} : memref<65536xf32, #tpu.memory_space<vmem>>, vector<16xf32>,
        tpu.vector_store %arg7[%parallel_loop3A_228], %parallel_loop3A_225 {strides = array<i32>} : memref<65536xf32, #tpu.memory_space<vmem>>, vector<16xf32>,
        %parallel_loop3A_230 = arith.constant 32 : i32
        %parallel_loop3A_231 = arith.addi %parallel_loop3A_211, %parallel_loop3A_230 : i32
        %parallel_loop3A_232 = arith.index_cast %parallel_loop3A_231 : i32 to index
        %parallel_loop3A_233 = tpu.vector_load %arg5[%parallel_loop3A_232] {strides = array<i32>} : memref<6400xf32, #tpu.memory_space<vmem>>, vector<16xf32>,
        %parallel_loop3A_234 = arith.constant 32 : i32
        %parallel_loop3A_235 = arith.addi %parallel_loop3A_213, %parallel_loop3A_234 : i32
        %parallel_loop3A_236 = arith.index_cast %parallel_loop3A_235 : i32 to index
        %parallel_loop3A_237 = tpu.vector_load %arg7[%parallel_loop3A_236] {strides = array<i32>} : memref<65536xf32, #tpu.memory_space<vmem>>, vector<16xf32>,
        tpu.vector_store %arg7[%parallel_loop3A_236], %parallel_loop3A_233 {strides = array<i32>} : memref<65536xf32, #tpu.memory_space<vmem>>, vector<16xf32>,
        %parallel_loop3A_238 = arith.constant 48 : i32
        %parallel_loop3A_239 = arith.addi %parallel_loop3A_211, %parallel_loop3A_238 : i32
        %parallel_loop3A_240 = arith.index_cast %parallel_loop3A_239 : i32 to index
        %parallel_loop3A_241 = tpu.vector_load %arg5[%parallel_loop3A_240] {strides = array<i32>} : memref<6400xf32, #tpu.memory_space<vmem>>, vector<16xf32>,
        %parallel_loop3A_242 = arith.constant 48 : i32
        %parallel_loop3A_243 = arith.addi %parallel_loop3A_213, %parallel_loop3A_242 : i32
        %parallel_loop3A_244 = arith.index_cast %parallel_loop3A_243 : i32 to index
        %parallel_loop3A_245 = tpu.vector_load %arg7[%parallel_loop3A_244] {strides = array<i32>} : memref<65536xf32, #tpu.memory_space<vmem>>, vector<16xf32>,
        tpu.vector_store %arg7[%parallel_loop3A_244], %parallel_loop3A_241 {strides = array<i32>} : memref<65536xf32, #tpu.memory_space<vmem>>, vector<16xf32>,
        %parallel_loop3A_246 = vector.extract_strided_slice %parallel_loop3A_127 {offsets = [3], sizes = [1], strides = [1]} : vector<16xi32> to vector<1xi32>
        %parallel_loop3A_247 = vector.extract %parallel_loop3A_246[0] : i32 from vector<1xi32>
        %parallel_loop3A_248 = arith.constant 6 : i32
        %parallel_loop3A_249 = arith.shli %parallel_loop3A_247, %parallel_loop3A_248 : i32
        %parallel_loop3A_250 = arith.constant 192 : i32
        %parallel_loop3A_251 = arith.addi %parallel_loop3A_131, %parallel_loop3A_250 : i32
        %parallel_loop3A_252 = arith.constant 0 : i32
        %parallel_loop3A_253 = arith.addi %parallel_loop3A_249, %parallel_loop3A_252 : i32
        %parallel_loop3A_254 = arith.index_cast %parallel_loop3A_253 : i32 to index
        %parallel_loop3A_255 = tpu.vector_load %arg5[%parallel_loop3A_254] {strides = array<i32>} : memref<6400xf32, #tpu.memory_space<vmem>>, vector<16xf32>,
        %parallel_loop3A_256 = arith.constant 0 : i32
        %parallel_loop3A_257 = arith.addi %parallel_loop3A_251, %parallel_loop3A_256 : i32
        %parallel_loop3A_258 = arith.index_cast %parallel_loop3A_257 : i32 to index
        %parallel_loop3A_259 = tpu.vector_load %arg7[%parallel_loop3A_258] {strides = array<i32>} : memref<65536xf32, #tpu.memory_space<vmem>>, vector<16xf32>,
        tpu.vector_store %arg7[%parallel_loop3A_258], %parallel_loop3A_255 {strides = array<i32>} : memref<65536xf32, #tpu.memory_space<vmem>>, vector<16xf32>,
        %parallel_loop3A_260 = arith.constant 16 : i32
        %parallel_loop3A_261 = arith.addi %parallel_loop3A_249, %parallel_loop3A_260 : i32
        %parallel_loop3A_262 = arith.index_cast %parallel_loop3A_261 : i32 to index
        %parallel_loop3A_263 = tpu.vector_load %arg5[%parallel_loop3A_262] {strides = array<i32>} : memref<6400xf32, #tpu.memory_space<vmem>>, vector<16xf32>,
        %parallel_loop3A_264 = arith.constant 16 : i32
        %parallel_loop3A_265 = arith.addi %parallel_loop3A_251, %parallel_loop3A_264 : i32
        %parallel_loop3A_266 = arith.index_cast %parallel_loop3A_265 : i32 to index
        %parallel_loop3A_267 = tpu.vector_load %arg7[%parallel_loop3A_266] {strides = array<i32>} : memref<65536xf32, #tpu.memory_space<vmem>>, vector<16xf32>,
        tpu.vector_store %arg7[%parallel_loop3A_266], %parallel_loop3A_263 {strides = array<i32>} : memref<65536xf32, #tpu.memory_space<vmem>>, vector<16xf32>,
        %parallel_loop3A_268 = arith.constant 32 : i32
        %parallel_loop3A_269 = arith.addi %parallel_loop3A_249, %parallel_loop3A_268 : i32
        %parallel_loop3A_270 = arith.index_cast %parallel_loop3A_269 : i32 to index
        %parallel_loop3A_271 = tpu.vector_load %arg5[%parallel_loop3A_270] {strides = array<i32>} : memref<6400xf32, #tpu.memory_space<vmem>>, vector<16xf32>,
        %parallel_loop3A_272 = arith.constant 32 : i32
        %parallel_loop3A_273 = arith.addi %parallel_loop3A_251, %parallel_loop3A_272 : i32
        %parallel_loop3A_274 = arith.index_cast %parallel_loop3A_273 : i32 to index
        %parallel_loop3A_275 = tpu.vector_load %arg7[%parallel_loop3A_274] {strides = array<i32>} : memref<65536xf32, #tpu.memory_space<vmem>>, vector<16xf32>,
        tpu.vector_store %arg7[%parallel_loop3A_274], %parallel_loop3A_271 {strides = array<i32>} : memref<65536xf32, #tpu.memory_space<vmem>>, vector<16xf32>,
        %parallel_loop3A_276 = arith.constant 48 : i32
        %parallel_loop3A_277 = arith.addi %parallel_loop3A_249, %parallel_loop3A_276 : i32
        %parallel_loop3A_278 = arith.index_cast %parallel_loop3A_277 : i32 to index
        %parallel_loop3A_279 = tpu.vector_load %arg5[%parallel_loop3A_278] {strides = array<i32>} : memref<6400xf32, #tpu.memory_space<vmem>>, vector<16xf32>,
        %parallel_loop3A_280 = arith.constant 48 : i32
        %parallel_loop3A_281 = arith.addi %parallel_loop3A_251, %parallel_loop3A_280 : i32
        %parallel_loop3A_282 = arith.index_cast %parallel_loop3A_281 : i32 to index
        %parallel_loop3A_283 = tpu.vector_load %arg7[%parallel_loop3A_282] {strides = array<i32>} : memref<65536xf32, #tpu.memory_space<vmem>>, vector<16xf32>,
        tpu.vector_store %arg7[%parallel_loop3A_282], %parallel_loop3A_279 {strides = array<i32>} : memref<65536xf32, #tpu.memory_space<vmem>>, vector<16xf32>,
        %parallel_loop3A_284 = vector.extract_strided_slice %parallel_loop3A_127 {offsets = [4], sizes = [1], strides = [1]} : vector<16xi32> to vector<1xi32>
        %parallel_loop3A_285 = vector.extract %parallel_loop3A_284[0] : i32 from vector<1xi32>
        %parallel_loop3A_286 = arith.constant 6 : i32
        %parallel_loop3A_287 = arith.shli %parallel_loop3A_285, %parallel_loop3A_286 : i32
        %parallel_loop3A_288 = arith.constant 256 : i32
        %parallel_loop3A_289 = arith.addi %parallel_loop3A_131, %parallel_loop3A_288 : i32
        %parallel_loop3A_290 = arith.constant 0 : i32
        %parallel_loop3A_291 = arith.addi %parallel_loop3A_287, %parallel_loop3A_290 : i32
        %parallel_loop3A_292 = arith.index_cast %parallel_loop3A_291 : i32 to index
        %parallel_loop3A_293 = tpu.vector_load %arg5[%parallel_loop3A_292] {strides = array<i32>} : memref<6400xf32, #tpu.memory_space<vmem>>, vector<16xf32>,
        %parallel_loop3A_294 = arith.constant 0 : i32
        %parallel_loop3A_295 = arith.addi %parallel_loop3A_289, %parallel_loop3A_294 : i32
        %parallel_loop3A_296 = arith.index_cast %parallel_loop3A_295 : i32 to index
        %parallel_loop3A_297 = tpu.vector_load %arg7[%parallel_loop3A_296] {strides = array<i32>} : memref<65536xf32, #tpu.memory_space<vmem>>, vector<16xf32>,
        tpu.vector_store %arg7[%parallel_loop3A_296], %parallel_loop3A_293 {strides = array<i32>} : memref<65536xf32, #tpu.memory_space<vmem>>, vector<16xf32>,
        %parallel_loop3A_298 = arith.constant 16 : i32
        %parallel_loop3A_299 = arith.addi %parallel_loop3A_287, %parallel_loop3A_298 : i32
        %parallel_loop3A_300 = arith.index_cast %parallel_loop3A_299 : i32 to index
        %parallel_loop3A_301 = tpu.vector_load %arg5[%parallel_loop3A_300] {strides = array<i32>} : memref<6400xf32, #tpu.memory_space<vmem>>, vector<16xf32>,
        %parallel_loop3A_302 = arith.constant 16 : i32
        %parallel_loop3A_303 = arith.addi %parallel_loop3A_289, %parallel_loop3A_302 : i32
        %parallel_loop3A_304 = arith.index_cast %parallel_loop3A_303 : i32 to index
        %parallel_loop3A_305 = tpu.vector_load %arg7[%parallel_loop3A_304] {strides = array<i32>} : memref<65536xf32, #tpu.memory_space<vmem>>, vector<16xf32>,
        tpu.vector_store %arg7[%parallel_loop3A_304], %parallel_loop3A_301 {strides = array<i32>} : memref<65536xf32, #tpu.memory_space<vmem>>, vector<16xf32>,
        %parallel_loop3A_306 = arith.constant 32 : i32
        %parallel_loop3A_307 = arith.addi %parallel_loop3A_287, %parallel_loop3A_306 : i32
        %parallel_loop3A_308 = arith.index_cast %parallel_loop3A_307 : i32 to index
        %parallel_loop3A_309 = tpu.vector_load %arg5[%parallel_loop3A_308] {strides = array<i32>} : memref<6400xf32, #tpu.memory_space<vmem>>, vector<16xf32>,
        %parallel_loop3A_310 = arith.constant 32 : i32
        %parallel_loop3A_311 = arith.addi %parallel_loop3A_289, %parallel_loop3A_310 : i32
        %parallel_loop3A_312 = arith.index_cast %parallel_loop3A_311 : i32 to index
        %parallel_loop3A_313 = tpu.vector_load %arg7[%parallel_loop3A_312] {strides = array<i32>} : memref<65536xf32, #tpu.memory_space<vmem>>, vector<16xf32>,
        tpu.vector_store %arg7[%parallel_loop3A_312], %parallel_loop3A_309 {strides = array<i32>} : memref<65536xf32, #tpu.memory_space<vmem>>, vector<16xf32>,
        %parallel_loop3A_314 = arith.constant 48 : i32
        %parallel_loop3A_315 = arith.addi %parallel_loop3A_287, %parallel_loop3A_314 : i32
        %parallel_loop3A_316 = arith.index_cast %parallel_loop3A_315 : i32 to index
        %parallel_loop3A_317 = tpu.vector_load %arg5[%parallel_loop3A_316] {strides = array<i32>} : memref<6400xf32, #tpu.memory_space<vmem>>, vector<16xf32>,
        %parallel_loop3A_318 = arith.constant 48 : i32
        %parallel_loop3A_319 = arith.addi %parallel_loop3A_289, %parallel_loop3A_318 : i32
        %parallel_loop3A_320 = arith.index_cast %parallel_loop3A_319 : i32 to index
        %parallel_loop3A_321 = tpu.vector_load %arg7[%parallel_loop3A_320] {strides = array<i32>} : memref<65536xf32, #tpu.memory_space<vmem>>, vector<16xf32>,
        tpu.vector_store %arg7[%parallel_loop3A_320], %parallel_loop3A_317 {strides = array<i32>} : memref<65536xf32, #tpu.memory_space<vmem>>, vector<16xf32>,
        %parallel_loop3A_322 = vector.extract_strided_slice %parallel_loop3A_127 {offsets = [5], sizes = [1], strides = [1]} : vector<16xi32> to vector<1xi32>
        %parallel_loop3A_323 = vector.extract %parallel_loop3A_322[0] : i32 from vector<1xi32>
        %parallel_loop3A_324 = arith.constant 6 : i32
        %parallel_loop3A_325 = arith.shli %parallel_loop3A_323, %parallel_loop3A_324 : i32
        %parallel_loop3A_326 = arith.constant 320 : i32
        %parallel_loop3A_327 = arith.addi %parallel_loop3A_131, %parallel_loop3A_326 : i32
        %parallel_loop3A_328 = arith.constant 0 : i32
        %parallel_loop3A_329 = arith.addi %parallel_loop3A_325, %parallel_loop3A_328 : i32
        %parallel_loop3A_330 = arith.index_cast %parallel_loop3A_329 : i32 to index
        %parallel_loop3A_331 = tpu.vector_load %arg5[%parallel_loop3A_330] {strides = array<i32>} : memref<6400xf32, #tpu.memory_space<vmem>>, vector<16xf32>,
        %parallel_loop3A_332 = arith.constant 0 : i32
        %parallel_loop3A_333 = arith.addi %parallel_loop3A_327, %parallel_loop3A_332 : i32
        %parallel_loop3A_334 = arith.index_cast %parallel_loop3A_333 : i32 to index
        %parallel_loop3A_335 = tpu.vector_load %arg7[%parallel_loop3A_334] {strides = array<i32>} : memref<65536xf32, #tpu.memory_space<vmem>>, vector<16xf32>,
        tpu.vector_store %arg7[%parallel_loop3A_334], %parallel_loop3A_331 {strides = array<i32>} : memref<65536xf32, #tpu.memory_space<vmem>>, vector<16xf32>,
        %parallel_loop3A_336 = arith.constant 16 : i32
        %parallel_loop3A_337 = arith.addi %parallel_loop3A_325, %parallel_loop3A_336 : i32
        %parallel_loop3A_338 = arith.index_cast %parallel_loop3A_337 : i32 to index
        %parallel_loop3A_339 = tpu.vector_load %arg5[%parallel_loop3A_338] {strides = array<i32>} : memref<6400xf32, #tpu.memory_space<vmem>>, vector<16xf32>,
        %parallel_loop3A_340 = arith.constant 16 : i32
        %parallel_loop3A_341 = arith.addi %parallel_loop3A_327, %parallel_loop3A_340 : i32
        %parallel_loop3A_342 = arith.index_cast %parallel_loop3A_341 : i32 to index
        %parallel_loop3A_343 = tpu.vector_load %arg7[%parallel_loop3A_342] {strides = array<i32>} : memref<65536xf32, #tpu.memory_space<vmem>>, vector<16xf32>,
        tpu.vector_store %arg7[%parallel_loop3A_342], %parallel_loop3A_339 {strides = array<i32>} : memref<65536xf32, #tpu.memory_space<vmem>>, vector<16xf32>,
        %parallel_loop3A_344 = arith.constant 32 : i32
        %parallel_loop3A_345 = arith.addi %parallel_loop3A_325, %parallel_loop3A_344 : i32
        %parallel_loop3A_346 = arith.index_cast %parallel_loop3A_345 : i32 to index
        %parallel_loop3A_347 = tpu.vector_load %arg5[%parallel_loop3A_346] {strides = array<i32>} : memref<6400xf32, #tpu.memory_space<vmem>>, vector<16xf32>,
        %parallel_loop3A_348 = arith.constant 32 : i32
        %parallel_loop3A_349 = arith.addi %parallel_loop3A_327, %parallel_loop3A_348 : i32
        %parallel_loop3A_350 = arith.index_cast %parallel_loop3A_349 : i32 to index
        %parallel_loop3A_351 = tpu.vector_load %arg7[%parallel_loop3A_350] {strides = array<i32>} : memref<65536xf32, #tpu.memory_space<vmem>>, vector<16xf32>,
        tpu.vector_store %arg7[%parallel_loop3A_350], %parallel_loop3A_347 {strides = array<i32>} : memref<65536xf32, #tpu.memory_space<vmem>>, vector<16xf32>,
        %parallel_loop3A_352 = arith.constant 48 : i32
        %parallel_loop3A_353 = arith.addi %parallel_loop3A_325, %parallel_loop3A_352 : i32
        %parallel_loop3A_354 = arith.index_cast %parallel_loop3A_353 : i32 to index
        %parallel_loop3A_355 = tpu.vector_load %arg5[%parallel_loop3A_354] {strides = array<i32>} : memref<6400xf32, #tpu.memory_space<vmem>>, vector<16xf32>,
        %parallel_loop3A_356 = arith.constant 48 : i32
        %parallel_loop3A_357 = arith.addi %parallel_loop3A_327, %parallel_loop3A_356 : i32
        %parallel_loop3A_358 = arith.index_cast %parallel_loop3A_357 : i32 to index
        %parallel_loop3A_359 = tpu.vector_load %arg7[%parallel_loop3A_358] {strides = array<i32>} : memref<65536xf32, #tpu.memory_space<vmem>>, vector<16xf32>,
        tpu.vector_store %arg7[%parallel_loop3A_358], %parallel_loop3A_355 {strides = array<i32>} : memref<65536xf32, #tpu.memory_space<vmem>>, vector<16xf32>,
        %parallel_loop3A_360 = vector.extract_strided_slice %parallel_loop3A_127 {offsets = [6], sizes = [1], strides = [1]} : vector<16xi32> to vector<1xi32>
        %parallel_loop3A_361 = vector.extract %parallel_loop3A_360[0] : i32 from vector<1xi32>
        %parallel_loop3A_362 = arith.constant 6 : i32
        %parallel_loop3A_363 = arith.shli %parallel_loop3A_361, %parallel_loop3A_362 : i32
        %parallel_loop3A_364 = arith.constant 384 : i32
        %parallel_loop3A_365 = arith.addi %parallel_loop3A_131, %parallel_loop3A_364 : i32
        %parallel_loop3A_366 = arith.constant 0 : i32
        %parallel_loop3A_367 = arith.addi %parallel_loop3A_363, %parallel_loop3A_366 : i32
        %parallel_loop3A_368 = arith.index_cast %parallel_loop3A_367 : i32 to index
        %parallel_loop3A_369 = tpu.vector_load %arg5[%parallel_loop3A_368] {strides = array<i32>} : memref<6400xf32, #tpu.memory_space<vmem>>, vector<16xf32>,
        %parallel_loop3A_370 = arith.constant 0 : i32
        %parallel_loop3A_371 = arith.addi %parallel_loop3A_365, %parallel_loop3A_370 : i32
        %parallel_loop3A_372 = arith.index_cast %parallel_loop3A_371 : i32 to index
        %parallel_loop3A_373 = tpu.vector_load %arg7[%parallel_loop3A_372] {strides = array<i32>} : memref<65536xf32, #tpu.memory_space<vmem>>, vector<16xf32>,
        tpu.vector_store %arg7[%parallel_loop3A_372], %parallel_loop3A_369 {strides = array<i32>} : memref<65536xf32, #tpu.memory_space<vmem>>, vector<16xf32>,
        %parallel_loop3A_374 = arith.constant 16 : i32
        %parallel_loop3A_375 = arith.addi %parallel_loop3A_363, %parallel_loop3A_374 : i32
        %parallel_loop3A_376 = arith.index_cast %parallel_loop3A_375 : i32 to index
        %parallel_loop3A_377 = tpu.vector_load %arg5[%parallel_loop3A_376] {strides = array<i32>} : memref<6400xf32, #tpu.memory_space<vmem>>, vector<16xf32>,
        %parallel_loop3A_378 = arith.constant 16 : i32
        %parallel_loop3A_379 = arith.addi %parallel_loop3A_365, %parallel_loop3A_378 : i32
        %parallel_loop3A_380 = arith.index_cast %parallel_loop3A_379 : i32 to index
        %parallel_loop3A_381 = tpu.vector_load %arg7[%parallel_loop3A_380] {strides = array<i32>} : memref<65536xf32, #tpu.memory_space<vmem>>, vector<16xf32>,
        tpu.vector_store %arg7[%parallel_loop3A_380], %parallel_loop3A_377 {strides = array<i32>} : memref<65536xf32, #tpu.memory_space<vmem>>, vector<16xf32>,
        %parallel_loop3A_382 = arith.constant 32 : i32
        %parallel_loop3A_383 = arith.addi %parallel_loop3A_363, %parallel_loop3A_382 : i32
        %parallel_loop3A_384 = arith.index_cast %parallel_loop3A_383 : i32 to index
        %parallel_loop3A_385 = tpu.vector_load %arg5[%parallel_loop3A_384] {strides = array<i32>} : memref<6400xf32, #tpu.memory_space<vmem>>, vector<16xf32>,
        %parallel_loop3A_386 = arith.constant 32 : i32
        %parallel_loop3A_387 = arith.addi %parallel_loop3A_365, %parallel_loop3A_386 : i32
        %parallel_loop3A_388 = arith.index_cast %parallel_loop3A_387 : i32 to index
        %parallel_loop3A_389 = tpu.vector_load %arg7[%parallel_loop3A_388] {strides = array<i32>} : memref<65536xf32, #tpu.memory_space<vmem>>, vector<16xf32>,
        tpu.vector_store %arg7[%parallel_loop3A_388], %parallel_loop3A_385 {strides = array<i32>} : memref<65536xf32, #tpu.memory_space<vmem>>, vector<16xf32>,
        %parallel_loop3A_390 = arith.constant 48 : i32
        %parallel_loop3A_391 = arith.addi %parallel_loop3A_363, %parallel_loop3A_390 : i32
        %parallel_loop3A_392 = arith.index_cast %parallel_loop3A_391 : i32 to index
        %parallel_loop3A_393 = tpu.vector_load %arg5[%parallel_loop3A_392] {strides = array<i32>} : memref<6400xf32, #tpu.memory_space<vmem>>, vector<16xf32>,
        %parallel_loop3A_394 = arith.constant 48 : i32
        %parallel_loop3A_395 = arith.addi %parallel_loop3A_365, %parallel_loop3A_394 : i32
        %parallel_loop3A_396 = arith.index_cast %parallel_loop3A_395 : i32 to index
        %parallel_loop3A_397 = tpu.vector_load %arg7[%parallel_loop3A_396] {strides = array<i32>} : memref<65536xf32, #tpu.memory_space<vmem>>, vector<16xf32>,
        tpu.vector_store %arg7[%parallel_loop3A_396], %parallel_loop3A_393 {strides = array<i32>} : memref<65536xf32, #tpu.memory_space<vmem>>, vector<16xf32>,
        %parallel_loop3A_398 = vector.extract_strided_slice %parallel_loop3A_127 {offsets = [7], sizes = [1], strides = [1]} : vector<16xi32> to vector<1xi32>
        %parallel_loop3A_399 = vector.extract %parallel_loop3A_398[0] : i32 from vector<1xi32>
        %parallel_loop3A_400 = arith.constant 6 : i32
        %parallel_loop3A_401 = arith.shli %parallel_loop3A_399, %parallel_loop3A_400 : i32
        %parallel_loop3A_402 = arith.constant 448 : i32
        %parallel_loop3A_403 = arith.addi %parallel_loop3A_131, %parallel_loop3A_402 : i32
        %parallel_loop3A_404 = arith.constant 0 : i32
        %parallel_loop3A_405 = arith.addi %parallel_loop3A_401, %parallel_loop3A_404 : i32
        %parallel_loop3A_406 = arith.index_cast %parallel_loop3A_405 : i32 to index
        %parallel_loop3A_407 = tpu.vector_load %arg5[%parallel_loop3A_406] {strides = array<i32>} : memref<6400xf32, #tpu.memory_space<vmem>>, vector<16xf32>,
        %parallel_loop3A_408 = arith.constant 0 : i32
        %parallel_loop3A_409 = arith.addi %parallel_loop3A_403, %parallel_loop3A_408 : i32
        %parallel_loop3A_410 = arith.index_cast %parallel_loop3A_409 : i32 to index
        %parallel_loop3A_411 = tpu.vector_load %arg7[%parallel_loop3A_410] {strides = array<i32>} : memref<65536xf32, #tpu.memory_space<vmem>>, vector<16xf32>,
        tpu.vector_store %arg7[%parallel_loop3A_410], %parallel_loop3A_407 {strides = array<i32>} : memref<65536xf32, #tpu.memory_space<vmem>>, vector<16xf32>,
        %parallel_loop3A_412 = arith.constant 16 : i32
        %parallel_loop3A_413 = arith.addi %parallel_loop3A_401, %parallel_loop3A_412 : i32
        %parallel_loop3A_414 = arith.index_cast %parallel_loop3A_413 : i32 to index
        %parallel_loop3A_415 = tpu.vector_load %arg5[%parallel_loop3A_414] {strides = array<i32>} : memref<6400xf32, #tpu.memory_space<vmem>>, vector<16xf32>,
        %parallel_loop3A_416 = arith.constant 16 : i32
        %parallel_loop3A_417 = arith.addi %parallel_loop3A_403, %parallel_loop3A_416 : i32
        %parallel_loop3A_418 = arith.index_cast %parallel_loop3A_417 : i32 to index
        %parallel_loop3A_419 = tpu.vector_load %arg7[%parallel_loop3A_418] {strides = array<i32>} : memref<65536xf32, #tpu.memory_space<vmem>>, vector<16xf32>,
        tpu.vector_store %arg7[%parallel_loop3A_418], %parallel_loop3A_415 {strides = array<i32>} : memref<65536xf32, #tpu.memory_space<vmem>>, vector<16xf32>,
        %parallel_loop3A_420 = arith.constant 32 : i32
        %parallel_loop3A_421 = arith.addi %parallel_loop3A_401, %parallel_loop3A_420 : i32
        %parallel_loop3A_422 = arith.index_cast %parallel_loop3A_421 : i32 to index
        %parallel_loop3A_423 = tpu.vector_load %arg5[%parallel_loop3A_422] {strides = array<i32>} : memref<6400xf32, #tpu.memory_space<vmem>>, vector<16xf32>,
        %parallel_loop3A_424 = arith.constant 32 : i32
        %parallel_loop3A_425 = arith.addi %parallel_loop3A_403, %parallel_loop3A_424 : i32
        %parallel_loop3A_426 = arith.index_cast %parallel_loop3A_425 : i32 to index
        %parallel_loop3A_427 = tpu.vector_load %arg7[%parallel_loop3A_426] {strides = array<i32>} : memref<65536xf32, #tpu.memory_space<vmem>>, vector<16xf32>,
        tpu.vector_store %arg7[%parallel_loop3A_426], %parallel_loop3A_423 {strides = array<i32>} : memref<65536xf32, #tpu.memory_space<vmem>>, vector<16xf32>,
        %parallel_loop3A_428 = arith.constant 48 : i32
        %parallel_loop3A_429 = arith.addi %parallel_loop3A_401, %parallel_loop3A_428 : i32
        %parallel_loop3A_430 = arith.index_cast %parallel_loop3A_429 : i32 to index
        %parallel_loop3A_431 = tpu.vector_load %arg5[%parallel_loop3A_430] {strides = array<i32>} : memref<6400xf32, #tpu.memory_space<vmem>>, vector<16xf32>,
        %parallel_loop3A_432 = arith.constant 48 : i32
        %parallel_loop3A_433 = arith.addi %parallel_loop3A_403, %parallel_loop3A_432 : i32
        %parallel_loop3A_434 = arith.index_cast %parallel_loop3A_433 : i32 to index
        %parallel_loop3A_435 = tpu.vector_load %arg7[%parallel_loop3A_434] {strides = array<i32>} : memref<65536xf32, #tpu.memory_space<vmem>>, vector<16xf32>,
        tpu.vector_store %arg7[%parallel_loop3A_434], %parallel_loop3A_431 {strides = array<i32>} : memref<65536xf32, #tpu.memory_space<vmem>>, vector<16xf32>,
        %parallel_loop3A_436 = vector.extract_strided_slice %parallel_loop3A_127 {offsets = [8], sizes = [1], strides = [1]} : vector<16xi32> to vector<1xi32>
        %parallel_loop3A_437 = vector.extract %parallel_loop3A_436[0] : i32 from vector<1xi32>
        %parallel_loop3A_438 = arith.constant 6 : i32
        %parallel_loop3A_439 = arith.shli %parallel_loop3A_437, %parallel_loop3A_438 : i32
        %parallel_loop3A_440 = arith.constant 512 : i32
        %parallel_loop3A_441 = arith.addi %parallel_loop3A_131, %parallel_loop3A_440 : i32
        %parallel_loop3A_442 = arith.constant 0 : i32
        %parallel_loop3A_443 = arith.addi %parallel_loop3A_439, %parallel_loop3A_442 : i32
        %parallel_loop3A_444 = arith.index_cast %parallel_loop3A_443 : i32 to index
        %parallel_loop3A_445 = tpu.vector_load %arg5[%parallel_loop3A_444] {strides = array<i32>} : memref<6400xf32, #tpu.memory_space<vmem>>, vector<16xf32>,
        %parallel_loop3A_446 = arith.constant 0 : i32
        %parallel_loop3A_447 = arith.addi %parallel_loop3A_441, %parallel_loop3A_446 : i32
        %parallel_loop3A_448 = arith.index_cast %parallel_loop3A_447 : i32 to index
        %parallel_loop3A_449 = tpu.vector_load %arg7[%parallel_loop3A_448] {strides = array<i32>} : memref<65536xf32, #tpu.memory_space<vmem>>, vector<16xf32>,
        tpu.vector_store %arg7[%parallel_loop3A_448], %parallel_loop3A_445 {strides = array<i32>} : memref<65536xf32, #tpu.memory_space<vmem>>, vector<16xf32>,
        %parallel_loop3A_450 = arith.constant 16 : i32
        %parallel_loop3A_451 = arith.addi %parallel_loop3A_439, %parallel_loop3A_450 : i32
        %parallel_loop3A_452 = arith.index_cast %parallel_loop3A_451 : i32 to index
        %parallel_loop3A_453 = tpu.vector_load %arg5[%parallel_loop3A_452] {strides = array<i32>} : memref<6400xf32, #tpu.memory_space<vmem>>, vector<16xf32>,
        %parallel_loop3A_454 = arith.constant 16 : i32
        %parallel_loop3A_455 = arith.addi %parallel_loop3A_441, %parallel_loop3A_454 : i32
        %parallel_loop3A_456 = arith.index_cast %parallel_loop3A_455 : i32 to index
        %parallel_loop3A_457 = tpu.vector_load %arg7[%parallel_loop3A_456] {strides = array<i32>} : memref<65536xf32, #tpu.memory_space<vmem>>, vector<16xf32>,
        tpu.vector_store %arg7[%parallel_loop3A_456], %parallel_loop3A_453 {strides = array<i32>} : memref<65536xf32, #tpu.memory_space<vmem>>, vector<16xf32>,
        %parallel_loop3A_458 = arith.constant 32 : i32
        %parallel_loop3A_459 = arith.addi %parallel_loop3A_439, %parallel_loop3A_458 : i32
        %parallel_loop3A_460 = arith.index_cast %parallel_loop3A_459 : i32 to index
        %parallel_loop3A_461 = tpu.vector_load %arg5[%parallel_loop3A_460] {strides = array<i32>} : memref<6400xf32, #tpu.memory_space<vmem>>, vector<16xf32>,
        %parallel_loop3A_462 = arith.constant 32 : i32
        %parallel_loop3A_463 = arith.addi %parallel_loop3A_441, %parallel_loop3A_462 : i32
        %parallel_loop3A_464 = arith.index_cast %parallel_loop3A_463 : i32 to index
        %parallel_loop3A_465 = tpu.vector_load %arg7[%parallel_loop3A_464] {strides = array<i32>} : memref<65536xf32, #tpu.memory_space<vmem>>, vector<16xf32>,
        tpu.vector_store %arg7[%parallel_loop3A_464], %parallel_loop3A_461 {strides = array<i32>} : memref<65536xf32, #tpu.memory_space<vmem>>, vector<16xf32>,
        %parallel_loop3A_466 = arith.constant 48 : i32
        %parallel_loop3A_467 = arith.addi %parallel_loop3A_439, %parallel_loop3A_466 : i32
        %parallel_loop3A_468 = arith.index_cast %parallel_loop3A_467 : i32 to index
        %parallel_loop3A_469 = tpu.vector_load %arg5[%parallel_loop3A_468] {strides = array<i32>} : memref<6400xf32, #tpu.memory_space<vmem>>, vector<16xf32>,
        %parallel_loop3A_470 = arith.constant 48 : i32
        %parallel_loop3A_471 = arith.addi %parallel_loop3A_441, %parallel_loop3A_470 : i32
        %parallel_loop3A_472 = arith.index_cast %parallel_loop3A_471 : i32 to index
        %parallel_loop3A_473 = tpu.vector_load %arg7[%parallel_loop3A_472] {strides = array<i32>} : memref<65536xf32, #tpu.memory_space<vmem>>, vector<16xf32>,
        tpu.vector_store %arg7[%parallel_loop3A_472], %parallel_loop3A_469 {strides = array<i32>} : memref<65536xf32, #tpu.memory_space<vmem>>, vector<16xf32>,
        %parallel_loop3A_474 = vector.extract_strided_slice %parallel_loop3A_127 {offsets = [9], sizes = [1], strides = [1]} : vector<16xi32> to vector<1xi32>
        %parallel_loop3A_475 = vector.extract %parallel_loop3A_474[0] : i32 from vector<1xi32>
        %parallel_loop3A_476 = arith.constant 6 : i32
        %parallel_loop3A_477 = arith.shli %parallel_loop3A_475, %parallel_loop3A_476 : i32
        %parallel_loop3A_478 = arith.constant 576 : i32
        %parallel_loop3A_479 = arith.addi %parallel_loop3A_131, %parallel_loop3A_478 : i32
        %parallel_loop3A_480 = arith.constant 0 : i32
        %parallel_loop3A_481 = arith.addi %parallel_loop3A_477, %parallel_loop3A_480 : i32
        %parallel_loop3A_482 = arith.index_cast %parallel_loop3A_481 : i32 to index
        %parallel_loop3A_483 = tpu.vector_load %arg5[%parallel_loop3A_482] {strides = array<i32>} : memref<6400xf32, #tpu.memory_space<vmem>>, vector<16xf32>,
        %parallel_loop3A_484 = arith.constant 0 : i32
        %parallel_loop3A_485 = arith.addi %parallel_loop3A_479, %parallel_loop3A_484 : i32
        %parallel_loop3A_486 = arith.index_cast %parallel_loop3A_485 : i32 to index
        %parallel_loop3A_487 = tpu.vector_load %arg7[%parallel_loop3A_486] {strides = array<i32>} : memref<65536xf32, #tpu.memory_space<vmem>>, vector<16xf32>,
        tpu.vector_store %arg7[%parallel_loop3A_486], %parallel_loop3A_483 {strides = array<i32>} : memref<65536xf32, #tpu.memory_space<vmem>>, vector<16xf32>,
        %parallel_loop3A_488 = arith.constant 16 : i32
        %parallel_loop3A_489 = arith.addi %parallel_loop3A_477, %parallel_loop3A_488 : i32
        %parallel_loop3A_490 = arith.index_cast %parallel_loop3A_489 : i32 to index
        %parallel_loop3A_491 = tpu.vector_load %arg5[%parallel_loop3A_490] {strides = array<i32>} : memref<6400xf32, #tpu.memory_space<vmem>>, vector<16xf32>,
        %parallel_loop3A_492 = arith.constant 16 : i32
        %parallel_loop3A_493 = arith.addi %parallel_loop3A_479, %parallel_loop3A_492 : i32
        %parallel_loop3A_494 = arith.index_cast %parallel_loop3A_493 : i32 to index
        %parallel_loop3A_495 = tpu.vector_load %arg7[%parallel_loop3A_494] {strides = array<i32>} : memref<65536xf32, #tpu.memory_space<vmem>>, vector<16xf32>,
        tpu.vector_store %arg7[%parallel_loop3A_494], %parallel_loop3A_491 {strides = array<i32>} : memref<65536xf32, #tpu.memory_space<vmem>>, vector<16xf32>,
        %parallel_loop3A_496 = arith.constant 32 : i32
        %parallel_loop3A_497 = arith.addi %parallel_loop3A_477, %parallel_loop3A_496 : i32
        %parallel_loop3A_498 = arith.index_cast %parallel_loop3A_497 : i32 to index
        %parallel_loop3A_499 = tpu.vector_load %arg5[%parallel_loop3A_498] {strides = array<i32>} : memref<6400xf32, #tpu.memory_space<vmem>>, vector<16xf32>,
        %parallel_loop3A_500 = arith.constant 32 : i32
        %parallel_loop3A_501 = arith.addi %parallel_loop3A_479, %parallel_loop3A_500 : i32
        %parallel_loop3A_502 = arith.index_cast %parallel_loop3A_501 : i32 to index
        %parallel_loop3A_503 = tpu.vector_load %arg7[%parallel_loop3A_502] {strides = array<i32>} : memref<65536xf32, #tpu.memory_space<vmem>>, vector<16xf32>,
        tpu.vector_store %arg7[%parallel_loop3A_502], %parallel_loop3A_499 {strides = array<i32>} : memref<65536xf32, #tpu.memory_space<vmem>>, vector<16xf32>,
        %parallel_loop3A_504 = arith.constant 48 : i32
        %parallel_loop3A_505 = arith.addi %parallel_loop3A_477, %parallel_loop3A_504 : i32
        %parallel_loop3A_506 = arith.index_cast %parallel_loop3A_505 : i32 to index
        %parallel_loop3A_507 = tpu.vector_load %arg5[%parallel_loop3A_506] {strides = array<i32>} : memref<6400xf32, #tpu.memory_space<vmem>>, vector<16xf32>,
        %parallel_loop3A_508 = arith.constant 48 : i32
        %parallel_loop3A_509 = arith.addi %parallel_loop3A_479, %parallel_loop3A_508 : i32
        %parallel_loop3A_510 = arith.index_cast %parallel_loop3A_509 : i32 to index
        %parallel_loop3A_511 = tpu.vector_load %arg7[%parallel_loop3A_510] {strides = array<i32>} : memref<65536xf32, #tpu.memory_space<vmem>>, vector<16xf32>,
        tpu.vector_store %arg7[%parallel_loop3A_510], %parallel_loop3A_507 {strides = array<i32>} : memref<65536xf32, #tpu.memory_space<vmem>>, vector<16xf32>,
        %parallel_loop3A_512 = vector.extract_strided_slice %parallel_loop3A_127 {offsets = [10], sizes = [1], strides = [1]} : vector<16xi32> to vector<1xi32>
        %parallel_loop3A_513 = vector.extract %parallel_loop3A_512[0] : i32 from vector<1xi32>
        %parallel_loop3A_514 = arith.constant 6 : i32
        %parallel_loop3A_515 = arith.shli %parallel_loop3A_513, %parallel_loop3A_514 : i32
        %parallel_loop3A_516 = arith.constant 640 : i32
        %parallel_loop3A_517 = arith.addi %parallel_loop3A_131, %parallel_loop3A_516 : i32
        %parallel_loop3A_518 = arith.constant 0 : i32
        %parallel_loop3A_519 = arith.addi %parallel_loop3A_515, %parallel_loop3A_518 : i32
        %parallel_loop3A_520 = arith.index_cast %parallel_loop3A_519 : i32 to index
        %parallel_loop3A_521 = tpu.vector_load %arg5[%parallel_loop3A_520] {strides = array<i32>} : memref<6400xf32, #tpu.memory_space<vmem>>, vector<16xf32>,
        %parallel_loop3A_522 = arith.constant 0 : i32
        %parallel_loop3A_523 = arith.addi %parallel_loop3A_517, %parallel_loop3A_522 : i32
        %parallel_loop3A_524 = arith.index_cast %parallel_loop3A_523 : i32 to index
        %parallel_loop3A_525 = tpu.vector_load %arg7[%parallel_loop3A_524] {strides = array<i32>} : memref<65536xf32, #tpu.memory_space<vmem>>, vector<16xf32>,
        tpu.vector_store %arg7[%parallel_loop3A_524], %parallel_loop3A_521 {strides = array<i32>} : memref<65536xf32, #tpu.memory_space<vmem>>, vector<16xf32>,
        %parallel_loop3A_526 = arith.constant 16 : i32
        %parallel_loop3A_527 = arith.addi %parallel_loop3A_515, %parallel_loop3A_526 : i32
        %parallel_loop3A_528 = arith.index_cast %parallel_loop3A_527 : i32 to index
        %parallel_loop3A_529 = tpu.vector_load %arg5[%parallel_loop3A_528] {strides = array<i32>} : memref<6400xf32, #tpu.memory_space<vmem>>, vector<16xf32>,
        %parallel_loop3A_530 = arith.constant 16 : i32
        %parallel_loop3A_531 = arith.addi %parallel_loop3A_517, %parallel_loop3A_530 : i32
        %parallel_loop3A_532 = arith.index_cast %parallel_loop3A_531 : i32 to index
        %parallel_loop3A_533 = tpu.vector_load %arg7[%parallel_loop3A_532] {strides = array<i32>} : memref<65536xf32, #tpu.memory_space<vmem>>, vector<16xf32>,
        tpu.vector_store %arg7[%parallel_loop3A_532], %parallel_loop3A_529 {strides = array<i32>} : memref<65536xf32, #tpu.memory_space<vmem>>, vector<16xf32>,
        %parallel_loop3A_534 = arith.constant 32 : i32
        %parallel_loop3A_535 = arith.addi %parallel_loop3A_515, %parallel_loop3A_534 : i32
        %parallel_loop3A_536 = arith.index_cast %parallel_loop3A_535 : i32 to index
        %parallel_loop3A_537 = tpu.vector_load %arg5[%parallel_loop3A_536] {strides = array<i32>} : memref<6400xf32, #tpu.memory_space<vmem>>, vector<16xf32>,
        %parallel_loop3A_538 = arith.constant 32 : i32
        %parallel_loop3A_539 = arith.addi %parallel_loop3A_517, %parallel_loop3A_538 : i32
        %parallel_loop3A_540 = arith.index_cast %parallel_loop3A_539 : i32 to index
        %parallel_loop3A_541 = tpu.vector_load %arg7[%parallel_loop3A_540] {strides = array<i32>} : memref<65536xf32, #tpu.memory_space<vmem>>, vector<16xf32>,
        tpu.vector_store %arg7[%parallel_loop3A_540], %parallel_loop3A_537 {strides = array<i32>} : memref<65536xf32, #tpu.memory_space<vmem>>, vector<16xf32>,
        %parallel_loop3A_542 = arith.constant 48 : i32
        %parallel_loop3A_543 = arith.addi %parallel_loop3A_515, %parallel_loop3A_542 : i32
        %parallel_loop3A_544 = arith.index_cast %parallel_loop3A_543 : i32 to index
        %parallel_loop3A_545 = tpu.vector_load %arg5[%parallel_loop3A_544] {strides = array<i32>} : memref<6400xf32, #tpu.memory_space<vmem>>, vector<16xf32>,
        %parallel_loop3A_546 = arith.constant 48 : i32
        %parallel_loop3A_547 = arith.addi %parallel_loop3A_517, %parallel_loop3A_546 : i32
        %parallel_loop3A_548 = arith.index_cast %parallel_loop3A_547 : i32 to index
        %parallel_loop3A_549 = tpu.vector_load %arg7[%parallel_loop3A_548] {strides = array<i32>} : memref<65536xf32, #tpu.memory_space<vmem>>, vector<16xf32>,
        tpu.vector_store %arg7[%parallel_loop3A_548], %parallel_loop3A_545 {strides = array<i32>} : memref<65536xf32, #tpu.memory_space<vmem>>, vector<16xf32>,
        %parallel_loop3A_550 = vector.extract_strided_slice %parallel_loop3A_127 {offsets = [11], sizes = [1], strides = [1]} : vector<16xi32> to vector<1xi32>
        %parallel_loop3A_551 = vector.extract %parallel_loop3A_550[0] : i32 from vector<1xi32>
        %parallel_loop3A_552 = arith.constant 6 : i32
        %parallel_loop3A_553 = arith.shli %parallel_loop3A_551, %parallel_loop3A_552 : i32
        %parallel_loop3A_554 = arith.constant 704 : i32
        %parallel_loop3A_555 = arith.addi %parallel_loop3A_131, %parallel_loop3A_554 : i32
        %parallel_loop3A_556 = arith.constant 0 : i32
        %parallel_loop3A_557 = arith.addi %parallel_loop3A_553, %parallel_loop3A_556 : i32
        %parallel_loop3A_558 = arith.index_cast %parallel_loop3A_557 : i32 to index
        %parallel_loop3A_559 = tpu.vector_load %arg5[%parallel_loop3A_558] {strides = array<i32>} : memref<6400xf32, #tpu.memory_space<vmem>>, vector<16xf32>,
        %parallel_loop3A_560 = arith.constant 0 : i32
        %parallel_loop3A_561 = arith.addi %parallel_loop3A_555, %parallel_loop3A_560 : i32
        %parallel_loop3A_562 = arith.index_cast %parallel_loop3A_561 : i32 to index
        %parallel_loop3A_563 = tpu.vector_load %arg7[%parallel_loop3A_562] {strides = array<i32>} : memref<65536xf32, #tpu.memory_space<vmem>>, vector<16xf32>,
        tpu.vector_store %arg7[%parallel_loop3A_562], %parallel_loop3A_559 {strides = array<i32>} : memref<65536xf32, #tpu.memory_space<vmem>>, vector<16xf32>,
        %parallel_loop3A_564 = arith.constant 16 : i32
        %parallel_loop3A_565 = arith.addi %parallel_loop3A_553, %parallel_loop3A_564 : i32
        %parallel_loop3A_566 = arith.index_cast %parallel_loop3A_565 : i32 to index
        %parallel_loop3A_567 = tpu.vector_load %arg5[%parallel_loop3A_566] {strides = array<i32>} : memref<6400xf32, #tpu.memory_space<vmem>>, vector<16xf32>,
        %parallel_loop3A_568 = arith.constant 16 : i32
        %parallel_loop3A_569 = arith.addi %parallel_loop3A_555, %parallel_loop3A_568 : i32
        %parallel_loop3A_570 = arith.index_cast %parallel_loop3A_569 : i32 to index
        %parallel_loop3A_571 = tpu.vector_load %arg7[%parallel_loop3A_570] {strides = array<i32>} : memref<65536xf32, #tpu.memory_space<vmem>>, vector<16xf32>,
        tpu.vector_store %arg7[%parallel_loop3A_570], %parallel_loop3A_567 {strides = array<i32>} : memref<65536xf32, #tpu.memory_space<vmem>>, vector<16xf32>,
        %parallel_loop3A_572 = arith.constant 32 : i32
        %parallel_loop3A_573 = arith.addi %parallel_loop3A_553, %parallel_loop3A_572 : i32
        %parallel_loop3A_574 = arith.index_cast %parallel_loop3A_573 : i32 to index
        %parallel_loop3A_575 = tpu.vector_load %arg5[%parallel_loop3A_574] {strides = array<i32>} : memref<6400xf32, #tpu.memory_space<vmem>>, vector<16xf32>,
        %parallel_loop3A_576 = arith.constant 32 : i32
        %parallel_loop3A_577 = arith.addi %parallel_loop3A_555, %parallel_loop3A_576 : i32
        %parallel_loop3A_578 = arith.index_cast %parallel_loop3A_577 : i32 to index
        %parallel_loop3A_579 = tpu.vector_load %arg7[%parallel_loop3A_578] {strides = array<i32>} : memref<65536xf32, #tpu.memory_space<vmem>>, vector<16xf32>,
        tpu.vector_store %arg7[%parallel_loop3A_578], %parallel_loop3A_575 {strides = array<i32>} : memref<65536xf32, #tpu.memory_space<vmem>>, vector<16xf32>,
        %parallel_loop3A_580 = arith.constant 48 : i32
        %parallel_loop3A_581 = arith.addi %parallel_loop3A_553, %parallel_loop3A_580 : i32
        %parallel_loop3A_582 = arith.index_cast %parallel_loop3A_581 : i32 to index
        %parallel_loop3A_583 = tpu.vector_load %arg5[%parallel_loop3A_582] {strides = array<i32>} : memref<6400xf32, #tpu.memory_space<vmem>>, vector<16xf32>,
        %parallel_loop3A_584 = arith.constant 48 : i32
        %parallel_loop3A_585 = arith.addi %parallel_loop3A_555, %parallel_loop3A_584 : i32
        %parallel_loop3A_586 = arith.index_cast %parallel_loop3A_585 : i32 to index
        %parallel_loop3A_587 = tpu.vector_load %arg7[%parallel_loop3A_586] {strides = array<i32>} : memref<65536xf32, #tpu.memory_space<vmem>>, vector<16xf32>,
        tpu.vector_store %arg7[%parallel_loop3A_586], %parallel_loop3A_583 {strides = array<i32>} : memref<65536xf32, #tpu.memory_space<vmem>>, vector<16xf32>,
        %parallel_loop3A_588 = vector.extract_strided_slice %parallel_loop3A_127 {offsets = [12], sizes = [1], strides = [1]} : vector<16xi32> to vector<1xi32>
        %parallel_loop3A_589 = vector.extract %parallel_loop3A_588[0] : i32 from vector<1xi32>
        %parallel_loop3A_590 = arith.constant 6 : i32
        %parallel_loop3A_591 = arith.shli %parallel_loop3A_589, %parallel_loop3A_590 : i32
        %parallel_loop3A_592 = arith.constant 768 : i32
        %parallel_loop3A_593 = arith.addi %parallel_loop3A_131, %parallel_loop3A_592 : i32
        %parallel_loop3A_594 = arith.constant 0 : i32
        %parallel_loop3A_595 = arith.addi %parallel_loop3A_591, %parallel_loop3A_594 : i32
        %parallel_loop3A_596 = arith.index_cast %parallel_loop3A_595 : i32 to index
        %parallel_loop3A_597 = tpu.vector_load %arg5[%parallel_loop3A_596] {strides = array<i32>} : memref<6400xf32, #tpu.memory_space<vmem>>, vector<16xf32>,
        %parallel_loop3A_598 = arith.constant 0 : i32
        %parallel_loop3A_599 = arith.addi %parallel_loop3A_593, %parallel_loop3A_598 : i32
        %parallel_loop3A_600 = arith.index_cast %parallel_loop3A_599 : i32 to index
        %parallel_loop3A_601 = tpu.vector_load %arg7[%parallel_loop3A_600] {strides = array<i32>} : memref<65536xf32, #tpu.memory_space<vmem>>, vector<16xf32>,
        tpu.vector_store %arg7[%parallel_loop3A_600], %parallel_loop3A_597 {strides = array<i32>} : memref<65536xf32, #tpu.memory_space<vmem>>, vector<16xf32>,
        %parallel_loop3A_602 = arith.constant 16 : i32
        %parallel_loop3A_603 = arith.addi %parallel_loop3A_591, %parallel_loop3A_602 : i32
        %parallel_loop3A_604 = arith.index_cast %parallel_loop3A_603 : i32 to index
        %parallel_loop3A_605 = tpu.vector_load %arg5[%parallel_loop3A_604] {strides = array<i32>} : memref<6400xf32, #tpu.memory_space<vmem>>, vector<16xf32>,
        %parallel_loop3A_606 = arith.constant 16 : i32
        %parallel_loop3A_607 = arith.addi %parallel_loop3A_593, %parallel_loop3A_606 : i32
        %parallel_loop3A_608 = arith.index_cast %parallel_loop3A_607 : i32 to index
        %parallel_loop3A_609 = tpu.vector_load %arg7[%parallel_loop3A_608] {strides = array<i32>} : memref<65536xf32, #tpu.memory_space<vmem>>, vector<16xf32>,
        tpu.vector_store %arg7[%parallel_loop3A_608], %parallel_loop3A_605 {strides = array<i32>} : memref<65536xf32, #tpu.memory_space<vmem>>, vector<16xf32>,
        %parallel_loop3A_610 = arith.constant 32 : i32
        %parallel_loop3A_611 = arith.addi %parallel_loop3A_591, %parallel_loop3A_610 : i32
        %parallel_loop3A_612 = arith.index_cast %parallel_loop3A_611 : i32 to index
        %parallel_loop3A_613 = tpu.vector_load %arg5[%parallel_loop3A_612] {strides = array<i32>} : memref<6400xf32, #tpu.memory_space<vmem>>, vector<16xf32>,
        %parallel_loop3A_614 = arith.constant 32 : i32
        %parallel_loop3A_615 = arith.addi %parallel_loop3A_593, %parallel_loop3A_614 : i32
        %parallel_loop3A_616 = arith.index_cast %parallel_loop3A_615 : i32 to index
        %parallel_loop3A_617 = tpu.vector_load %arg7[%parallel_loop3A_616] {strides = array<i32>} : memref<65536xf32, #tpu.memory_space<vmem>>, vector<16xf32>,
        tpu.vector_store %arg7[%parallel_loop3A_616], %parallel_loop3A_613 {strides = array<i32>} : memref<65536xf32, #tpu.memory_space<vmem>>, vector<16xf32>,
        %parallel_loop3A_618 = arith.constant 48 : i32
        %parallel_loop3A_619 = arith.addi %parallel_loop3A_591, %parallel_loop3A_618 : i32
        %parallel_loop3A_620 = arith.index_cast %parallel_loop3A_619 : i32 to index
        %parallel_loop3A_621 = tpu.vector_load %arg5[%parallel_loop3A_620] {strides = array<i32>} : memref<6400xf32, #tpu.memory_space<vmem>>, vector<16xf32>,
        %parallel_loop3A_622 = arith.constant 48 : i32
        %parallel_loop3A_623 = arith.addi %parallel_loop3A_593, %parallel_loop3A_622 : i32
        %parallel_loop3A_624 = arith.index_cast %parallel_loop3A_623 : i32 to index
        %parallel_loop3A_625 = tpu.vector_load %arg7[%parallel_loop3A_624] {strides = array<i32>} : memref<65536xf32, #tpu.memory_space<vmem>>, vector<16xf32>,
        tpu.vector_store %arg7[%parallel_loop3A_624], %parallel_loop3A_621 {strides = array<i32>} : memref<65536xf32, #tpu.memory_space<vmem>>, vector<16xf32>,
        %parallel_loop3A_626 = vector.extract_strided_slice %parallel_loop3A_127 {offsets = [13], sizes = [1], strides = [1]} : vector<16xi32> to vector<1xi32>
        %parallel_loop3A_627 = vector.extract %parallel_loop3A_626[0] : i32 from vector<1xi32>
        %parallel_loop3A_628 = arith.constant 6 : i32
        %parallel_loop3A_629 = arith.shli %parallel_loop3A_627, %parallel_loop3A_628 : i32
        %parallel_loop3A_630 = arith.constant 832 : i32
        %parallel_loop3A_631 = arith.addi %parallel_loop3A_131, %parallel_loop3A_630 : i32
        %parallel_loop3A_632 = arith.constant 0 : i32
        %parallel_loop3A_633 = arith.addi %parallel_loop3A_629, %parallel_loop3A_632 : i32
        %parallel_loop3A_634 = arith.index_cast %parallel_loop3A_633 : i32 to index
        %parallel_loop3A_635 = tpu.vector_load %arg5[%parallel_loop3A_634] {strides = array<i32>} : memref<6400xf32, #tpu.memory_space<vmem>>, vector<16xf32>,
        %parallel_loop3A_636 = arith.constant 0 : i32
        %parallel_loop3A_637 = arith.addi %parallel_loop3A_631, %parallel_loop3A_636 : i32
        %parallel_loop3A_638 = arith.index_cast %parallel_loop3A_637 : i32 to index
        %parallel_loop3A_639 = tpu.vector_load %arg7[%parallel_loop3A_638] {strides = array<i32>} : memref<65536xf32, #tpu.memory_space<vmem>>, vector<16xf32>,
        tpu.vector_store %arg7[%parallel_loop3A_638], %parallel_loop3A_635 {strides = array<i32>} : memref<65536xf32, #tpu.memory_space<vmem>>, vector<16xf32>,
        %parallel_loop3A_640 = arith.constant 16 : i32
        %parallel_loop3A_641 = arith.addi %parallel_loop3A_629, %parallel_loop3A_640 : i32
        %parallel_loop3A_642 = arith.index_cast %parallel_loop3A_641 : i32 to index
        %parallel_loop3A_643 = tpu.vector_load %arg5[%parallel_loop3A_642] {strides = array<i32>} : memref<6400xf32, #tpu.memory_space<vmem>>, vector<16xf32>,
        %parallel_loop3A_644 = arith.constant 16 : i32
        %parallel_loop3A_645 = arith.addi %parallel_loop3A_631, %parallel_loop3A_644 : i32
        %parallel_loop3A_646 = arith.index_cast %parallel_loop3A_645 : i32 to index
        %parallel_loop3A_647 = tpu.vector_load %arg7[%parallel_loop3A_646] {strides = array<i32>} : memref<65536xf32, #tpu.memory_space<vmem>>, vector<16xf32>,
        tpu.vector_store %arg7[%parallel_loop3A_646], %parallel_loop3A_643 {strides = array<i32>} : memref<65536xf32, #tpu.memory_space<vmem>>, vector<16xf32>,
        %parallel_loop3A_648 = arith.constant 32 : i32
        %parallel_loop3A_649 = arith.addi %parallel_loop3A_629, %parallel_loop3A_648 : i32
        %parallel_loop3A_650 = arith.index_cast %parallel_loop3A_649 : i32 to index
        %parallel_loop3A_651 = tpu.vector_load %arg5[%parallel_loop3A_650] {strides = array<i32>} : memref<6400xf32, #tpu.memory_space<vmem>>, vector<16xf32>,
        %parallel_loop3A_652 = arith.constant 32 : i32
        %parallel_loop3A_653 = arith.addi %parallel_loop3A_631, %parallel_loop3A_652 : i32
        %parallel_loop3A_654 = arith.index_cast %parallel_loop3A_653 : i32 to index
        %parallel_loop3A_655 = tpu.vector_load %arg7[%parallel_loop3A_654] {strides = array<i32>} : memref<65536xf32, #tpu.memory_space<vmem>>, vector<16xf32>,
        tpu.vector_store %arg7[%parallel_loop3A_654], %parallel_loop3A_651 {strides = array<i32>} : memref<65536xf32, #tpu.memory_space<vmem>>, vector<16xf32>,
        %parallel_loop3A_656 = arith.constant 48 : i32
        %parallel_loop3A_657 = arith.addi %parallel_loop3A_629, %parallel_loop3A_656 : i32
        %parallel_loop3A_658 = arith.index_cast %parallel_loop3A_657 : i32 to index
        %parallel_loop3A_659 = tpu.vector_load %arg5[%parallel_loop3A_658] {strides = array<i32>} : memref<6400xf32, #tpu.memory_space<vmem>>, vector<16xf32>,
        %parallel_loop3A_660 = arith.constant 48 : i32
        %parallel_loop3A_661 = arith.addi %parallel_loop3A_631, %parallel_loop3A_660 : i32
        %parallel_loop3A_662 = arith.index_cast %parallel_loop3A_661 : i32 to index
        %parallel_loop3A_663 = tpu.vector_load %arg7[%parallel_loop3A_662] {strides = array<i32>} : memref<65536xf32, #tpu.memory_space<vmem>>, vector<16xf32>,
        tpu.vector_store %arg7[%parallel_loop3A_662], %parallel_loop3A_659 {strides = array<i32>} : memref<65536xf32, #tpu.memory_space<vmem>>, vector<16xf32>,
        %parallel_loop3A_664 = vector.extract_strided_slice %parallel_loop3A_127 {offsets = [14], sizes = [1], strides = [1]} : vector<16xi32> to vector<1xi32>
        %parallel_loop3A_665 = vector.extract %parallel_loop3A_664[0] : i32 from vector<1xi32>
        %parallel_loop3A_666 = arith.constant 6 : i32
        %parallel_loop3A_667 = arith.shli %parallel_loop3A_665, %parallel_loop3A_666 : i32
        %parallel_loop3A_668 = arith.constant 896 : i32
        %parallel_loop3A_669 = arith.addi %parallel_loop3A_131, %parallel_loop3A_668 : i32
        %parallel_loop3A_670 = arith.constant 0 : i32
        %parallel_loop3A_671 = arith.addi %parallel_loop3A_667, %parallel_loop3A_670 : i32
        %parallel_loop3A_672 = arith.index_cast %parallel_loop3A_671 : i32 to index
        %parallel_loop3A_673 = tpu.vector_load %arg5[%parallel_loop3A_672] {strides = array<i32>} : memref<6400xf32, #tpu.memory_space<vmem>>, vector<16xf32>,
        %parallel_loop3A_674 = arith.constant 0 : i32
        %parallel_loop3A_675 = arith.addi %parallel_loop3A_669, %parallel_loop3A_674 : i32
        %parallel_loop3A_676 = arith.index_cast %parallel_loop3A_675 : i32 to index
        %parallel_loop3A_677 = tpu.vector_load %arg7[%parallel_loop3A_676] {strides = array<i32>} : memref<65536xf32, #tpu.memory_space<vmem>>, vector<16xf32>,
        tpu.vector_store %arg7[%parallel_loop3A_676], %parallel_loop3A_673 {strides = array<i32>} : memref<65536xf32, #tpu.memory_space<vmem>>, vector<16xf32>,
        %parallel_loop3A_678 = arith.constant 16 : i32
        %parallel_loop3A_679 = arith.addi %parallel_loop3A_667, %parallel_loop3A_678 : i32
        %parallel_loop3A_680 = arith.index_cast %parallel_loop3A_679 : i32 to index
        %parallel_loop3A_681 = tpu.vector_load %arg5[%parallel_loop3A_680] {strides = array<i32>} : memref<6400xf32, #tpu.memory_space<vmem>>, vector<16xf32>,
        %parallel_loop3A_682 = arith.constant 16 : i32
        %parallel_loop3A_683 = arith.addi %parallel_loop3A_669, %parallel_loop3A_682 : i32
        %parallel_loop3A_684 = arith.index_cast %parallel_loop3A_683 : i32 to index
        %parallel_loop3A_685 = tpu.vector_load %arg7[%parallel_loop3A_684] {strides = array<i32>} : memref<65536xf32, #tpu.memory_space<vmem>>, vector<16xf32>,
        tpu.vector_store %arg7[%parallel_loop3A_684], %parallel_loop3A_681 {strides = array<i32>} : memref<65536xf32, #tpu.memory_space<vmem>>, vector<16xf32>,
        %parallel_loop3A_686 = arith.constant 32 : i32
        %parallel_loop3A_687 = arith.addi %parallel_loop3A_667, %parallel_loop3A_686 : i32
        %parallel_loop3A_688 = arith.index_cast %parallel_loop3A_687 : i32 to index
        %parallel_loop3A_689 = tpu.vector_load %arg5[%parallel_loop3A_688] {strides = array<i32>} : memref<6400xf32, #tpu.memory_space<vmem>>, vector<16xf32>,
        %parallel_loop3A_690 = arith.constant 32 : i32
        %parallel_loop3A_691 = arith.addi %parallel_loop3A_669, %parallel_loop3A_690 : i32
        %parallel_loop3A_692 = arith.index_cast %parallel_loop3A_691 : i32 to index
        %parallel_loop3A_693 = tpu.vector_load %arg7[%parallel_loop3A_692] {strides = array<i32>} : memref<65536xf32, #tpu.memory_space<vmem>>, vector<16xf32>,
        tpu.vector_store %arg7[%parallel_loop3A_692], %parallel_loop3A_689 {strides = array<i32>} : memref<65536xf32, #tpu.memory_space<vmem>>, vector<16xf32>,
        %parallel_loop3A_694 = arith.constant 48 : i32
        %parallel_loop3A_695 = arith.addi %parallel_loop3A_667, %parallel_loop3A_694 : i32
        %parallel_loop3A_696 = arith.index_cast %parallel_loop3A_695 : i32 to index
        %parallel_loop3A_697 = tpu.vector_load %arg5[%parallel_loop3A_696] {strides = array<i32>} : memref<6400xf32, #tpu.memory_space<vmem>>, vector<16xf32>,
        %parallel_loop3A_698 = arith.constant 48 : i32
        %parallel_loop3A_699 = arith.addi %parallel_loop3A_669, %parallel_loop3A_698 : i32
        %parallel_loop3A_700 = arith.index_cast %parallel_loop3A_699 : i32 to index
        %parallel_loop3A_701 = tpu.vector_load %arg7[%parallel_loop3A_700] {strides = array<i32>} : memref<65536xf32, #tpu.memory_space<vmem>>, vector<16xf32>,
        tpu.vector_store %arg7[%parallel_loop3A_700], %parallel_loop3A_697 {strides = array<i32>} : memref<65536xf32, #tpu.memory_space<vmem>>, vector<16xf32>,
        %parallel_loop3A_702 = vector.extract_strided_slice %parallel_loop3A_127 {offsets = [15], sizes = [1], strides = [1]} : vector<16xi32> to vector<1xi32>
        %parallel_loop3A_703 = vector.extract %parallel_loop3A_702[0] : i32 from vector<1xi32>
        %parallel_loop3A_704 = arith.constant 6 : i32
        %parallel_loop3A_705 = arith.shli %parallel_loop3A_703, %parallel_loop3A_704 : i32
        %parallel_loop3A_706 = arith.constant 960 : i32
        %parallel_loop3A_707 = arith.addi %parallel_loop3A_131, %parallel_loop3A_706 : i32
        %parallel_loop3A_708 = arith.constant 0 : i32
        %parallel_loop3A_709 = arith.addi %parallel_loop3A_705, %parallel_loop3A_708 : i32
        %parallel_loop3A_710 = arith.index_cast %parallel_loop3A_709 : i32 to index
        %parallel_loop3A_711 = tpu.vector_load %arg5[%parallel_loop3A_710] {strides = array<i32>} : memref<6400xf32, #tpu.memory_space<vmem>>, vector<16xf32>,
        %parallel_loop3A_712 = arith.constant 0 : i32
        %parallel_loop3A_713 = arith.addi %parallel_loop3A_707, %parallel_loop3A_712 : i32
        %parallel_loop3A_714 = arith.index_cast %parallel_loop3A_713 : i32 to index
        %parallel_loop3A_715 = tpu.vector_load %arg7[%parallel_loop3A_714] {strides = array<i32>} : memref<65536xf32, #tpu.memory_space<vmem>>, vector<16xf32>,
        tpu.vector_store %arg7[%parallel_loop3A_714], %parallel_loop3A_711 {strides = array<i32>} : memref<65536xf32, #tpu.memory_space<vmem>>, vector<16xf32>,
        %parallel_loop3A_716 = arith.constant 16 : i32
        %parallel_loop3A_717 = arith.addi %parallel_loop3A_705, %parallel_loop3A_716 : i32
        %parallel_loop3A_718 = arith.index_cast %parallel_loop3A_717 : i32 to index
        %parallel_loop3A_719 = tpu.vector_load %arg5[%parallel_loop3A_718] {strides = array<i32>} : memref<6400xf32, #tpu.memory_space<vmem>>, vector<16xf32>,
        %parallel_loop3A_720 = arith.constant 16 : i32
        %parallel_loop3A_721 = arith.addi %parallel_loop3A_707, %parallel_loop3A_720 : i32
        %parallel_loop3A_722 = arith.index_cast %parallel_loop3A_721 : i32 to index
        %parallel_loop3A_723 = tpu.vector_load %arg7[%parallel_loop3A_722] {strides = array<i32>} : memref<65536xf32, #tpu.memory_space<vmem>>, vector<16xf32>,
        tpu.vector_store %arg7[%parallel_loop3A_722], %parallel_loop3A_719 {strides = array<i32>} : memref<65536xf32, #tpu.memory_space<vmem>>, vector<16xf32>,
        %parallel_loop3A_724 = arith.constant 32 : i32
        %parallel_loop3A_725 = arith.addi %parallel_loop3A_705, %parallel_loop3A_724 : i32
        %parallel_loop3A_726 = arith.index_cast %parallel_loop3A_725 : i32 to index
        %parallel_loop3A_727 = tpu.vector_load %arg5[%parallel_loop3A_726] {strides = array<i32>} : memref<6400xf32, #tpu.memory_space<vmem>>, vector<16xf32>,
        %parallel_loop3A_728 = arith.constant 32 : i32
        %parallel_loop3A_729 = arith.addi %parallel_loop3A_707, %parallel_loop3A_728 : i32
        %parallel_loop3A_730 = arith.index_cast %parallel_loop3A_729 : i32 to index
        %parallel_loop3A_731 = tpu.vector_load %arg7[%parallel_loop3A_730] {strides = array<i32>} : memref<65536xf32, #tpu.memory_space<vmem>>, vector<16xf32>,
        tpu.vector_store %arg7[%parallel_loop3A_730], %parallel_loop3A_727 {strides = array<i32>} : memref<65536xf32, #tpu.memory_space<vmem>>, vector<16xf32>,
        %parallel_loop3A_732 = arith.constant 48 : i32
        %parallel_loop3A_733 = arith.addi %parallel_loop3A_705, %parallel_loop3A_732 : i32
        %parallel_loop3A_734 = arith.index_cast %parallel_loop3A_733 : i32 to index
        %parallel_loop3A_735 = tpu.vector_load %arg5[%parallel_loop3A_734] {strides = array<i32>} : memref<6400xf32, #tpu.memory_space<vmem>>, vector<16xf32>,
        %parallel_loop3A_736 = arith.constant 48 : i32
        %parallel_loop3A_737 = arith.addi %parallel_loop3A_707, %parallel_loop3A_736 : i32
        %parallel_loop3A_738 = arith.index_cast %parallel_loop3A_737 : i32 to index
        %parallel_loop3A_739 = tpu.vector_load %arg7[%parallel_loop3A_738] {strides = array<i32>} : memref<65536xf32, #tpu.memory_space<vmem>>, vector<16xf32>,
        tpu.vector_store %arg7[%parallel_loop3A_738], %parallel_loop3A_735 {strides = array<i32>} : memref<65536xf32, #tpu.memory_space<vmem>>, vector<16xf32>,
      } {sc.loop_unroll_factor = 1 : i64, sc.parallel_access}
      %mul3A_68 = arith.constant 64 : i32
      %mul3A_69 = arith.muli %add3A_48, %mul3A_68 : i32
      %dma_start3A_70 = arith.constant 0 : i32
      %dma_start3A_71 = arith.constant 0 : i32
      %dma_start3A_72 = tpu.memref_slice %arg7[%dma_start3A_71] : memref<65536xf32, #tpu.memory_space<vmem>> -> memref<32768xf32, #tpu.memory_space<vmem>>
      %dma_start3A_73 = tpu.memref_slice %arg4[%mul3A_69] : memref<52428800xf32, #tpu.memory_space<hbm>> -> memref<32768xf32, #tpu.memory_space<hbm>>
      %dma_start3A_74 = tpu.memref_slice %arg9[%dma_start3A_70] : memref<2x!tpu.dma_semaphore, #tpu.memory_space<semaphore_mem>> -> memref<1x!tpu.dma_semaphore, #tpu.memory_space<semaphore_mem>>
      %dma_start3A_75 = tpu.memref_squeeze %dma_start3A_74 : memref<1x!tpu.dma_semaphore, #tpu.memory_space<semaphore_mem>> -> memref<!tpu.dma_semaphore, #tpu.memory_space<semaphore_mem>>
      %dma_start3A_76 = tpu.memref_slice %arg4[%mul3A_69] : memref<52428800xf32, #tpu.memory_space<hbm>> -> memref<32768xf32, #tpu.memory_space<hbm>>
      %dma_start3A_77 = arith.constant 0 : i32
      %dma_start3A_78 = tpu.memref_slice %arg7[%dma_start3A_77] : memref<65536xf32, #tpu.memory_space<vmem>> -> memref<32768xf32, #tpu.memory_space<vmem>>
      tpu.enqueue_dma source(%dma_start3A_78 : memref<32768xf32, #tpu.memory_space<vmem>>) target(%dma_start3A_76 : memref<32768xf32, #tpu.memory_space<hbm>>) target_semaphore(%dma_start3A_75 : memref<!tpu.dma_semaphore, #tpu.memory_space<semaphore_mem>>)
      %mul3A_79 = arith.constant 2 : i32
      %mul3A_80 = arith.muli %mul3A_79, %scan3A_41 : i32
      %add3A_81 = arith.constant 1 : i32
      %add3A_82 = arith.addi %mul3A_80, %add3A_81 : i32
      %mul3A_83 = arith.constant 512 : i32
      %mul3A_84 = arith.muli %add3A_82, %mul3A_83 : i32
      %add3A_85 = arith.addi %mul3A_2, %mul3A_84 : i32
      %dma_wait3A_86 = arith.constant 1 : i32
      %dma_wait3A_87 = arith.constant 512 : i32
      %dma_wait3A_88 = tpu.memref_slice %arg6[%dma_wait3A_87] : memref<1024xi32, #tpu.memory_space<vmem>> -> memref<512xi32, #tpu.memory_space<vmem>>
      %dma_wait3A_89 = tpu.memref_slice %arg2[%add3A_85] : memref<819200xi32, #tpu.memory_space<hbm>> -> memref<512xi32, #tpu.memory_space<hbm>>
      %dma_wait3A_90 = tpu.memref_slice %arg8[%dma_wait3A_86] : memref<2x!tpu.dma_semaphore, #tpu.memory_space<semaphore_mem>> -> memref<1x!tpu.dma_semaphore, #tpu.memory_space<semaphore_mem>>
      %dma_wait3A_91 = tpu.memref_squeeze %dma_wait3A_90 : memref<1x!tpu.dma_semaphore, #tpu.memory_space<semaphore_mem>> -> memref<!tpu.dma_semaphore, #tpu.memory_space<semaphore_mem>>
      %dma_wait3A_92 = arith.constant 512 : i32
      %dma_wait3A_93 = tpu.memref_slice %arg6[%dma_wait3A_92] : memref<1024xi32, #tpu.memory_space<vmem>> -> memref<512xi32, #tpu.memory_space<vmem>>
      %dma_wait3A_94 = tpu.memref_slice %arg2[%add3A_85] : memref<819200xi32, #tpu.memory_space<hbm>> -> memref<512xi32, #tpu.memory_space<hbm>>
      tpu.wait_dma2 semaphore(%dma_wait3A_91 : memref<!tpu.dma_semaphore, #tpu.memory_space<semaphore_mem>>) src(%dma_wait3A_94 : memref<512xi32, #tpu.memory_space<hbm>>) dst(%dma_wait3A_93 : memref<512xi32, #tpu.memory_space<vmem>>)
      %add3A_95 = arith.constant 1 : i32
      %add3A_96 = arith.addi %add3A_82, %add3A_95 : i32
      %lt3A_97 = arith.constant 50 : i32
      %lt3A_98 = arith.cmpi slt, %add3A_96, %lt3A_97 : i32
      %convert_element_type3A_99 = arith.extui %lt3A_98 : i1 to i32
      %cond3A_100 = arith.constant 0 : i32
      %cond3A_101 = arith.cmpi ne, %convert_element_type3A_99, %cond3A_100 : i32
      scf.if %cond3A_101 {
        %add3A_121 = arith.constant 512 : i32
        %add3A_122 = arith.addi %add3A_85, %add3A_121 : i32
        %dma_start3A_123 = arith.constant 0 : i32
        %dma_start3A_124 = arith.constant 0 : i32
        %dma_start3A_125 = tpu.memref_slice %arg6[%dma_start3A_124] : memref<1024xi32, #tpu.memory_space<vmem>> -> memref<512xi32, #tpu.memory_space<vmem>>
        %dma_start3A_126 = tpu.memref_slice %arg2[%add3A_122] : memref<819200xi32, #tpu.memory_space<hbm>> -> memref<512xi32, #tpu.memory_space<hbm>>
        %dma_start3A_127 = tpu.memref_slice %arg8[%dma_start3A_123] : memref<2x!tpu.dma_semaphore, #tpu.memory_space<semaphore_mem>> -> memref<1x!tpu.dma_semaphore, #tpu.memory_space<semaphore_mem>>
        %dma_start3A_128 = tpu.memref_squeeze %dma_start3A_127 : memref<1x!tpu.dma_semaphore, #tpu.memory_space<semaphore_mem>> -> memref<!tpu.dma_semaphore, #tpu.memory_space<semaphore_mem>>
        %dma_start3A_129 = arith.constant 0 : i32
        %dma_start3A_130 = tpu.memref_slice %arg6[%dma_start3A_129] : memref<1024xi32, #tpu.memory_space<vmem>> -> memref<512xi32, #tpu.memory_space<vmem>>
        %dma_start3A_131 = tpu.memref_slice %arg2[%add3A_122] : memref<819200xi32, #tpu.memory_space<hbm>> -> memref<512xi32, #tpu.memory_space<hbm>>
        tpu.enqueue_dma source(%dma_start3A_131 : memref<512xi32, #tpu.memory_space<hbm>>) target(%dma_start3A_130 : memref<512xi32, #tpu.memory_space<vmem>>) target_semaphore(%dma_start3A_128 : memref<!tpu.dma_semaphore, #tpu.memory_space<semaphore_mem>>)
      } else {
      }
      %ge3A_102 = arith.constant 2 : i32
      %ge3A_103 = arith.cmpi sge, %add3A_82, %ge3A_102 : i32
      %convert_element_type3A_104 = arith.extui %ge3A_103 : i1 to i32
      %cond3A_105 = arith.constant 0 : i32
      %cond3A_106 = arith.cmpi ne, %convert_element_type3A_104, %cond3A_105 : i32
      scf.if %cond3A_106 {
        %mul3A_121 = arith.constant 64 : i32
        %mul3A_122 = arith.muli %add3A_85, %mul3A_121 : i32
        %dma_wait3A_123 = arith.constant 1 : i32
        %dma_wait3A_124 = arith.constant 32768 : i32
        %dma_wait3A_125 = tpu.memref_slice %arg7[%dma_wait3A_124] : memref<65536xf32, #tpu.memory_space<vmem>> -> memref<32768xf32, #tpu.memory_space<vmem>>
        %dma_wait3A_126 = tpu.memref_slice %arg4[%mul3A_122] : memref<52428800xf32, #tpu.memory_space<hbm>> -> memref<32768xf32, #tpu.memory_space<hbm>>
        %dma_wait3A_127 = tpu.memref_slice %arg9[%dma_wait3A_123] : memref<2x!tpu.dma_semaphore, #tpu.memory_space<semaphore_mem>> -> memref<1x!tpu.dma_semaphore, #tpu.memory_space<semaphore_mem>>
        %dma_wait3A_128 = tpu.memref_squeeze %dma_wait3A_127 : memref<1x!tpu.dma_semaphore, #tpu.memory_space<semaphore_mem>> -> memref<!tpu.dma_semaphore, #tpu.memory_space<semaphore_mem>>
        %dma_wait3A_129 = tpu.memref_slice %arg4[%mul3A_122] : memref<52428800xf32, #tpu.memory_space<hbm>> -> memref<32768xf32, #tpu.memory_space<hbm>>
        %dma_wait3A_130 = arith.constant 32768 : i32
        %dma_wait3A_131 = tpu.memref_slice %arg7[%dma_wait3A_130] : memref<65536xf32, #tpu.memory_space<vmem>> -> memref<32768xf32, #tpu.memory_space<vmem>>
        tpu.wait_dma2 semaphore(%dma_wait3A_128 : memref<!tpu.dma_semaphore, #tpu.memory_space<semaphore_mem>>) src(%dma_wait3A_131 : memref<32768xf32, #tpu.memory_space<vmem>>) dst(%dma_wait3A_129 : memref<32768xf32, #tpu.memory_space<hbm>>)
      } else {
      }
      %parallel_loop3A_107 = arith.constant 0 : i32
      %parallel_loop3A_108 = arith.constant 32 : i32
      %parallel_loop3A_109 = arith.constant 1 : i32
      scf.for %parallel_loop3A_121 = %parallel_loop3A_107 to %parallel_loop3A_108 step %parallel_loop3A_109  : i32 {
        %parallel_loop3A_122 = arith.constant 16 : i32
        %parallel_loop3A_123 = arith.muli %parallel_loop3A_121, %parallel_loop3A_122 : i32
        %parallel_loop3A_124 = arith.constant 512 : i32
        %parallel_loop3A_125 = arith.addi %parallel_loop3A_124, %parallel_loop3A_123 : i32
        %parallel_loop3A_126 = arith.index_cast %parallel_loop3A_125 : i32 to index
        %parallel_loop3A_127 = tpu.vector_load %arg6[%parallel_loop3A_126] {strides = array<i32>} : memref<1024xi32, #tpu.memory_space<vmem>>, vector<16xi32>,
        %parallel_loop3A_128 = arith.constant 10 : i32
        %parallel_loop3A_129 = arith.shli %parallel_loop3A_121, %parallel_loop3A_128 : i32
        %parallel_loop3A_130 = arith.constant 32768 : i32
        %parallel_loop3A_131 = arith.addi %parallel_loop3A_130, %parallel_loop3A_129 : i32
        %parallel_loop3A_132 = vector.extract_strided_slice %parallel_loop3A_127 {offsets = [0], sizes = [1], strides = [1]} : vector<16xi32> to vector<1xi32>
        %parallel_loop3A_133 = vector.extract %parallel_loop3A_132[0] : i32 from vector<1xi32>
        %parallel_loop3A_134 = arith.constant 6 : i32
        %parallel_loop3A_135 = arith.shli %parallel_loop3A_133, %parallel_loop3A_134 : i32
        %parallel_loop3A_136 = arith.constant 0 : i32
        %parallel_loop3A_137 = arith.addi %parallel_loop3A_131, %parallel_loop3A_136 : i32
        %parallel_loop3A_138 = arith.constant 0 : i32
        %parallel_loop3A_139 = arith.addi %parallel_loop3A_135, %parallel_loop3A_138 : i32
        %parallel_loop3A_140 = arith.index_cast %parallel_loop3A_139 : i32 to index
        %parallel_loop3A_141 = tpu.vector_load %arg5[%parallel_loop3A_140] {strides = array<i32>} : memref<6400xf32, #tpu.memory_space<vmem>>, vector<16xf32>,
        %parallel_loop3A_142 = arith.constant 0 : i32
        %parallel_loop3A_143 = arith.addi %parallel_loop3A_137, %parallel_loop3A_142 : i32
        %parallel_loop3A_144 = arith.index_cast %parallel_loop3A_143 : i32 to index
        %parallel_loop3A_145 = tpu.vector_load %arg7[%parallel_loop3A_144] {strides = array<i32>} : memref<65536xf32, #tpu.memory_space<vmem>>, vector<16xf32>,
        tpu.vector_store %arg7[%parallel_loop3A_144], %parallel_loop3A_141 {strides = array<i32>} : memref<65536xf32, #tpu.memory_space<vmem>>, vector<16xf32>,
        %parallel_loop3A_146 = arith.constant 16 : i32
        %parallel_loop3A_147 = arith.addi %parallel_loop3A_135, %parallel_loop3A_146 : i32
        %parallel_loop3A_148 = arith.index_cast %parallel_loop3A_147 : i32 to index
        %parallel_loop3A_149 = tpu.vector_load %arg5[%parallel_loop3A_148] {strides = array<i32>} : memref<6400xf32, #tpu.memory_space<vmem>>, vector<16xf32>,
        %parallel_loop3A_150 = arith.constant 16 : i32
        %parallel_loop3A_151 = arith.addi %parallel_loop3A_137, %parallel_loop3A_150 : i32
        %parallel_loop3A_152 = arith.index_cast %parallel_loop3A_151 : i32 to index
        %parallel_loop3A_153 = tpu.vector_load %arg7[%parallel_loop3A_152] {strides = array<i32>} : memref<65536xf32, #tpu.memory_space<vmem>>, vector<16xf32>,
        tpu.vector_store %arg7[%parallel_loop3A_152], %parallel_loop3A_149 {strides = array<i32>} : memref<65536xf32, #tpu.memory_space<vmem>>, vector<16xf32>,
        %parallel_loop3A_154 = arith.constant 32 : i32
        %parallel_loop3A_155 = arith.addi %parallel_loop3A_135, %parallel_loop3A_154 : i32
        %parallel_loop3A_156 = arith.index_cast %parallel_loop3A_155 : i32 to index
        %parallel_loop3A_157 = tpu.vector_load %arg5[%parallel_loop3A_156] {strides = array<i32>} : memref<6400xf32, #tpu.memory_space<vmem>>, vector<16xf32>,
        %parallel_loop3A_158 = arith.constant 32 : i32
        %parallel_loop3A_159 = arith.addi %parallel_loop3A_137, %parallel_loop3A_158 : i32
        %parallel_loop3A_160 = arith.index_cast %parallel_loop3A_159 : i32 to index
        %parallel_loop3A_161 = tpu.vector_load %arg7[%parallel_loop3A_160] {strides = array<i32>} : memref<65536xf32, #tpu.memory_space<vmem>>, vector<16xf32>,
        tpu.vector_store %arg7[%parallel_loop3A_160], %parallel_loop3A_157 {strides = array<i32>} : memref<65536xf32, #tpu.memory_space<vmem>>, vector<16xf32>,
        %parallel_loop3A_162 = arith.constant 48 : i32
        %parallel_loop3A_163 = arith.addi %parallel_loop3A_135, %parallel_loop3A_162 : i32
        %parallel_loop3A_164 = arith.index_cast %parallel_loop3A_163 : i32 to index
        %parallel_loop3A_165 = tpu.vector_load %arg5[%parallel_loop3A_164] {strides = array<i32>} : memref<6400xf32, #tpu.memory_space<vmem>>, vector<16xf32>,
        %parallel_loop3A_166 = arith.constant 48 : i32
        %parallel_loop3A_167 = arith.addi %parallel_loop3A_137, %parallel_loop3A_166 : i32
        %parallel_loop3A_168 = arith.index_cast %parallel_loop3A_167 : i32 to index
        %parallel_loop3A_169 = tpu.vector_load %arg7[%parallel_loop3A_168] {strides = array<i32>} : memref<65536xf32, #tpu.memory_space<vmem>>, vector<16xf32>,
        tpu.vector_store %arg7[%parallel_loop3A_168], %parallel_loop3A_165 {strides = array<i32>} : memref<65536xf32, #tpu.memory_space<vmem>>, vector<16xf32>,
        %parallel_loop3A_170 = vector.extract_strided_slice %parallel_loop3A_127 {offsets = [1], sizes = [1], strides = [1]} : vector<16xi32> to vector<1xi32>
        %parallel_loop3A_171 = vector.extract %parallel_loop3A_170[0] : i32 from vector<1xi32>
        %parallel_loop3A_172 = arith.constant 6 : i32
        %parallel_loop3A_173 = arith.shli %parallel_loop3A_171, %parallel_loop3A_172 : i32
        %parallel_loop3A_174 = arith.constant 64 : i32
        %parallel_loop3A_175 = arith.addi %parallel_loop3A_131, %parallel_loop3A_174 : i32
        %parallel_loop3A_176 = arith.constant 0 : i32
        %parallel_loop3A_177 = arith.addi %parallel_loop3A_173, %parallel_loop3A_176 : i32
        %parallel_loop3A_178 = arith.index_cast %parallel_loop3A_177 : i32 to index
        %parallel_loop3A_179 = tpu.vector_load %arg5[%parallel_loop3A_178] {strides = array<i32>} : memref<6400xf32, #tpu.memory_space<vmem>>, vector<16xf32>,
        %parallel_loop3A_180 = arith.constant 0 : i32
        %parallel_loop3A_181 = arith.addi %parallel_loop3A_175, %parallel_loop3A_180 : i32
        %parallel_loop3A_182 = arith.index_cast %parallel_loop3A_181 : i32 to index
        %parallel_loop3A_183 = tpu.vector_load %arg7[%parallel_loop3A_182] {strides = array<i32>} : memref<65536xf32, #tpu.memory_space<vmem>>, vector<16xf32>,
        tpu.vector_store %arg7[%parallel_loop3A_182], %parallel_loop3A_179 {strides = array<i32>} : memref<65536xf32, #tpu.memory_space<vmem>>, vector<16xf32>,
        %parallel_loop3A_184 = arith.constant 16 : i32
        %parallel_loop3A_185 = arith.addi %parallel_loop3A_173, %parallel_loop3A_184 : i32
        %parallel_loop3A_186 = arith.index_cast %parallel_loop3A_185 : i32 to index
        %parallel_loop3A_187 = tpu.vector_load %arg5[%parallel_loop3A_186] {strides = array<i32>} : memref<6400xf32, #tpu.memory_space<vmem>>, vector<16xf32>,
        %parallel_loop3A_188 = arith.constant 16 : i32
        %parallel_loop3A_189 = arith.addi %parallel_loop3A_175, %parallel_loop3A_188 : i32
        %parallel_loop3A_190 = arith.index_cast %parallel_loop3A_189 : i32 to index
        %parallel_loop3A_191 = tpu.vector_load %arg7[%parallel_loop3A_190] {strides = array<i32>} : memref<65536xf32, #tpu.memory_space<vmem>>, vector<16xf32>,
        tpu.vector_store %arg7[%parallel_loop3A_190], %parallel_loop3A_187 {strides = array<i32>} : memref<65536xf32, #tpu.memory_space<vmem>>, vector<16xf32>,
        %parallel_loop3A_192 = arith.constant 32 : i32
        %parallel_loop3A_193 = arith.addi %parallel_loop3A_173, %parallel_loop3A_192 : i32
        %parallel_loop3A_194 = arith.index_cast %parallel_loop3A_193 : i32 to index
        %parallel_loop3A_195 = tpu.vector_load %arg5[%parallel_loop3A_194] {strides = array<i32>} : memref<6400xf32, #tpu.memory_space<vmem>>, vector<16xf32>,
        %parallel_loop3A_196 = arith.constant 32 : i32
        %parallel_loop3A_197 = arith.addi %parallel_loop3A_175, %parallel_loop3A_196 : i32
        %parallel_loop3A_198 = arith.index_cast %parallel_loop3A_197 : i32 to index
        %parallel_loop3A_199 = tpu.vector_load %arg7[%parallel_loop3A_198] {strides = array<i32>} : memref<65536xf32, #tpu.memory_space<vmem>>, vector<16xf32>,
        tpu.vector_store %arg7[%parallel_loop3A_198], %parallel_loop3A_195 {strides = array<i32>} : memref<65536xf32, #tpu.memory_space<vmem>>, vector<16xf32>,
        %parallel_loop3A_200 = arith.constant 48 : i32
        %parallel_loop3A_201 = arith.addi %parallel_loop3A_173, %parallel_loop3A_200 : i32
        %parallel_loop3A_202 = arith.index_cast %parallel_loop3A_201 : i32 to index
        %parallel_loop3A_203 = tpu.vector_load %arg5[%parallel_loop3A_202] {strides = array<i32>} : memref<6400xf32, #tpu.memory_space<vmem>>, vector<16xf32>,
        %parallel_loop3A_204 = arith.constant 48 : i32
        %parallel_loop3A_205 = arith.addi %parallel_loop3A_175, %parallel_loop3A_204 : i32
        %parallel_loop3A_206 = arith.index_cast %parallel_loop3A_205 : i32 to index
        %parallel_loop3A_207 = tpu.vector_load %arg7[%parallel_loop3A_206] {strides = array<i32>} : memref<65536xf32, #tpu.memory_space<vmem>>, vector<16xf32>,
        tpu.vector_store %arg7[%parallel_loop3A_206], %parallel_loop3A_203 {strides = array<i32>} : memref<65536xf32, #tpu.memory_space<vmem>>, vector<16xf32>,
        %parallel_loop3A_208 = vector.extract_strided_slice %parallel_loop3A_127 {offsets = [2], sizes = [1], strides = [1]} : vector<16xi32> to vector<1xi32>
        %parallel_loop3A_209 = vector.extract %parallel_loop3A_208[0] : i32 from vector<1xi32>
        %parallel_loop3A_210 = arith.constant 6 : i32
        %parallel_loop3A_211 = arith.shli %parallel_loop3A_209, %parallel_loop3A_210 : i32
        %parallel_loop3A_212 = arith.constant 128 : i32
        %parallel_loop3A_213 = arith.addi %parallel_loop3A_131, %parallel_loop3A_212 : i32
        %parallel_loop3A_214 = arith.constant 0 : i32
        %parallel_loop3A_215 = arith.addi %parallel_loop3A_211, %parallel_loop3A_214 : i32
        %parallel_loop3A_216 = arith.index_cast %parallel_loop3A_215 : i32 to index
        %parallel_loop3A_217 = tpu.vector_load %arg5[%parallel_loop3A_216] {strides = array<i32>} : memref<6400xf32, #tpu.memory_space<vmem>>, vector<16xf32>,
        %parallel_loop3A_218 = arith.constant 0 : i32
        %parallel_loop3A_219 = arith.addi %parallel_loop3A_213, %parallel_loop3A_218 : i32
        %parallel_loop3A_220 = arith.index_cast %parallel_loop3A_219 : i32 to index
        %parallel_loop3A_221 = tpu.vector_load %arg7[%parallel_loop3A_220] {strides = array<i32>} : memref<65536xf32, #tpu.memory_space<vmem>>, vector<16xf32>,
        tpu.vector_store %arg7[%parallel_loop3A_220], %parallel_loop3A_217 {strides = array<i32>} : memref<65536xf32, #tpu.memory_space<vmem>>, vector<16xf32>,
        %parallel_loop3A_222 = arith.constant 16 : i32
        %parallel_loop3A_223 = arith.addi %parallel_loop3A_211, %parallel_loop3A_222 : i32
        %parallel_loop3A_224 = arith.index_cast %parallel_loop3A_223 : i32 to index
        %parallel_loop3A_225 = tpu.vector_load %arg5[%parallel_loop3A_224] {strides = array<i32>} : memref<6400xf32, #tpu.memory_space<vmem>>, vector<16xf32>,
        %parallel_loop3A_226 = arith.constant 16 : i32
        %parallel_loop3A_227 = arith.addi %parallel_loop3A_213, %parallel_loop3A_226 : i32
        %parallel_loop3A_228 = arith.index_cast %parallel_loop3A_227 : i32 to index
        %parallel_loop3A_229 = tpu.vector_load %arg7[%parallel_loop3A_228] {strides = array<i32>} : memref<65536xf32, #tpu.memory_space<vmem>>, vector<16xf32>,
        tpu.vector_store %arg7[%parallel_loop3A_228], %parallel_loop3A_225 {strides = array<i32>} : memref<65536xf32, #tpu.memory_space<vmem>>, vector<16xf32>,
        %parallel_loop3A_230 = arith.constant 32 : i32
        %parallel_loop3A_231 = arith.addi %parallel_loop3A_211, %parallel_loop3A_230 : i32
        %parallel_loop3A_232 = arith.index_cast %parallel_loop3A_231 : i32 to index
        %parallel_loop3A_233 = tpu.vector_load %arg5[%parallel_loop3A_232] {strides = array<i32>} : memref<6400xf32, #tpu.memory_space<vmem>>, vector<16xf32>,
        %parallel_loop3A_234 = arith.constant 32 : i32
        %parallel_loop3A_235 = arith.addi %parallel_loop3A_213, %parallel_loop3A_234 : i32
        %parallel_loop3A_236 = arith.index_cast %parallel_loop3A_235 : i32 to index
        %parallel_loop3A_237 = tpu.vector_load %arg7[%parallel_loop3A_236] {strides = array<i32>} : memref<65536xf32, #tpu.memory_space<vmem>>, vector<16xf32>,
        tpu.vector_store %arg7[%parallel_loop3A_236], %parallel_loop3A_233 {strides = array<i32>} : memref<65536xf32, #tpu.memory_space<vmem>>, vector<16xf32>,
        %parallel_loop3A_238 = arith.constant 48 : i32
        %parallel_loop3A_239 = arith.addi %parallel_loop3A_211, %parallel_loop3A_238 : i32
        %parallel_loop3A_240 = arith.index_cast %parallel_loop3A_239 : i32 to index
        %parallel_loop3A_241 = tpu.vector_load %arg5[%parallel_loop3A_240] {strides = array<i32>} : memref<6400xf32, #tpu.memory_space<vmem>>, vector<16xf32>,
        %parallel_loop3A_242 = arith.constant 48 : i32
        %parallel_loop3A_243 = arith.addi %parallel_loop3A_213, %parallel_loop3A_242 : i32
        %parallel_loop3A_244 = arith.index_cast %parallel_loop3A_243 : i32 to index
        %parallel_loop3A_245 = tpu.vector_load %arg7[%parallel_loop3A_244] {strides = array<i32>} : memref<65536xf32, #tpu.memory_space<vmem>>, vector<16xf32>,
        tpu.vector_store %arg7[%parallel_loop3A_244], %parallel_loop3A_241 {strides = array<i32>} : memref<65536xf32, #tpu.memory_space<vmem>>, vector<16xf32>,
        %parallel_loop3A_246 = vector.extract_strided_slice %parallel_loop3A_127 {offsets = [3], sizes = [1], strides = [1]} : vector<16xi32> to vector<1xi32>
        %parallel_loop3A_247 = vector.extract %parallel_loop3A_246[0] : i32 from vector<1xi32>
        %parallel_loop3A_248 = arith.constant 6 : i32
        %parallel_loop3A_249 = arith.shli %parallel_loop3A_247, %parallel_loop3A_248 : i32
        %parallel_loop3A_250 = arith.constant 192 : i32
        %parallel_loop3A_251 = arith.addi %parallel_loop3A_131, %parallel_loop3A_250 : i32
        %parallel_loop3A_252 = arith.constant 0 : i32
        %parallel_loop3A_253 = arith.addi %parallel_loop3A_249, %parallel_loop3A_252 : i32
        %parallel_loop3A_254 = arith.index_cast %parallel_loop3A_253 : i32 to index
        %parallel_loop3A_255 = tpu.vector_load %arg5[%parallel_loop3A_254] {strides = array<i32>} : memref<6400xf32, #tpu.memory_space<vmem>>, vector<16xf32>,
        %parallel_loop3A_256 = arith.constant 0 : i32
        %parallel_loop3A_257 = arith.addi %parallel_loop3A_251, %parallel_loop3A_256 : i32
        %parallel_loop3A_258 = arith.index_cast %parallel_loop3A_257 : i32 to index
        %parallel_loop3A_259 = tpu.vector_load %arg7[%parallel_loop3A_258] {strides = array<i32>} : memref<65536xf32, #tpu.memory_space<vmem>>, vector<16xf32>,
        tpu.vector_store %arg7[%parallel_loop3A_258], %parallel_loop3A_255 {strides = array<i32>} : memref<65536xf32, #tpu.memory_space<vmem>>, vector<16xf32>,
        %parallel_loop3A_260 = arith.constant 16 : i32
        %parallel_loop3A_261 = arith.addi %parallel_loop3A_249, %parallel_loop3A_260 : i32
        %parallel_loop3A_262 = arith.index_cast %parallel_loop3A_261 : i32 to index
        %parallel_loop3A_263 = tpu.vector_load %arg5[%parallel_loop3A_262] {strides = array<i32>} : memref<6400xf32, #tpu.memory_space<vmem>>, vector<16xf32>,
        %parallel_loop3A_264 = arith.constant 16 : i32
        %parallel_loop3A_265 = arith.addi %parallel_loop3A_251, %parallel_loop3A_264 : i32
        %parallel_loop3A_266 = arith.index_cast %parallel_loop3A_265 : i32 to index
        %parallel_loop3A_267 = tpu.vector_load %arg7[%parallel_loop3A_266] {strides = array<i32>} : memref<65536xf32, #tpu.memory_space<vmem>>, vector<16xf32>,
        tpu.vector_store %arg7[%parallel_loop3A_266], %parallel_loop3A_263 {strides = array<i32>} : memref<65536xf32, #tpu.memory_space<vmem>>, vector<16xf32>,
        %parallel_loop3A_268 = arith.constant 32 : i32
        %parallel_loop3A_269 = arith.addi %parallel_loop3A_249, %parallel_loop3A_268 : i32
        %parallel_loop3A_270 = arith.index_cast %parallel_loop3A_269 : i32 to index
        %parallel_loop3A_271 = tpu.vector_load %arg5[%parallel_loop3A_270] {strides = array<i32>} : memref<6400xf32, #tpu.memory_space<vmem>>, vector<16xf32>,
        %parallel_loop3A_272 = arith.constant 32 : i32
        %parallel_loop3A_273 = arith.addi %parallel_loop3A_251, %parallel_loop3A_272 : i32
        %parallel_loop3A_274 = arith.index_cast %parallel_loop3A_273 : i32 to index
        %parallel_loop3A_275 = tpu.vector_load %arg7[%parallel_loop3A_274] {strides = array<i32>} : memref<65536xf32, #tpu.memory_space<vmem>>, vector<16xf32>,
        tpu.vector_store %arg7[%parallel_loop3A_274], %parallel_loop3A_271 {strides = array<i32>} : memref<65536xf32, #tpu.memory_space<vmem>>, vector<16xf32>,
        %parallel_loop3A_276 = arith.constant 48 : i32
        %parallel_loop3A_277 = arith.addi %parallel_loop3A_249, %parallel_loop3A_276 : i32
        %parallel_loop3A_278 = arith.index_cast %parallel_loop3A_277 : i32 to index
        %parallel_loop3A_279 = tpu.vector_load %arg5[%parallel_loop3A_278] {strides = array<i32>} : memref<6400xf32, #tpu.memory_space<vmem>>, vector<16xf32>,
        %parallel_loop3A_280 = arith.constant 48 : i32
        %parallel_loop3A_281 = arith.addi %parallel_loop3A_251, %parallel_loop3A_280 : i32
        %parallel_loop3A_282 = arith.index_cast %parallel_loop3A_281 : i32 to index
        %parallel_loop3A_283 = tpu.vector_load %arg7[%parallel_loop3A_282] {strides = array<i32>} : memref<65536xf32, #tpu.memory_space<vmem>>, vector<16xf32>,
        tpu.vector_store %arg7[%parallel_loop3A_282], %parallel_loop3A_279 {strides = array<i32>} : memref<65536xf32, #tpu.memory_space<vmem>>, vector<16xf32>,
        %parallel_loop3A_284 = vector.extract_strided_slice %parallel_loop3A_127 {offsets = [4], sizes = [1], strides = [1]} : vector<16xi32> to vector<1xi32>
        %parallel_loop3A_285 = vector.extract %parallel_loop3A_284[0] : i32 from vector<1xi32>
        %parallel_loop3A_286 = arith.constant 6 : i32
        %parallel_loop3A_287 = arith.shli %parallel_loop3A_285, %parallel_loop3A_286 : i32
        %parallel_loop3A_288 = arith.constant 256 : i32
        %parallel_loop3A_289 = arith.addi %parallel_loop3A_131, %parallel_loop3A_288 : i32
        %parallel_loop3A_290 = arith.constant 0 : i32
        %parallel_loop3A_291 = arith.addi %parallel_loop3A_287, %parallel_loop3A_290 : i32
        %parallel_loop3A_292 = arith.index_cast %parallel_loop3A_291 : i32 to index
        %parallel_loop3A_293 = tpu.vector_load %arg5[%parallel_loop3A_292] {strides = array<i32>} : memref<6400xf32, #tpu.memory_space<vmem>>, vector<16xf32>,
        %parallel_loop3A_294 = arith.constant 0 : i32
        %parallel_loop3A_295 = arith.addi %parallel_loop3A_289, %parallel_loop3A_294 : i32
        %parallel_loop3A_296 = arith.index_cast %parallel_loop3A_295 : i32 to index
        %parallel_loop3A_297 = tpu.vector_load %arg7[%parallel_loop3A_296] {strides = array<i32>} : memref<65536xf32, #tpu.memory_space<vmem>>, vector<16xf32>,
        tpu.vector_store %arg7[%parallel_loop3A_296], %parallel_loop3A_293 {strides = array<i32>} : memref<65536xf32, #tpu.memory_space<vmem>>, vector<16xf32>,
        %parallel_loop3A_298 = arith.constant 16 : i32
        %parallel_loop3A_299 = arith.addi %parallel_loop3A_287, %parallel_loop3A_298 : i32
        %parallel_loop3A_300 = arith.index_cast %parallel_loop3A_299 : i32 to index
        %parallel_loop3A_301 = tpu.vector_load %arg5[%parallel_loop3A_300] {strides = array<i32>} : memref<6400xf32, #tpu.memory_space<vmem>>, vector<16xf32>,
        %parallel_loop3A_302 = arith.constant 16 : i32
        %parallel_loop3A_303 = arith.addi %parallel_loop3A_289, %parallel_loop3A_302 : i32
        %parallel_loop3A_304 = arith.index_cast %parallel_loop3A_303 : i32 to index
        %parallel_loop3A_305 = tpu.vector_load %arg7[%parallel_loop3A_304] {strides = array<i32>} : memref<65536xf32, #tpu.memory_space<vmem>>, vector<16xf32>,
        tpu.vector_store %arg7[%parallel_loop3A_304], %parallel_loop3A_301 {strides = array<i32>} : memref<65536xf32, #tpu.memory_space<vmem>>, vector<16xf32>,
        %parallel_loop3A_306 = arith.constant 32 : i32
        %parallel_loop3A_307 = arith.addi %parallel_loop3A_287, %parallel_loop3A_306 : i32
        %parallel_loop3A_308 = arith.index_cast %parallel_loop3A_307 : i32 to index
        %parallel_loop3A_309 = tpu.vector_load %arg5[%parallel_loop3A_308] {strides = array<i32>} : memref<6400xf32, #tpu.memory_space<vmem>>, vector<16xf32>,
        %parallel_loop3A_310 = arith.constant 32 : i32
        %parallel_loop3A_311 = arith.addi %parallel_loop3A_289, %parallel_loop3A_310 : i32
        %parallel_loop3A_312 = arith.index_cast %parallel_loop3A_311 : i32 to index
        %parallel_loop3A_313 = tpu.vector_load %arg7[%parallel_loop3A_312] {strides = array<i32>} : memref<65536xf32, #tpu.memory_space<vmem>>, vector<16xf32>,
        tpu.vector_store %arg7[%parallel_loop3A_312], %parallel_loop3A_309 {strides = array<i32>} : memref<65536xf32, #tpu.memory_space<vmem>>, vector<16xf32>,
        %parallel_loop3A_314 = arith.constant 48 : i32
        %parallel_loop3A_315 = arith.addi %parallel_loop3A_287, %parallel_loop3A_314 : i32
        %parallel_loop3A_316 = arith.index_cast %parallel_loop3A_315 : i32 to index
        %parallel_loop3A_317 = tpu.vector_load %arg5[%parallel_loop3A_316] {strides = array<i32>} : memref<6400xf32, #tpu.memory_space<vmem>>, vector<16xf32>,
        %parallel_loop3A_318 = arith.constant 48 : i32
        %parallel_loop3A_319 = arith.addi %parallel_loop3A_289, %parallel_loop3A_318 : i32
        %parallel_loop3A_320 = arith.index_cast %parallel_loop3A_319 : i32 to index
        %parallel_loop3A_321 = tpu.vector_load %arg7[%parallel_loop3A_320] {strides = array<i32>} : memref<65536xf32, #tpu.memory_space<vmem>>, vector<16xf32>,
        tpu.vector_store %arg7[%parallel_loop3A_320], %parallel_loop3A_317 {strides = array<i32>} : memref<65536xf32, #tpu.memory_space<vmem>>, vector<16xf32>,
        %parallel_loop3A_322 = vector.extract_strided_slice %parallel_loop3A_127 {offsets = [5], sizes = [1], strides = [1]} : vector<16xi32> to vector<1xi32>
        %parallel_loop3A_323 = vector.extract %parallel_loop3A_322[0] : i32 from vector<1xi32>
        %parallel_loop3A_324 = arith.constant 6 : i32
        %parallel_loop3A_325 = arith.shli %parallel_loop3A_323, %parallel_loop3A_324 : i32
        %parallel_loop3A_326 = arith.constant 320 : i32
        %parallel_loop3A_327 = arith.addi %parallel_loop3A_131, %parallel_loop3A_326 : i32
        %parallel_loop3A_328 = arith.constant 0 : i32
        %parallel_loop3A_329 = arith.addi %parallel_loop3A_325, %parallel_loop3A_328 : i32
        %parallel_loop3A_330 = arith.index_cast %parallel_loop3A_329 : i32 to index
        %parallel_loop3A_331 = tpu.vector_load %arg5[%parallel_loop3A_330] {strides = array<i32>} : memref<6400xf32, #tpu.memory_space<vmem>>, vector<16xf32>,
        %parallel_loop3A_332 = arith.constant 0 : i32
        %parallel_loop3A_333 = arith.addi %parallel_loop3A_327, %parallel_loop3A_332 : i32
        %parallel_loop3A_334 = arith.index_cast %parallel_loop3A_333 : i32 to index
        %parallel_loop3A_335 = tpu.vector_load %arg7[%parallel_loop3A_334] {strides = array<i32>} : memref<65536xf32, #tpu.memory_space<vmem>>, vector<16xf32>,
        tpu.vector_store %arg7[%parallel_loop3A_334], %parallel_loop3A_331 {strides = array<i32>} : memref<65536xf32, #tpu.memory_space<vmem>>, vector<16xf32>,
        %parallel_loop3A_336 = arith.constant 16 : i32
        %parallel_loop3A_337 = arith.addi %parallel_loop3A_325, %parallel_loop3A_336 : i32
        %parallel_loop3A_338 = arith.index_cast %parallel_loop3A_337 : i32 to index
        %parallel_loop3A_339 = tpu.vector_load %arg5[%parallel_loop3A_338] {strides = array<i32>} : memref<6400xf32, #tpu.memory_space<vmem>>, vector<16xf32>,
        %parallel_loop3A_340 = arith.constant 16 : i32
        %parallel_loop3A_341 = arith.addi %parallel_loop3A_327, %parallel_loop3A_340 : i32
        %parallel_loop3A_342 = arith.index_cast %parallel_loop3A_341 : i32 to index
        %parallel_loop3A_343 = tpu.vector_load %arg7[%parallel_loop3A_342] {strides = array<i32>} : memref<65536xf32, #tpu.memory_space<vmem>>, vector<16xf32>,
        tpu.vector_store %arg7[%parallel_loop3A_342], %parallel_loop3A_339 {strides = array<i32>} : memref<65536xf32, #tpu.memory_space<vmem>>, vector<16xf32>,
        %parallel_loop3A_344 = arith.constant 32 : i32
        %parallel_loop3A_345 = arith.addi %parallel_loop3A_325, %parallel_loop3A_344 : i32
        %parallel_loop3A_346 = arith.index_cast %parallel_loop3A_345 : i32 to index
        %parallel_loop3A_347 = tpu.vector_load %arg5[%parallel_loop3A_346] {strides = array<i32>} : memref<6400xf32, #tpu.memory_space<vmem>>, vector<16xf32>,
        %parallel_loop3A_348 = arith.constant 32 : i32
        %parallel_loop3A_349 = arith.addi %parallel_loop3A_327, %parallel_loop3A_348 : i32
        %parallel_loop3A_350 = arith.index_cast %parallel_loop3A_349 : i32 to index
        %parallel_loop3A_351 = tpu.vector_load %arg7[%parallel_loop3A_350] {strides = array<i32>} : memref<65536xf32, #tpu.memory_space<vmem>>, vector<16xf32>,
        tpu.vector_store %arg7[%parallel_loop3A_350], %parallel_loop3A_347 {strides = array<i32>} : memref<65536xf32, #tpu.memory_space<vmem>>, vector<16xf32>,
        %parallel_loop3A_352 = arith.constant 48 : i32
        %parallel_loop3A_353 = arith.addi %parallel_loop3A_325, %parallel_loop3A_352 : i32
        %parallel_loop3A_354 = arith.index_cast %parallel_loop3A_353 : i32 to index
        %parallel_loop3A_355 = tpu.vector_load %arg5[%parallel_loop3A_354] {strides = array<i32>} : memref<6400xf32, #tpu.memory_space<vmem>>, vector<16xf32>,
        %parallel_loop3A_356 = arith.constant 48 : i32
        %parallel_loop3A_357 = arith.addi %parallel_loop3A_327, %parallel_loop3A_356 : i32
        %parallel_loop3A_358 = arith.index_cast %parallel_loop3A_357 : i32 to index
        %parallel_loop3A_359 = tpu.vector_load %arg7[%parallel_loop3A_358] {strides = array<i32>} : memref<65536xf32, #tpu.memory_space<vmem>>, vector<16xf32>,
        tpu.vector_store %arg7[%parallel_loop3A_358], %parallel_loop3A_355 {strides = array<i32>} : memref<65536xf32, #tpu.memory_space<vmem>>, vector<16xf32>,
        %parallel_loop3A_360 = vector.extract_strided_slice %parallel_loop3A_127 {offsets = [6], sizes = [1], strides = [1]} : vector<16xi32> to vector<1xi32>
        %parallel_loop3A_361 = vector.extract %parallel_loop3A_360[0] : i32 from vector<1xi32>
        %parallel_loop3A_362 = arith.constant 6 : i32
        %parallel_loop3A_363 = arith.shli %parallel_loop3A_361, %parallel_loop3A_362 : i32
        %parallel_loop3A_364 = arith.constant 384 : i32
        %parallel_loop3A_365 = arith.addi %parallel_loop3A_131, %parallel_loop3A_364 : i32
        %parallel_loop3A_366 = arith.constant 0 : i32
        %parallel_loop3A_367 = arith.addi %parallel_loop3A_363, %parallel_loop3A_366 : i32
        %parallel_loop3A_368 = arith.index_cast %parallel_loop3A_367 : i32 to index
        %parallel_loop3A_369 = tpu.vector_load %arg5[%parallel_loop3A_368] {strides = array<i32>} : memref<6400xf32, #tpu.memory_space<vmem>>, vector<16xf32>,
        %parallel_loop3A_370 = arith.constant 0 : i32
        %parallel_loop3A_371 = arith.addi %parallel_loop3A_365, %parallel_loop3A_370 : i32
        %parallel_loop3A_372 = arith.index_cast %parallel_loop3A_371 : i32 to index
        %parallel_loop3A_373 = tpu.vector_load %arg7[%parallel_loop3A_372] {strides = array<i32>} : memref<65536xf32, #tpu.memory_space<vmem>>, vector<16xf32>,
        tpu.vector_store %arg7[%parallel_loop3A_372], %parallel_loop3A_369 {strides = array<i32>} : memref<65536xf32, #tpu.memory_space<vmem>>, vector<16xf32>,
        %parallel_loop3A_374 = arith.constant 16 : i32
        %parallel_loop3A_375 = arith.addi %parallel_loop3A_363, %parallel_loop3A_374 : i32
        %parallel_loop3A_376 = arith.index_cast %parallel_loop3A_375 : i32 to index
        %parallel_loop3A_377 = tpu.vector_load %arg5[%parallel_loop3A_376] {strides = array<i32>} : memref<6400xf32, #tpu.memory_space<vmem>>, vector<16xf32>,
        %parallel_loop3A_378 = arith.constant 16 : i32
        %parallel_loop3A_379 = arith.addi %parallel_loop3A_365, %parallel_loop3A_378 : i32
        %parallel_loop3A_380 = arith.index_cast %parallel_loop3A_379 : i32 to index
        %parallel_loop3A_381 = tpu.vector_load %arg7[%parallel_loop3A_380] {strides = array<i32>} : memref<65536xf32, #tpu.memory_space<vmem>>, vector<16xf32>,
        tpu.vector_store %arg7[%parallel_loop3A_380], %parallel_loop3A_377 {strides = array<i32>} : memref<65536xf32, #tpu.memory_space<vmem>>, vector<16xf32>,
        %parallel_loop3A_382 = arith.constant 32 : i32
        %parallel_loop3A_383 = arith.addi %parallel_loop3A_363, %parallel_loop3A_382 : i32
        %parallel_loop3A_384 = arith.index_cast %parallel_loop3A_383 : i32 to index
        %parallel_loop3A_385 = tpu.vector_load %arg5[%parallel_loop3A_384] {strides = array<i32>} : memref<6400xf32, #tpu.memory_space<vmem>>, vector<16xf32>,
        %parallel_loop3A_386 = arith.constant 32 : i32
        %parallel_loop3A_387 = arith.addi %parallel_loop3A_365, %parallel_loop3A_386 : i32
        %parallel_loop3A_388 = arith.index_cast %parallel_loop3A_387 : i32 to index
        %parallel_loop3A_389 = tpu.vector_load %arg7[%parallel_loop3A_388] {strides = array<i32>} : memref<65536xf32, #tpu.memory_space<vmem>>, vector<16xf32>,
        tpu.vector_store %arg7[%parallel_loop3A_388], %parallel_loop3A_385 {strides = array<i32>} : memref<65536xf32, #tpu.memory_space<vmem>>, vector<16xf32>,
        %parallel_loop3A_390 = arith.constant 48 : i32
        %parallel_loop3A_391 = arith.addi %parallel_loop3A_363, %parallel_loop3A_390 : i32
        %parallel_loop3A_392 = arith.index_cast %parallel_loop3A_391 : i32 to index
        %parallel_loop3A_393 = tpu.vector_load %arg5[%parallel_loop3A_392] {strides = array<i32>} : memref<6400xf32, #tpu.memory_space<vmem>>, vector<16xf32>,
        %parallel_loop3A_394 = arith.constant 48 : i32
        %parallel_loop3A_395 = arith.addi %parallel_loop3A_365, %parallel_loop3A_394 : i32
        %parallel_loop3A_396 = arith.index_cast %parallel_loop3A_395 : i32 to index
        %parallel_loop3A_397 = tpu.vector_load %arg7[%parallel_loop3A_396] {strides = array<i32>} : memref<65536xf32, #tpu.memory_space<vmem>>, vector<16xf32>,
        tpu.vector_store %arg7[%parallel_loop3A_396], %parallel_loop3A_393 {strides = array<i32>} : memref<65536xf32, #tpu.memory_space<vmem>>, vector<16xf32>,
        %parallel_loop3A_398 = vector.extract_strided_slice %parallel_loop3A_127 {offsets = [7], sizes = [1], strides = [1]} : vector<16xi32> to vector<1xi32>
        %parallel_loop3A_399 = vector.extract %parallel_loop3A_398[0] : i32 from vector<1xi32>
        %parallel_loop3A_400 = arith.constant 6 : i32
        %parallel_loop3A_401 = arith.shli %parallel_loop3A_399, %parallel_loop3A_400 : i32
        %parallel_loop3A_402 = arith.constant 448 : i32
        %parallel_loop3A_403 = arith.addi %parallel_loop3A_131, %parallel_loop3A_402 : i32
        %parallel_loop3A_404 = arith.constant 0 : i32
        %parallel_loop3A_405 = arith.addi %parallel_loop3A_401, %parallel_loop3A_404 : i32
        %parallel_loop3A_406 = arith.index_cast %parallel_loop3A_405 : i32 to index
        %parallel_loop3A_407 = tpu.vector_load %arg5[%parallel_loop3A_406] {strides = array<i32>} : memref<6400xf32, #tpu.memory_space<vmem>>, vector<16xf32>,
        %parallel_loop3A_408 = arith.constant 0 : i32
        %parallel_loop3A_409 = arith.addi %parallel_loop3A_403, %parallel_loop3A_408 : i32
        %parallel_loop3A_410 = arith.index_cast %parallel_loop3A_409 : i32 to index
        %parallel_loop3A_411 = tpu.vector_load %arg7[%parallel_loop3A_410] {strides = array<i32>} : memref<65536xf32, #tpu.memory_space<vmem>>, vector<16xf32>,
        tpu.vector_store %arg7[%parallel_loop3A_410], %parallel_loop3A_407 {strides = array<i32>} : memref<65536xf32, #tpu.memory_space<vmem>>, vector<16xf32>,
        %parallel_loop3A_412 = arith.constant 16 : i32
        %parallel_loop3A_413 = arith.addi %parallel_loop3A_401, %parallel_loop3A_412 : i32
        %parallel_loop3A_414 = arith.index_cast %parallel_loop3A_413 : i32 to index
        %parallel_loop3A_415 = tpu.vector_load %arg5[%parallel_loop3A_414] {strides = array<i32>} : memref<6400xf32, #tpu.memory_space<vmem>>, vector<16xf32>,
        %parallel_loop3A_416 = arith.constant 16 : i32
        %parallel_loop3A_417 = arith.addi %parallel_loop3A_403, %parallel_loop3A_416 : i32
        %parallel_loop3A_418 = arith.index_cast %parallel_loop3A_417 : i32 to index
        %parallel_loop3A_419 = tpu.vector_load %arg7[%parallel_loop3A_418] {strides = array<i32>} : memref<65536xf32, #tpu.memory_space<vmem>>, vector<16xf32>,
        tpu.vector_store %arg7[%parallel_loop3A_418], %parallel_loop3A_415 {strides = array<i32>} : memref<65536xf32, #tpu.memory_space<vmem>>, vector<16xf32>,
        %parallel_loop3A_420 = arith.constant 32 : i32
        %parallel_loop3A_421 = arith.addi %parallel_loop3A_401, %parallel_loop3A_420 : i32
        %parallel_loop3A_422 = arith.index_cast %parallel_loop3A_421 : i32 to index
        %parallel_loop3A_423 = tpu.vector_load %arg5[%parallel_loop3A_422] {strides = array<i32>} : memref<6400xf32, #tpu.memory_space<vmem>>, vector<16xf32>,
        %parallel_loop3A_424 = arith.constant 32 : i32
        %parallel_loop3A_425 = arith.addi %parallel_loop3A_403, %parallel_loop3A_424 : i32
        %parallel_loop3A_426 = arith.index_cast %parallel_loop3A_425 : i32 to index
        %parallel_loop3A_427 = tpu.vector_load %arg7[%parallel_loop3A_426] {strides = array<i32>} : memref<65536xf32, #tpu.memory_space<vmem>>, vector<16xf32>,
        tpu.vector_store %arg7[%parallel_loop3A_426], %parallel_loop3A_423 {strides = array<i32>} : memref<65536xf32, #tpu.memory_space<vmem>>, vector<16xf32>,
        %parallel_loop3A_428 = arith.constant 48 : i32
        %parallel_loop3A_429 = arith.addi %parallel_loop3A_401, %parallel_loop3A_428 : i32
        %parallel_loop3A_430 = arith.index_cast %parallel_loop3A_429 : i32 to index
        %parallel_loop3A_431 = tpu.vector_load %arg5[%parallel_loop3A_430] {strides = array<i32>} : memref<6400xf32, #tpu.memory_space<vmem>>, vector<16xf32>,
        %parallel_loop3A_432 = arith.constant 48 : i32
        %parallel_loop3A_433 = arith.addi %parallel_loop3A_403, %parallel_loop3A_432 : i32
        %parallel_loop3A_434 = arith.index_cast %parallel_loop3A_433 : i32 to index
        %parallel_loop3A_435 = tpu.vector_load %arg7[%parallel_loop3A_434] {strides = array<i32>} : memref<65536xf32, #tpu.memory_space<vmem>>, vector<16xf32>,
        tpu.vector_store %arg7[%parallel_loop3A_434], %parallel_loop3A_431 {strides = array<i32>} : memref<65536xf32, #tpu.memory_space<vmem>>, vector<16xf32>,
        %parallel_loop3A_436 = vector.extract_strided_slice %parallel_loop3A_127 {offsets = [8], sizes = [1], strides = [1]} : vector<16xi32> to vector<1xi32>
        %parallel_loop3A_437 = vector.extract %parallel_loop3A_436[0] : i32 from vector<1xi32>
        %parallel_loop3A_438 = arith.constant 6 : i32
        %parallel_loop3A_439 = arith.shli %parallel_loop3A_437, %parallel_loop3A_438 : i32
        %parallel_loop3A_440 = arith.constant 512 : i32
        %parallel_loop3A_441 = arith.addi %parallel_loop3A_131, %parallel_loop3A_440 : i32
        %parallel_loop3A_442 = arith.constant 0 : i32
        %parallel_loop3A_443 = arith.addi %parallel_loop3A_439, %parallel_loop3A_442 : i32
        %parallel_loop3A_444 = arith.index_cast %parallel_loop3A_443 : i32 to index
        %parallel_loop3A_445 = tpu.vector_load %arg5[%parallel_loop3A_444] {strides = array<i32>} : memref<6400xf32, #tpu.memory_space<vmem>>, vector<16xf32>,
        %parallel_loop3A_446 = arith.constant 0 : i32
        %parallel_loop3A_447 = arith.addi %parallel_loop3A_441, %parallel_loop3A_446 : i32
        %parallel_loop3A_448 = arith.index_cast %parallel_loop3A_447 : i32 to index
        %parallel_loop3A_449 = tpu.vector_load %arg7[%parallel_loop3A_448] {strides = array<i32>} : memref<65536xf32, #tpu.memory_space<vmem>>, vector<16xf32>,
        tpu.vector_store %arg7[%parallel_loop3A_448], %parallel_loop3A_445 {strides = array<i32>} : memref<65536xf32, #tpu.memory_space<vmem>>, vector<16xf32>,
        %parallel_loop3A_450 = arith.constant 16 : i32
        %parallel_loop3A_451 = arith.addi %parallel_loop3A_439, %parallel_loop3A_450 : i32
        %parallel_loop3A_452 = arith.index_cast %parallel_loop3A_451 : i32 to index
        %parallel_loop3A_453 = tpu.vector_load %arg5[%parallel_loop3A_452] {strides = array<i32>} : memref<6400xf32, #tpu.memory_space<vmem>>, vector<16xf32>,
        %parallel_loop3A_454 = arith.constant 16 : i32
        %parallel_loop3A_455 = arith.addi %parallel_loop3A_441, %parallel_loop3A_454 : i32
        %parallel_loop3A_456 = arith.index_cast %parallel_loop3A_455 : i32 to index
        %parallel_loop3A_457 = tpu.vector_load %arg7[%parallel_loop3A_456] {strides = array<i32>} : memref<65536xf32, #tpu.memory_space<vmem>>, vector<16xf32>,
        tpu.vector_store %arg7[%parallel_loop3A_456], %parallel_loop3A_453 {strides = array<i32>} : memref<65536xf32, #tpu.memory_space<vmem>>, vector<16xf32>,
        %parallel_loop3A_458 = arith.constant 32 : i32
        %parallel_loop3A_459 = arith.addi %parallel_loop3A_439, %parallel_loop3A_458 : i32
        %parallel_loop3A_460 = arith.index_cast %parallel_loop3A_459 : i32 to index
        %parallel_loop3A_461 = tpu.vector_load %arg5[%parallel_loop3A_460] {strides = array<i32>} : memref<6400xf32, #tpu.memory_space<vmem>>, vector<16xf32>,
        %parallel_loop3A_462 = arith.constant 32 : i32
        %parallel_loop3A_463 = arith.addi %parallel_loop3A_441, %parallel_loop3A_462 : i32
        %parallel_loop3A_464 = arith.index_cast %parallel_loop3A_463 : i32 to index
        %parallel_loop3A_465 = tpu.vector_load %arg7[%parallel_loop3A_464] {strides = array<i32>} : memref<65536xf32, #tpu.memory_space<vmem>>, vector<16xf32>,
        tpu.vector_store %arg7[%parallel_loop3A_464], %parallel_loop3A_461 {strides = array<i32>} : memref<65536xf32, #tpu.memory_space<vmem>>, vector<16xf32>,
        %parallel_loop3A_466 = arith.constant 48 : i32
        %parallel_loop3A_467 = arith.addi %parallel_loop3A_439, %parallel_loop3A_466 : i32
        %parallel_loop3A_468 = arith.index_cast %parallel_loop3A_467 : i32 to index
        %parallel_loop3A_469 = tpu.vector_load %arg5[%parallel_loop3A_468] {strides = array<i32>} : memref<6400xf32, #tpu.memory_space<vmem>>, vector<16xf32>,
        %parallel_loop3A_470 = arith.constant 48 : i32
        %parallel_loop3A_471 = arith.addi %parallel_loop3A_441, %parallel_loop3A_470 : i32
        %parallel_loop3A_472 = arith.index_cast %parallel_loop3A_471 : i32 to index
        %parallel_loop3A_473 = tpu.vector_load %arg7[%parallel_loop3A_472] {strides = array<i32>} : memref<65536xf32, #tpu.memory_space<vmem>>, vector<16xf32>,
        tpu.vector_store %arg7[%parallel_loop3A_472], %parallel_loop3A_469 {strides = array<i32>} : memref<65536xf32, #tpu.memory_space<vmem>>, vector<16xf32>,
        %parallel_loop3A_474 = vector.extract_strided_slice %parallel_loop3A_127 {offsets = [9], sizes = [1], strides = [1]} : vector<16xi32> to vector<1xi32>
        %parallel_loop3A_475 = vector.extract %parallel_loop3A_474[0] : i32 from vector<1xi32>
        %parallel_loop3A_476 = arith.constant 6 : i32
        %parallel_loop3A_477 = arith.shli %parallel_loop3A_475, %parallel_loop3A_476 : i32
        %parallel_loop3A_478 = arith.constant 576 : i32
        %parallel_loop3A_479 = arith.addi %parallel_loop3A_131, %parallel_loop3A_478 : i32
        %parallel_loop3A_480 = arith.constant 0 : i32
        %parallel_loop3A_481 = arith.addi %parallel_loop3A_477, %parallel_loop3A_480 : i32
        %parallel_loop3A_482 = arith.index_cast %parallel_loop3A_481 : i32 to index
        %parallel_loop3A_483 = tpu.vector_load %arg5[%parallel_loop3A_482] {strides = array<i32>} : memref<6400xf32, #tpu.memory_space<vmem>>, vector<16xf32>,
        %parallel_loop3A_484 = arith.constant 0 : i32
        %parallel_loop3A_485 = arith.addi %parallel_loop3A_479, %parallel_loop3A_484 : i32
        %parallel_loop3A_486 = arith.index_cast %parallel_loop3A_485 : i32 to index
        %parallel_loop3A_487 = tpu.vector_load %arg7[%parallel_loop3A_486] {strides = array<i32>} : memref<65536xf32, #tpu.memory_space<vmem>>, vector<16xf32>,
        tpu.vector_store %arg7[%parallel_loop3A_486], %parallel_loop3A_483 {strides = array<i32>} : memref<65536xf32, #tpu.memory_space<vmem>>, vector<16xf32>,
        %parallel_loop3A_488 = arith.constant 16 : i32
        %parallel_loop3A_489 = arith.addi %parallel_loop3A_477, %parallel_loop3A_488 : i32
        %parallel_loop3A_490 = arith.index_cast %parallel_loop3A_489 : i32 to index
        %parallel_loop3A_491 = tpu.vector_load %arg5[%parallel_loop3A_490] {strides = array<i32>} : memref<6400xf32, #tpu.memory_space<vmem>>, vector<16xf32>,
        %parallel_loop3A_492 = arith.constant 16 : i32
        %parallel_loop3A_493 = arith.addi %parallel_loop3A_479, %parallel_loop3A_492 : i32
        %parallel_loop3A_494 = arith.index_cast %parallel_loop3A_493 : i32 to index
        %parallel_loop3A_495 = tpu.vector_load %arg7[%parallel_loop3A_494] {strides = array<i32>} : memref<65536xf32, #tpu.memory_space<vmem>>, vector<16xf32>,
        tpu.vector_store %arg7[%parallel_loop3A_494], %parallel_loop3A_491 {strides = array<i32>} : memref<65536xf32, #tpu.memory_space<vmem>>, vector<16xf32>,
        %parallel_loop3A_496 = arith.constant 32 : i32
        %parallel_loop3A_497 = arith.addi %parallel_loop3A_477, %parallel_loop3A_496 : i32
        %parallel_loop3A_498 = arith.index_cast %parallel_loop3A_497 : i32 to index
        %parallel_loop3A_499 = tpu.vector_load %arg5[%parallel_loop3A_498] {strides = array<i32>} : memref<6400xf32, #tpu.memory_space<vmem>>, vector<16xf32>,
        %parallel_loop3A_500 = arith.constant 32 : i32
        %parallel_loop3A_501 = arith.addi %parallel_loop3A_479, %parallel_loop3A_500 : i32
        %parallel_loop3A_502 = arith.index_cast %parallel_loop3A_501 : i32 to index
        %parallel_loop3A_503 = tpu.vector_load %arg7[%parallel_loop3A_502] {strides = array<i32>} : memref<65536xf32, #tpu.memory_space<vmem>>, vector<16xf32>,
        tpu.vector_store %arg7[%parallel_loop3A_502], %parallel_loop3A_499 {strides = array<i32>} : memref<65536xf32, #tpu.memory_space<vmem>>, vector<16xf32>,
        %parallel_loop3A_504 = arith.constant 48 : i32
        %parallel_loop3A_505 = arith.addi %parallel_loop3A_477, %parallel_loop3A_504 : i32
        %parallel_loop3A_506 = arith.index_cast %parallel_loop3A_505 : i32 to index
        %parallel_loop3A_507 = tpu.vector_load %arg5[%parallel_loop3A_506] {strides = array<i32>} : memref<6400xf32, #tpu.memory_space<vmem>>, vector<16xf32>,
        %parallel_loop3A_508 = arith.constant 48 : i32
        %parallel_loop3A_509 = arith.addi %parallel_loop3A_479, %parallel_loop3A_508 : i32
        %parallel_loop3A_510 = arith.index_cast %parallel_loop3A_509 : i32 to index
        %parallel_loop3A_511 = tpu.vector_load %arg7[%parallel_loop3A_510] {strides = array<i32>} : memref<65536xf32, #tpu.memory_space<vmem>>, vector<16xf32>,
        tpu.vector_store %arg7[%parallel_loop3A_510], %parallel_loop3A_507 {strides = array<i32>} : memref<65536xf32, #tpu.memory_space<vmem>>, vector<16xf32>,
        %parallel_loop3A_512 = vector.extract_strided_slice %parallel_loop3A_127 {offsets = [10], sizes = [1], strides = [1]} : vector<16xi32> to vector<1xi32>
        %parallel_loop3A_513 = vector.extract %parallel_loop3A_512[0] : i32 from vector<1xi32>
        %parallel_loop3A_514 = arith.constant 6 : i32
        %parallel_loop3A_515 = arith.shli %parallel_loop3A_513, %parallel_loop3A_514 : i32
        %parallel_loop3A_516 = arith.constant 640 : i32
        %parallel_loop3A_517 = arith.addi %parallel_loop3A_131, %parallel_loop3A_516 : i32
        %parallel_loop3A_518 = arith.constant 0 : i32
        %parallel_loop3A_519 = arith.addi %parallel_loop3A_515, %parallel_loop3A_518 : i32
        %parallel_loop3A_520 = arith.index_cast %parallel_loop3A_519 : i32 to index
        %parallel_loop3A_521 = tpu.vector_load %arg5[%parallel_loop3A_520] {strides = array<i32>} : memref<6400xf32, #tpu.memory_space<vmem>>, vector<16xf32>,
        %parallel_loop3A_522 = arith.constant 0 : i32
        %parallel_loop3A_523 = arith.addi %parallel_loop3A_517, %parallel_loop3A_522 : i32
        %parallel_loop3A_524 = arith.index_cast %parallel_loop3A_523 : i32 to index
        %parallel_loop3A_525 = tpu.vector_load %arg7[%parallel_loop3A_524] {strides = array<i32>} : memref<65536xf32, #tpu.memory_space<vmem>>, vector<16xf32>,
        tpu.vector_store %arg7[%parallel_loop3A_524], %parallel_loop3A_521 {strides = array<i32>} : memref<65536xf32, #tpu.memory_space<vmem>>, vector<16xf32>,
        %parallel_loop3A_526 = arith.constant 16 : i32
        %parallel_loop3A_527 = arith.addi %parallel_loop3A_515, %parallel_loop3A_526 : i32
        %parallel_loop3A_528 = arith.index_cast %parallel_loop3A_527 : i32 to index
        %parallel_loop3A_529 = tpu.vector_load %arg5[%parallel_loop3A_528] {strides = array<i32>} : memref<6400xf32, #tpu.memory_space<vmem>>, vector<16xf32>,
        %parallel_loop3A_530 = arith.constant 16 : i32
        %parallel_loop3A_531 = arith.addi %parallel_loop3A_517, %parallel_loop3A_530 : i32
        %parallel_loop3A_532 = arith.index_cast %parallel_loop3A_531 : i32 to index
        %parallel_loop3A_533 = tpu.vector_load %arg7[%parallel_loop3A_532] {strides = array<i32>} : memref<65536xf32, #tpu.memory_space<vmem>>, vector<16xf32>,
        tpu.vector_store %arg7[%parallel_loop3A_532], %parallel_loop3A_529 {strides = array<i32>} : memref<65536xf32, #tpu.memory_space<vmem>>, vector<16xf32>,
        %parallel_loop3A_534 = arith.constant 32 : i32
        %parallel_loop3A_535 = arith.addi %parallel_loop3A_515, %parallel_loop3A_534 : i32
        %parallel_loop3A_536 = arith.index_cast %parallel_loop3A_535 : i32 to index
        %parallel_loop3A_537 = tpu.vector_load %arg5[%parallel_loop3A_536] {strides = array<i32>} : memref<6400xf32, #tpu.memory_space<vmem>>, vector<16xf32>,
        %parallel_loop3A_538 = arith.constant 32 : i32
        %parallel_loop3A_539 = arith.addi %parallel_loop3A_517, %parallel_loop3A_538 : i32
        %parallel_loop3A_540 = arith.index_cast %parallel_loop3A_539 : i32 to index
        %parallel_loop3A_541 = tpu.vector_load %arg7[%parallel_loop3A_540] {strides = array<i32>} : memref<65536xf32, #tpu.memory_space<vmem>>, vector<16xf32>,
        tpu.vector_store %arg7[%parallel_loop3A_540], %parallel_loop3A_537 {strides = array<i32>} : memref<65536xf32, #tpu.memory_space<vmem>>, vector<16xf32>,
        %parallel_loop3A_542 = arith.constant 48 : i32
        %parallel_loop3A_543 = arith.addi %parallel_loop3A_515, %parallel_loop3A_542 : i32
        %parallel_loop3A_544 = arith.index_cast %parallel_loop3A_543 : i32 to index
        %parallel_loop3A_545 = tpu.vector_load %arg5[%parallel_loop3A_544] {strides = array<i32>} : memref<6400xf32, #tpu.memory_space<vmem>>, vector<16xf32>,
        %parallel_loop3A_546 = arith.constant 48 : i32
        %parallel_loop3A_547 = arith.addi %parallel_loop3A_517, %parallel_loop3A_546 : i32
        %parallel_loop3A_548 = arith.index_cast %parallel_loop3A_547 : i32 to index
        %parallel_loop3A_549 = tpu.vector_load %arg7[%parallel_loop3A_548] {strides = array<i32>} : memref<65536xf32, #tpu.memory_space<vmem>>, vector<16xf32>,
        tpu.vector_store %arg7[%parallel_loop3A_548], %parallel_loop3A_545 {strides = array<i32>} : memref<65536xf32, #tpu.memory_space<vmem>>, vector<16xf32>,
        %parallel_loop3A_550 = vector.extract_strided_slice %parallel_loop3A_127 {offsets = [11], sizes = [1], strides = [1]} : vector<16xi32> to vector<1xi32>
        %parallel_loop3A_551 = vector.extract %parallel_loop3A_550[0] : i32 from vector<1xi32>
        %parallel_loop3A_552 = arith.constant 6 : i32
        %parallel_loop3A_553 = arith.shli %parallel_loop3A_551, %parallel_loop3A_552 : i32
        %parallel_loop3A_554 = arith.constant 704 : i32
        %parallel_loop3A_555 = arith.addi %parallel_loop3A_131, %parallel_loop3A_554 : i32
        %parallel_loop3A_556 = arith.constant 0 : i32
        %parallel_loop3A_557 = arith.addi %parallel_loop3A_553, %parallel_loop3A_556 : i32
        %parallel_loop3A_558 = arith.index_cast %parallel_loop3A_557 : i32 to index
        %parallel_loop3A_559 = tpu.vector_load %arg5[%parallel_loop3A_558] {strides = array<i32>} : memref<6400xf32, #tpu.memory_space<vmem>>, vector<16xf32>,
        %parallel_loop3A_560 = arith.constant 0 : i32
        %parallel_loop3A_561 = arith.addi %parallel_loop3A_555, %parallel_loop3A_560 : i32
        %parallel_loop3A_562 = arith.index_cast %parallel_loop3A_561 : i32 to index
        %parallel_loop3A_563 = tpu.vector_load %arg7[%parallel_loop3A_562] {strides = array<i32>} : memref<65536xf32, #tpu.memory_space<vmem>>, vector<16xf32>,
        tpu.vector_store %arg7[%parallel_loop3A_562], %parallel_loop3A_559 {strides = array<i32>} : memref<65536xf32, #tpu.memory_space<vmem>>, vector<16xf32>,
        %parallel_loop3A_564 = arith.constant 16 : i32
        %parallel_loop3A_565 = arith.addi %parallel_loop3A_553, %parallel_loop3A_564 : i32
        %parallel_loop3A_566 = arith.index_cast %parallel_loop3A_565 : i32 to index
        %parallel_loop3A_567 = tpu.vector_load %arg5[%parallel_loop3A_566] {strides = array<i32>} : memref<6400xf32, #tpu.memory_space<vmem>>, vector<16xf32>,
        %parallel_loop3A_568 = arith.constant 16 : i32
        %parallel_loop3A_569 = arith.addi %parallel_loop3A_555, %parallel_loop3A_568 : i32
        %parallel_loop3A_570 = arith.index_cast %parallel_loop3A_569 : i32 to index
        %parallel_loop3A_571 = tpu.vector_load %arg7[%parallel_loop3A_570] {strides = array<i32>} : memref<65536xf32, #tpu.memory_space<vmem>>, vector<16xf32>,
        tpu.vector_store %arg7[%parallel_loop3A_570], %parallel_loop3A_567 {strides = array<i32>} : memref<65536xf32, #tpu.memory_space<vmem>>, vector<16xf32>,
        %parallel_loop3A_572 = arith.constant 32 : i32
        %parallel_loop3A_573 = arith.addi %parallel_loop3A_553, %parallel_loop3A_572 : i32
        %parallel_loop3A_574 = arith.index_cast %parallel_loop3A_573 : i32 to index
        %parallel_loop3A_575 = tpu.vector_load %arg5[%parallel_loop3A_574] {strides = array<i32>} : memref<6400xf32, #tpu.memory_space<vmem>>, vector<16xf32>,
        %parallel_loop3A_576 = arith.constant 32 : i32
        %parallel_loop3A_577 = arith.addi %parallel_loop3A_555, %parallel_loop3A_576 : i32
        %parallel_loop3A_578 = arith.index_cast %parallel_loop3A_577 : i32 to index
        %parallel_loop3A_579 = tpu.vector_load %arg7[%parallel_loop3A_578] {strides = array<i32>} : memref<65536xf32, #tpu.memory_space<vmem>>, vector<16xf32>,
        tpu.vector_store %arg7[%parallel_loop3A_578], %parallel_loop3A_575 {strides = array<i32>} : memref<65536xf32, #tpu.memory_space<vmem>>, vector<16xf32>,
        %parallel_loop3A_580 = arith.constant 48 : i32
        %parallel_loop3A_581 = arith.addi %parallel_loop3A_553, %parallel_loop3A_580 : i32
        %parallel_loop3A_582 = arith.index_cast %parallel_loop3A_581 : i32 to index
        %parallel_loop3A_583 = tpu.vector_load %arg5[%parallel_loop3A_582] {strides = array<i32>} : memref<6400xf32, #tpu.memory_space<vmem>>, vector<16xf32>,
        %parallel_loop3A_584 = arith.constant 48 : i32
        %parallel_loop3A_585 = arith.addi %parallel_loop3A_555, %parallel_loop3A_584 : i32
        %parallel_loop3A_586 = arith.index_cast %parallel_loop3A_585 : i32 to index
        %parallel_loop3A_587 = tpu.vector_load %arg7[%parallel_loop3A_586] {strides = array<i32>} : memref<65536xf32, #tpu.memory_space<vmem>>, vector<16xf32>,
        tpu.vector_store %arg7[%parallel_loop3A_586], %parallel_loop3A_583 {strides = array<i32>} : memref<65536xf32, #tpu.memory_space<vmem>>, vector<16xf32>,
        %parallel_loop3A_588 = vector.extract_strided_slice %parallel_loop3A_127 {offsets = [12], sizes = [1], strides = [1]} : vector<16xi32> to vector<1xi32>
        %parallel_loop3A_589 = vector.extract %parallel_loop3A_588[0] : i32 from vector<1xi32>
        %parallel_loop3A_590 = arith.constant 6 : i32
        %parallel_loop3A_591 = arith.shli %parallel_loop3A_589, %parallel_loop3A_590 : i32
        %parallel_loop3A_592 = arith.constant 768 : i32
        %parallel_loop3A_593 = arith.addi %parallel_loop3A_131, %parallel_loop3A_592 : i32
        %parallel_loop3A_594 = arith.constant 0 : i32
        %parallel_loop3A_595 = arith.addi %parallel_loop3A_591, %parallel_loop3A_594 : i32
        %parallel_loop3A_596 = arith.index_cast %parallel_loop3A_595 : i32 to index
        %parallel_loop3A_597 = tpu.vector_load %arg5[%parallel_loop3A_596] {strides = array<i32>} : memref<6400xf32, #tpu.memory_space<vmem>>, vector<16xf32>,
        %parallel_loop3A_598 = arith.constant 0 : i32
        %parallel_loop3A_599 = arith.addi %parallel_loop3A_593, %parallel_loop3A_598 : i32
        %parallel_loop3A_600 = arith.index_cast %parallel_loop3A_599 : i32 to index
        %parallel_loop3A_601 = tpu.vector_load %arg7[%parallel_loop3A_600] {strides = array<i32>} : memref<65536xf32, #tpu.memory_space<vmem>>, vector<16xf32>,
        tpu.vector_store %arg7[%parallel_loop3A_600], %parallel_loop3A_597 {strides = array<i32>} : memref<65536xf32, #tpu.memory_space<vmem>>, vector<16xf32>,
        %parallel_loop3A_602 = arith.constant 16 : i32
        %parallel_loop3A_603 = arith.addi %parallel_loop3A_591, %parallel_loop3A_602 : i32
        %parallel_loop3A_604 = arith.index_cast %parallel_loop3A_603 : i32 to index
        %parallel_loop3A_605 = tpu.vector_load %arg5[%parallel_loop3A_604] {strides = array<i32>} : memref<6400xf32, #tpu.memory_space<vmem>>, vector<16xf32>,
        %parallel_loop3A_606 = arith.constant 16 : i32
        %parallel_loop3A_607 = arith.addi %parallel_loop3A_593, %parallel_loop3A_606 : i32
        %parallel_loop3A_608 = arith.index_cast %parallel_loop3A_607 : i32 to index
        %parallel_loop3A_609 = tpu.vector_load %arg7[%parallel_loop3A_608] {strides = array<i32>} : memref<65536xf32, #tpu.memory_space<vmem>>, vector<16xf32>,
        tpu.vector_store %arg7[%parallel_loop3A_608], %parallel_loop3A_605 {strides = array<i32>} : memref<65536xf32, #tpu.memory_space<vmem>>, vector<16xf32>,
        %parallel_loop3A_610 = arith.constant 32 : i32
        %parallel_loop3A_611 = arith.addi %parallel_loop3A_591, %parallel_loop3A_610 : i32
        %parallel_loop3A_612 = arith.index_cast %parallel_loop3A_611 : i32 to index
        %parallel_loop3A_613 = tpu.vector_load %arg5[%parallel_loop3A_612] {strides = array<i32>} : memref<6400xf32, #tpu.memory_space<vmem>>, vector<16xf32>,
        %parallel_loop3A_614 = arith.constant 32 : i32
        %parallel_loop3A_615 = arith.addi %parallel_loop3A_593, %parallel_loop3A_614 : i32
        %parallel_loop3A_616 = arith.index_cast %parallel_loop3A_615 : i32 to index
        %parallel_loop3A_617 = tpu.vector_load %arg7[%parallel_loop3A_616] {strides = array<i32>} : memref<65536xf32, #tpu.memory_space<vmem>>, vector<16xf32>,
        tpu.vector_store %arg7[%parallel_loop3A_616], %parallel_loop3A_613 {strides = array<i32>} : memref<65536xf32, #tpu.memory_space<vmem>>, vector<16xf32>,
        %parallel_loop3A_618 = arith.constant 48 : i32
        %parallel_loop3A_619 = arith.addi %parallel_loop3A_591, %parallel_loop3A_618 : i32
        %parallel_loop3A_620 = arith.index_cast %parallel_loop3A_619 : i32 to index
        %parallel_loop3A_621 = tpu.vector_load %arg5[%parallel_loop3A_620] {strides = array<i32>} : memref<6400xf32, #tpu.memory_space<vmem>>, vector<16xf32>,
        %parallel_loop3A_622 = arith.constant 48 : i32
        %parallel_loop3A_623 = arith.addi %parallel_loop3A_593, %parallel_loop3A_622 : i32
        %parallel_loop3A_624 = arith.index_cast %parallel_loop3A_623 : i32 to index
        %parallel_loop3A_625 = tpu.vector_load %arg7[%parallel_loop3A_624] {strides = array<i32>} : memref<65536xf32, #tpu.memory_space<vmem>>, vector<16xf32>,
        tpu.vector_store %arg7[%parallel_loop3A_624], %parallel_loop3A_621 {strides = array<i32>} : memref<65536xf32, #tpu.memory_space<vmem>>, vector<16xf32>,
        %parallel_loop3A_626 = vector.extract_strided_slice %parallel_loop3A_127 {offsets = [13], sizes = [1], strides = [1]} : vector<16xi32> to vector<1xi32>
        %parallel_loop3A_627 = vector.extract %parallel_loop3A_626[0] : i32 from vector<1xi32>
        %parallel_loop3A_628 = arith.constant 6 : i32
        %parallel_loop3A_629 = arith.shli %parallel_loop3A_627, %parallel_loop3A_628 : i32
        %parallel_loop3A_630 = arith.constant 832 : i32
        %parallel_loop3A_631 = arith.addi %parallel_loop3A_131, %parallel_loop3A_630 : i32
        %parallel_loop3A_632 = arith.constant 0 : i32
        %parallel_loop3A_633 = arith.addi %parallel_loop3A_629, %parallel_loop3A_632 : i32
        %parallel_loop3A_634 = arith.index_cast %parallel_loop3A_633 : i32 to index
        %parallel_loop3A_635 = tpu.vector_load %arg5[%parallel_loop3A_634] {strides = array<i32>} : memref<6400xf32, #tpu.memory_space<vmem>>, vector<16xf32>,
        %parallel_loop3A_636 = arith.constant 0 : i32
        %parallel_loop3A_637 = arith.addi %parallel_loop3A_631, %parallel_loop3A_636 : i32
        %parallel_loop3A_638 = arith.index_cast %parallel_loop3A_637 : i32 to index
        %parallel_loop3A_639 = tpu.vector_load %arg7[%parallel_loop3A_638] {strides = array<i32>} : memref<65536xf32, #tpu.memory_space<vmem>>, vector<16xf32>,
        tpu.vector_store %arg7[%parallel_loop3A_638], %parallel_loop3A_635 {strides = array<i32>} : memref<65536xf32, #tpu.memory_space<vmem>>, vector<16xf32>,
        %parallel_loop3A_640 = arith.constant 16 : i32
        %parallel_loop3A_641 = arith.addi %parallel_loop3A_629, %parallel_loop3A_640 : i32
        %parallel_loop3A_642 = arith.index_cast %parallel_loop3A_641 : i32 to index
        %parallel_loop3A_643 = tpu.vector_load %arg5[%parallel_loop3A_642] {strides = array<i32>} : memref<6400xf32, #tpu.memory_space<vmem>>, vector<16xf32>,
        %parallel_loop3A_644 = arith.constant 16 : i32
        %parallel_loop3A_645 = arith.addi %parallel_loop3A_631, %parallel_loop3A_644 : i32
        %parallel_loop3A_646 = arith.index_cast %parallel_loop3A_645 : i32 to index
        %parallel_loop3A_647 = tpu.vector_load %arg7[%parallel_loop3A_646] {strides = array<i32>} : memref<65536xf32, #tpu.memory_space<vmem>>, vector<16xf32>,
        tpu.vector_store %arg7[%parallel_loop3A_646], %parallel_loop3A_643 {strides = array<i32>} : memref<65536xf32, #tpu.memory_space<vmem>>, vector<16xf32>,
        %parallel_loop3A_648 = arith.constant 32 : i32
        %parallel_loop3A_649 = arith.addi %parallel_loop3A_629, %parallel_loop3A_648 : i32
        %parallel_loop3A_650 = arith.index_cast %parallel_loop3A_649 : i32 to index
        %parallel_loop3A_651 = tpu.vector_load %arg5[%parallel_loop3A_650] {strides = array<i32>} : memref<6400xf32, #tpu.memory_space<vmem>>, vector<16xf32>,
        %parallel_loop3A_652 = arith.constant 32 : i32
        %parallel_loop3A_653 = arith.addi %parallel_loop3A_631, %parallel_loop3A_652 : i32
        %parallel_loop3A_654 = arith.index_cast %parallel_loop3A_653 : i32 to index
        %parallel_loop3A_655 = tpu.vector_load %arg7[%parallel_loop3A_654] {strides = array<i32>} : memref<65536xf32, #tpu.memory_space<vmem>>, vector<16xf32>,
        tpu.vector_store %arg7[%parallel_loop3A_654], %parallel_loop3A_651 {strides = array<i32>} : memref<65536xf32, #tpu.memory_space<vmem>>, vector<16xf32>,
        %parallel_loop3A_656 = arith.constant 48 : i32
        %parallel_loop3A_657 = arith.addi %parallel_loop3A_629, %parallel_loop3A_656 : i32
        %parallel_loop3A_658 = arith.index_cast %parallel_loop3A_657 : i32 to index
        %parallel_loop3A_659 = tpu.vector_load %arg5[%parallel_loop3A_658] {strides = array<i32>} : memref<6400xf32, #tpu.memory_space<vmem>>, vector<16xf32>,
        %parallel_loop3A_660 = arith.constant 48 : i32
        %parallel_loop3A_661 = arith.addi %parallel_loop3A_631, %parallel_loop3A_660 : i32
        %parallel_loop3A_662 = arith.index_cast %parallel_loop3A_661 : i32 to index
        %parallel_loop3A_663 = tpu.vector_load %arg7[%parallel_loop3A_662] {strides = array<i32>} : memref<65536xf32, #tpu.memory_space<vmem>>, vector<16xf32>,
        tpu.vector_store %arg7[%parallel_loop3A_662], %parallel_loop3A_659 {strides = array<i32>} : memref<65536xf32, #tpu.memory_space<vmem>>, vector<16xf32>,
        %parallel_loop3A_664 = vector.extract_strided_slice %parallel_loop3A_127 {offsets = [14], sizes = [1], strides = [1]} : vector<16xi32> to vector<1xi32>
        %parallel_loop3A_665 = vector.extract %parallel_loop3A_664[0] : i32 from vector<1xi32>
        %parallel_loop3A_666 = arith.constant 6 : i32
        %parallel_loop3A_667 = arith.shli %parallel_loop3A_665, %parallel_loop3A_666 : i32
        %parallel_loop3A_668 = arith.constant 896 : i32
        %parallel_loop3A_669 = arith.addi %parallel_loop3A_131, %parallel_loop3A_668 : i32
        %parallel_loop3A_670 = arith.constant 0 : i32
        %parallel_loop3A_671 = arith.addi %parallel_loop3A_667, %parallel_loop3A_670 : i32
        %parallel_loop3A_672 = arith.index_cast %parallel_loop3A_671 : i32 to index
        %parallel_loop3A_673 = tpu.vector_load %arg5[%parallel_loop3A_672] {strides = array<i32>} : memref<6400xf32, #tpu.memory_space<vmem>>, vector<16xf32>,
        %parallel_loop3A_674 = arith.constant 0 : i32
        %parallel_loop3A_675 = arith.addi %parallel_loop3A_669, %parallel_loop3A_674 : i32
        %parallel_loop3A_676 = arith.index_cast %parallel_loop3A_675 : i32 to index
        %parallel_loop3A_677 = tpu.vector_load %arg7[%parallel_loop3A_676] {strides = array<i32>} : memref<65536xf32, #tpu.memory_space<vmem>>, vector<16xf32>,
        tpu.vector_store %arg7[%parallel_loop3A_676], %parallel_loop3A_673 {strides = array<i32>} : memref<65536xf32, #tpu.memory_space<vmem>>, vector<16xf32>,
        %parallel_loop3A_678 = arith.constant 16 : i32
        %parallel_loop3A_679 = arith.addi %parallel_loop3A_667, %parallel_loop3A_678 : i32
        %parallel_loop3A_680 = arith.index_cast %parallel_loop3A_679 : i32 to index
        %parallel_loop3A_681 = tpu.vector_load %arg5[%parallel_loop3A_680] {strides = array<i32>} : memref<6400xf32, #tpu.memory_space<vmem>>, vector<16xf32>,
        %parallel_loop3A_682 = arith.constant 16 : i32
        %parallel_loop3A_683 = arith.addi %parallel_loop3A_669, %parallel_loop3A_682 : i32
        %parallel_loop3A_684 = arith.index_cast %parallel_loop3A_683 : i32 to index
        %parallel_loop3A_685 = tpu.vector_load %arg7[%parallel_loop3A_684] {strides = array<i32>} : memref<65536xf32, #tpu.memory_space<vmem>>, vector<16xf32>,
        tpu.vector_store %arg7[%parallel_loop3A_684], %parallel_loop3A_681 {strides = array<i32>} : memref<65536xf32, #tpu.memory_space<vmem>>, vector<16xf32>,
        %parallel_loop3A_686 = arith.constant 32 : i32
        %parallel_loop3A_687 = arith.addi %parallel_loop3A_667, %parallel_loop3A_686 : i32
        %parallel_loop3A_688 = arith.index_cast %parallel_loop3A_687 : i32 to index
        %parallel_loop3A_689 = tpu.vector_load %arg5[%parallel_loop3A_688] {strides = array<i32>} : memref<6400xf32, #tpu.memory_space<vmem>>, vector<16xf32>,
        %parallel_loop3A_690 = arith.constant 32 : i32
        %parallel_loop3A_691 = arith.addi %parallel_loop3A_669, %parallel_loop3A_690 : i32
        %parallel_loop3A_692 = arith.index_cast %parallel_loop3A_691 : i32 to index
        %parallel_loop3A_693 = tpu.vector_load %arg7[%parallel_loop3A_692] {strides = array<i32>} : memref<65536xf32, #tpu.memory_space<vmem>>, vector<16xf32>,
        tpu.vector_store %arg7[%parallel_loop3A_692], %parallel_loop3A_689 {strides = array<i32>} : memref<65536xf32, #tpu.memory_space<vmem>>, vector<16xf32>,
        %parallel_loop3A_694 = arith.constant 48 : i32
        %parallel_loop3A_695 = arith.addi %parallel_loop3A_667, %parallel_loop3A_694 : i32
        %parallel_loop3A_696 = arith.index_cast %parallel_loop3A_695 : i32 to index
        %parallel_loop3A_697 = tpu.vector_load %arg5[%parallel_loop3A_696] {strides = array<i32>} : memref<6400xf32, #tpu.memory_space<vmem>>, vector<16xf32>,
        %parallel_loop3A_698 = arith.constant 48 : i32
        %parallel_loop3A_699 = arith.addi %parallel_loop3A_669, %parallel_loop3A_698 : i32
        %parallel_loop3A_700 = arith.index_cast %parallel_loop3A_699 : i32 to index
        %parallel_loop3A_701 = tpu.vector_load %arg7[%parallel_loop3A_700] {strides = array<i32>} : memref<65536xf32, #tpu.memory_space<vmem>>, vector<16xf32>,
        tpu.vector_store %arg7[%parallel_loop3A_700], %parallel_loop3A_697 {strides = array<i32>} : memref<65536xf32, #tpu.memory_space<vmem>>, vector<16xf32>,
        %parallel_loop3A_702 = vector.extract_strided_slice %parallel_loop3A_127 {offsets = [15], sizes = [1], strides = [1]} : vector<16xi32> to vector<1xi32>
        %parallel_loop3A_703 = vector.extract %parallel_loop3A_702[0] : i32 from vector<1xi32>
        %parallel_loop3A_704 = arith.constant 6 : i32
        %parallel_loop3A_705 = arith.shli %parallel_loop3A_703, %parallel_loop3A_704 : i32
        %parallel_loop3A_706 = arith.constant 960 : i32
        %parallel_loop3A_707 = arith.addi %parallel_loop3A_131, %parallel_loop3A_706 : i32
        %parallel_loop3A_708 = arith.constant 0 : i32
        %parallel_loop3A_709 = arith.addi %parallel_loop3A_705, %parallel_loop3A_708 : i32
        %parallel_loop3A_710 = arith.index_cast %parallel_loop3A_709 : i32 to index
        %parallel_loop3A_711 = tpu.vector_load %arg5[%parallel_loop3A_710] {strides = array<i32>} : memref<6400xf32, #tpu.memory_space<vmem>>, vector<16xf32>,
        %parallel_loop3A_712 = arith.constant 0 : i32
        %parallel_loop3A_713 = arith.addi %parallel_loop3A_707, %parallel_loop3A_712 : i32
        %parallel_loop3A_714 = arith.index_cast %parallel_loop3A_713 : i32 to index
        %parallel_loop3A_715 = tpu.vector_load %arg7[%parallel_loop3A_714] {strides = array<i32>} : memref<65536xf32, #tpu.memory_space<vmem>>, vector<16xf32>,
        tpu.vector_store %arg7[%parallel_loop3A_714], %parallel_loop3A_711 {strides = array<i32>} : memref<65536xf32, #tpu.memory_space<vmem>>, vector<16xf32>,
        %parallel_loop3A_716 = arith.constant 16 : i32
        %parallel_loop3A_717 = arith.addi %parallel_loop3A_705, %parallel_loop3A_716 : i32
        %parallel_loop3A_718 = arith.index_cast %parallel_loop3A_717 : i32 to index
        %parallel_loop3A_719 = tpu.vector_load %arg5[%parallel_loop3A_718] {strides = array<i32>} : memref<6400xf32, #tpu.memory_space<vmem>>, vector<16xf32>,
        %parallel_loop3A_720 = arith.constant 16 : i32
        %parallel_loop3A_721 = arith.addi %parallel_loop3A_707, %parallel_loop3A_720 : i32
        %parallel_loop3A_722 = arith.index_cast %parallel_loop3A_721 : i32 to index
        %parallel_loop3A_723 = tpu.vector_load %arg7[%parallel_loop3A_722] {strides = array<i32>} : memref<65536xf32, #tpu.memory_space<vmem>>, vector<16xf32>,
        tpu.vector_store %arg7[%parallel_loop3A_722], %parallel_loop3A_719 {strides = array<i32>} : memref<65536xf32, #tpu.memory_space<vmem>>, vector<16xf32>,
        %parallel_loop3A_724 = arith.constant 32 : i32
        %parallel_loop3A_725 = arith.addi %parallel_loop3A_705, %parallel_loop3A_724 : i32
        %parallel_loop3A_726 = arith.index_cast %parallel_loop3A_725 : i32 to index
        %parallel_loop3A_727 = tpu.vector_load %arg5[%parallel_loop3A_726] {strides = array<i32>} : memref<6400xf32, #tpu.memory_space<vmem>>, vector<16xf32>,
        %parallel_loop3A_728 = arith.constant 32 : i32
        %parallel_loop3A_729 = arith.addi %parallel_loop3A_707, %parallel_loop3A_728 : i32
        %parallel_loop3A_730 = arith.index_cast %parallel_loop3A_729 : i32 to index
        %parallel_loop3A_731 = tpu.vector_load %arg7[%parallel_loop3A_730] {strides = array<i32>} : memref<65536xf32, #tpu.memory_space<vmem>>, vector<16xf32>,
        tpu.vector_store %arg7[%parallel_loop3A_730], %parallel_loop3A_727 {strides = array<i32>} : memref<65536xf32, #tpu.memory_space<vmem>>, vector<16xf32>,
        %parallel_loop3A_732 = arith.constant 48 : i32
        %parallel_loop3A_733 = arith.addi %parallel_loop3A_705, %parallel_loop3A_732 : i32
        %parallel_loop3A_734 = arith.index_cast %parallel_loop3A_733 : i32 to index
        %parallel_loop3A_735 = tpu.vector_load %arg5[%parallel_loop3A_734] {strides = array<i32>} : memref<6400xf32, #tpu.memory_space<vmem>>, vector<16xf32>,
        %parallel_loop3A_736 = arith.constant 48 : i32
        %parallel_loop3A_737 = arith.addi %parallel_loop3A_707, %parallel_loop3A_736 : i32
        %parallel_loop3A_738 = arith.index_cast %parallel_loop3A_737 : i32 to index
        %parallel_loop3A_739 = tpu.vector_load %arg7[%parallel_loop3A_738] {strides = array<i32>} : memref<65536xf32, #tpu.memory_space<vmem>>, vector<16xf32>,
        tpu.vector_store %arg7[%parallel_loop3A_738], %parallel_loop3A_735 {strides = array<i32>} : memref<65536xf32, #tpu.memory_space<vmem>>, vector<16xf32>,
      } {sc.loop_unroll_factor = 1 : i64, sc.parallel_access}
      %mul3A_110 = arith.constant 64 : i32
      %mul3A_111 = arith.muli %add3A_85, %mul3A_110 : i32
      %dma_start3A_112 = arith.constant 1 : i32
      %dma_start3A_113 = arith.constant 32768 : i32
      %dma_start3A_114 = tpu.memref_slice %arg7[%dma_start3A_113] : memref<65536xf32, #tpu.memory_space<vmem>> -> memref<32768xf32, #tpu.memory_space<vmem>>
      %dma_start3A_115 = tpu.memref_slice %arg4[%mul3A_111] : memref<52428800xf32, #tpu.memory_space<hbm>> -> memref<32768xf32, #tpu.memory_space<hbm>>
      %dma_start3A_116 = tpu.memref_slice %arg9[%dma_start3A_112] : memref<2x!tpu.dma_semaphore, #tpu.memory_space<semaphore_mem>> -> memref<1x!tpu.dma_semaphore, #tpu.memory_space<semaphore_mem>>
      %dma_start3A_117 = tpu.memref_squeeze %dma_start3A_116 : memref<1x!tpu.dma_semaphore, #tpu.memory_space<semaphore_mem>> -> memref<!tpu.dma_semaphore, #tpu.memory_space<semaphore_mem>>
      %dma_start3A_118 = tpu.memref_slice %arg4[%mul3A_111] : memref<52428800xf32, #tpu.memory_space<hbm>> -> memref<32768xf32, #tpu.memory_space<hbm>>
      %dma_start3A_119 = arith.constant 32768 : i32
      %dma_start3A_120 = tpu.memref_slice %arg7[%dma_start3A_119] : memref<65536xf32, #tpu.memory_space<vmem>> -> memref<32768xf32, #tpu.memory_space<vmem>>
      tpu.enqueue_dma source(%dma_start3A_120 : memref<32768xf32, #tpu.memory_space<vmem>>) target(%dma_start3A_118 : memref<32768xf32, #tpu.memory_space<hbm>>) target_semaphore(%dma_start3A_117 : memref<!tpu.dma_semaphore, #tpu.memory_space<semaphore_mem>>)
    }
    %scan3A_15 = arith.constant 25 : i32
    %add3A_16 = arith.constant 24576 : i32
    %add3A_17 = arith.addi %mul3A_2, %add3A_16 : i32
    %mul3A_18 = arith.constant 64 : i32
    %mul3A_19 = arith.muli %add3A_17, %mul3A_18 : i32
    %dma_wait3A = arith.constant 0 : i32
    %dma_wait3A_20 = arith.constant 0 : i32
    %dma_wait3A_21 = tpu.memref_slice %arg7[%dma_wait3A_20] : memref<65536xf32, #tpu.memory_space<vmem>> -> memref<32768xf32, #tpu.memory_space<vmem>>
    %dma_wait3A_22 = tpu.memref_slice %arg4[%mul3A_19] : memref<52428800xf32, #tpu.memory_space<hbm>> -> memref<32768xf32, #tpu.memory_space<hbm>>
    %dma_wait3A_23 = tpu.memref_slice %arg9[%dma_wait3A] : memref<2x!tpu.dma_semaphore, #tpu.memory_space<semaphore_mem>> -> memref<1x!tpu.dma_semaphore, #tpu.memory_space<semaphore_mem>>
    %dma_wait3A_24 = tpu.memref_squeeze %dma_wait3A_23 : memref<1x!tpu.dma_semaphore, #tpu.memory_space<semaphore_mem>> -> memref<!tpu.dma_semaphore, #tpu.memory_space<semaphore_mem>>
    %dma_wait3A_25 = tpu.memref_slice %arg4[%mul3A_19] : memref<52428800xf32, #tpu.memory_space<hbm>> -> memref<32768xf32, #tpu.memory_space<hbm>>
    %dma_wait3A_26 = arith.constant 0 : i32
    %dma_wait3A_27 = tpu.memref_slice %arg7[%dma_wait3A_26] : memref<65536xf32, #tpu.memory_space<vmem>> -> memref<32768xf32, #tpu.memory_space<vmem>>
    tpu.wait_dma2 semaphore(%dma_wait3A_24 : memref<!tpu.dma_semaphore, #tpu.memory_space<semaphore_mem>>) src(%dma_wait3A_27 : memref<32768xf32, #tpu.memory_space<vmem>>) dst(%dma_wait3A_25 : memref<32768xf32, #tpu.memory_space<hbm>>)
    %add3A_28 = arith.constant 25088 : i32
    %add3A_29 = arith.addi %mul3A_2, %add3A_28 : i32
    %mul3A_30 = arith.constant 64 : i32
    %mul3A_31 = arith.muli %add3A_29, %mul3A_30 : i32
    %dma_wait3A_32 = arith.constant 1 : i32
    %dma_wait3A_33 = arith.constant 32768 : i32
    %dma_wait3A_34 = tpu.memref_slice %arg7[%dma_wait3A_33] : memref<65536xf32, #tpu.memory_space<vmem>> -> memref<32768xf32, #tpu.memory_space<vmem>>
    %dma_wait3A_35 = tpu.memref_slice %arg4[%mul3A_31] : memref<52428800xf32, #tpu.memory_space<hbm>> -> memref<32768xf32, #tpu.memory_space<hbm>>
    %dma_wait3A_36 = tpu.memref_slice %arg9[%dma_wait3A_32] : memref<2x!tpu.dma_semaphore, #tpu.memory_space<semaphore_mem>> -> memref<1x!tpu.dma_semaphore, #tpu.memory_space<semaphore_mem>>
    %dma_wait3A_37 = tpu.memref_squeeze %dma_wait3A_36 : memref<1x!tpu.dma_semaphore, #tpu.memory_space<semaphore_mem>> -> memref<!tpu.dma_semaphore, #tpu.memory_space<semaphore_mem>>
    %dma_wait3A_38 = tpu.memref_slice %arg4[%mul3A_31] : memref<52428800xf32, #tpu.memory_space<hbm>> -> memref<32768xf32, #tpu.memory_space<hbm>>
    %dma_wait3A_39 = arith.constant 32768 : i32
    %dma_wait3A_40 = tpu.memref_slice %arg7[%dma_wait3A_39] : memref<65536xf32, #tpu.memory_space<vmem>> -> memref<32768xf32, #tpu.memory_space<vmem>>
    tpu.wait_dma2 semaphore(%dma_wait3A_37 : memref<!tpu.dma_semaphore, #tpu.memory_space<semaphore_mem>>) src(%dma_wait3A_40 : memref<32768xf32, #tpu.memory_space<vmem>>) dst(%dma_wait3A_38 : memref<32768xf32, #tpu.memory_space<hbm>>)
    return
  }
}

</mosaic_0001>

<sc_bundles>
// kernel: kernel.3.cloned.1.call-start
scs
__scs_entry_jumppad:
0x0: {  	(pc) =	sbr.rel $0x88, $3  }
0x1: {  	(tag) =	ssettag $0x0;
	lr =	simm.s32 $0x1  }
0x2: {  	[smem:$0x3F9F] =	sst lr;
	_ =	strace $0xD0000000  }
0x3: {  	_ = 	snop  }
0x4: {  	_ = 	snop  }
0x5: {  	_ = 	snop  }
0x6: {  	_ = 	snop  }
0x7: {  	_ = 	snop  }
__scs_overlays_trampoline_lowered:
0x8: {  	[smem:$0x3FAE] =	sst s0  }
0x9: {  	[smem:$0x3FAF] =	sst s1  }
0xa: {  	[smem:$0x3FB0] =	sst s2  }
0xb: {  	[smem:$0x3FB1] =	sst s3  }
0xc: {  	[smem:$0x3FB2] =	sst s4  }
0xd: {  	[smem:$0x3FB3] =	sst s5  }
0xe: {  	[smem:$0x3FB4] =	sst s6  }
0xf: {  	[smem:$0x3FB5] =	sst s7  }
0x10: {  	[smem:$0x3FB6] =	sst s8  }
0x11: {  	[smem:$0x3FB7] =	sst s9;
	s0 =	simm.s32 @!p0 $0x0  }
0x12: {  	s1 =	sld [smem:$0x3F9D];
	s0 =	simm.s32 @p0 $0x1  }
0x13: {  	[smem:$0x3FB8] =	sst s0;
	s0 =	simm.s32 @!p1 $0x0  }
0x14: {  	s2 =	sld [smem:$0x3F9C];
	s0 =	simm.s32 @p1 $0x1  }
0x15: {  	[smem:$0x3FB9] =	sst s0;
	s0 =	simm.s32 @!p2 $0x0  }
0x16: {  	s3 =	sld [smem:$0x3FDB];
	s0 =	simm.s32 @p2 $0x1  }
0x17: {  	s4 =	simm.s32 $0x1BF5;
	[smem:$0x3FBB] =	sst s0  }
0x18: {  	s0 =	sld [smem:$0x3F9E];
	_ =	swait.ge [sflag:s4], $0x0  }
0x19: {  	s7 =	sld [smem:$0x3F9F]  }
0x1a: {  	s8 =	sadd.s32 $0xFFFFE003, lr  }
0x1b: {  	s9 =	sadd.s32 $0xFFFFFEF7, lr;
	s5 =	simm.s32 $0xFFFFFFFF;
	p2 =	slt.u32 s8, $0xFFFFF086  }
0x1c: {  	p1 =	slt.u32 s9, $0xF7A;
	s5 =	simm.s32 @!p2 $0x0  }
0x1d: {  	s5 =	simm.s32 @p1 $0x1;
	p0 =	seq.s32 s7, s2  }
0x1e: {  	s7 =	smul.u32 @!p0 $0xF7A, s2;
	p2 =	seq.s32 @!p0 s5, $0x0  }
0x1f: {  	s9 =	smul.u32 $0xF7A, s1;
	s8 =	simm.s32 @!p0 $0x1BF5;
	p2 =	por !p2, p0  }
0x20: {  	[sflag:s8] =	ssyncset.s32 @!p0 $0xFFFFF086;
	s6 =	sadd.s32 @!p0 s3, s7;
	s7 =	simm.s32 @!p0 $0x108  }
0x21: {  	s3 =	sadd.s32 s3, s9;
	s6 =	sadd.s32 @!p0 $0x88, s6;
	s7 =	simm.s32 @p2 $0x1082  }
0x22: {  	[simem:s7], [sflag:s8] =	dma.local @!p0 [hbm:s6], $0xF7A  }
0x23: {  	s9 =	sor.u32 $0xD0000000, s2;
	s6 =	simm.s32 $0x108;
	_ =	swait.ge @!p0 [sflag:s8], $0x0  }
0x24: {  	s3 =	sadd.s32 $0x88, s3;
	s6 =	simm.s32 @!p1 $0x1082;
	[sflag:s4] =	ssyncset.s32 $0xFFFFF086  }
0x25: {  	[simem:s6], [sflag:s4] =	dma.local [hbm:s3], $0xF7A  }
0x26: {  	[smem:$0x3F9F] =	sst s1;
	(tag) =	ssettag s2;
	_ =	strace s9  }
0x27: {  	s1 =	sld [smem:$0x3FAF]  }
0x28: {  	s2 =	sld [smem:$0x3FB0]  }
0x29: {  	s4 =	sld [smem:$0x3FB2]  }
0x2a: {  	p0 =	seq.s32 s5, $0x0;
	s5 =	sld [smem:$0x3FB3]  }
0x2b: {  	s6 =	sld [smem:$0x3FB4]  }
0x2c: {  	s7 =	sld [smem:$0x3FB5]  }
0x2d: {  	s3 =	simm.s32 $0x108;
	s8 =	sld [smem:$0x3FB6]  }
0x2e: {  	s3 =	simm.s32 @!p0 $0x1082;
	s9 =	sld [smem:$0x3FB7]  }
0x2f: {  	lr =	sadd.s32 s0, s3;
	s0 =	sld [smem:$0x3FAE]  }
0x30: {  	s3 =	sld [smem:$0x3FB1]  }
0x31: {  	[smem:$0x3FBA] =	sst s10  }
0x32: {  	s10 =	sld [smem:$0x3FB8];
	_ =	sdelay $0x3  }
0x33: {  	p0 =	seq.s32 s10, $0x1;
	s10 =	sld [smem:$0x3FBA];
	_ =	sdelay $0x3  }
0x34: {  	[smem:$0x3FBA] =	sst s10  }
0x35: {  	s10 =	sld [smem:$0x3FB9];
	_ =	sdelay $0x3  }
0x36: {  	p1 =	seq.s32 s10, $0x1;
	s10 =	sld [smem:$0x3FBA];
	_ =	sdelay $0x3  }
0x37: {  	[smem:$0x3FBA] =	sst s10  }
0x38: {  	s10 =	sld [smem:$0x3FBB]  }
0x39: {  	_ = 	snop;
	(pc) =	sbr.ind lr, $3  }
0x3a: {  	_ = 	snop  }
0x3b: {  	_ = 	snop  }
0x3c: {  	p2 =	seq.s32 s10, $0x1;
	s10 =	sld [smem:$0x3FBA]  }
0x3d: {  	_ =	shalt  }
0x3e: {  	_ =	shalt  }
0x3f: {  	_ =	shalt  }
0x40: {  	_ =	shalt  }
0x41: {  	_ =	shalt  }
0x42: {  	_ =	shalt  }
0x43: {  	_ =	shalt  }
0x44: {  	_ =	shalt  }
0x45: {  	_ =	shalt  }
0x46: {  	_ =	shalt  }
0x47: {  	_ =	shalt  }
0x48: {  	_ =	shalt  }
0x49: {  	_ =	shalt  }
0x4a: {  	_ =	shalt  }
0x4b: {  	_ =	shalt  }
0x4c: {  	_ =	shalt  }
0x4d: {  	_ =	shalt  }
0x4e: {  	_ =	shalt  }
0x4f: {  	_ =	shalt  }
0x50: {  	_ =	shalt  }
0x51: {  	_ =	shalt  }
0x52: {  	_ =	shalt  }
0x53: {  	_ =	shalt  }
0x54: {  	_ =	shalt  }
0x55: {  	_ =	shalt  }
0x56: {  	_ =	shalt  }
0x57: {  	_ =	shalt  }
0x58: {  	_ =	shalt  }
0x59: {  	_ =	shalt  }
0x5a: {  	_ =	shalt  }
0x5b: {  	_ =	shalt  }
0x5c: {  	_ =	shalt  }
0x5d: {  	_ =	shalt  }
0x5e: {  	_ =	shalt  }
0x5f: {  	_ =	shalt  }
0x60: {  	_ =	shalt  }
0x61: {  	_ =	shalt  }
0x62: {  	_ =	shalt  }
0x63: {  	_ =	shalt  }
0x64: {  	_ =	shalt  }
0x65: {  	_ =	shalt  }
0x66: {  	_ =	shalt  }
0x67: {  	_ =	shalt  }
0x68: {  	_ =	shalt  }
0x69: {  	_ =	shalt  }
0x6a: {  	_ =	shalt  }
0x6b: {  	_ =	shalt  }
0x6c: {  	_ =	shalt  }
0x6d: {  	_ =	shalt  }
0x6e: {  	_ =	shalt  }
0x6f: {  	_ =	shalt  }
0x70: {  	_ =	shalt  }
0x71: {  	_ =	shalt  }
0x72: {  	_ =	shalt  }
0x73: {  	_ =	shalt  }
0x74: {  	_ =	shalt  }
0x75: {  	_ =	shalt  }
0x76: {  	_ =	shalt  }
0x77: {  	_ =	shalt  }
0x78: {  	_ =	shalt  }
0x79: {  	_ =	shalt  }
0x7a: {  	_ =	shalt  }
0x7b: {  	_ =	shalt  }
0x7c: {  	_ =	shalt  }
0x7d: {  	_ =	shalt  }
0x7e: {  	_ =	shalt  }
0x7f: {  	_ =	shalt  }
0x80: {  	_ =	shalt  }
0x81: {  	_ =	shalt  }
0x82: {  	_ =	shalt  }
0x83: {  	_ =	shalt  }
0x84: {  	_ =	shalt  }
0x85: {  	_ =	shalt  }
0x86: {  	_ =	shalt  }
0x87: {  	_ =	shalt  }
.Lfunc_end0:
.L_simem_size_0:
called_computation.1_lowered:
.L_overlay_start_0:
0x88: {  	s2 =	sld [smem:$0x3FD9]  }
0x89: {  	s3 =	sld [smem:$0x3FFE];
	_ =	sdelay $0x1  }
0x8a: {  	s1 =	srdreg.scid  }
0x8b: {  	s0 =	sand.u32 $0x1, s1  }
0x8c: {  	s17 =	sshll.u32 s0, $0xA;
	s2 =	sadd.s32 s3, s2  }
0x8d: {  	s2 =	sadd.s32 s2, s17  }
0x8e: {  	[smem:$0x3FC6] =	sst s2  }
0x8f: {  	_ = 	snop  }
0x90: {  	s2 =	sld [smem:$0x3FD0];
	(tm) =	ssettm $0x1  }
0x91: {  	s18 =	sld [smem:$0x3FFB];
	_ =	sdelay $0x3  }
0x92: {  	_ =	strace s18  }
0x93: {  	s3 =	sld [smem:$0x3FFC];
	_ =	sdelay $0x3  }
0x94: {  	_ =	strace s3  }
0x95: {  	s3 =	sld [smem:$0x3FFD];
	_ =	sdelay $0x3  }
0x96: {  	_ =	strace s3  }
0x97: {  	_ =	strace $0x8FFFFFFF  }
0x98: {  	s19 =	sld [smem:$0x3FDB];
	_ =	sdelay $0x1  }
0x99: {  	s4 =	simm.s32 $_scs_section_size  }
0x9a: {  	s5 =	simm.s32 $_size__tile_overlayer_lowered;
	s6 =	simm.s32 $_tile_overlayer_lowered  }
0x9b: {  	s22 =	simm.s32 $0x1BFF;
	s21 =	sshll.u32 s6, $0x1;
	s3 =	sadd.s32 s4, s19  }
0x9c: {  	s7 =	simm.s32 $0x0;
	s20 =	sshll.u32 s5, $0x1;
	s5 =	sadd.s32 s21, s3  }
0x9d: {  	[timem:s7], [sflag:s22] =	dma.local [hbm:s5], s20  }
0x9e: {  	_ =	swait.ge [sflag:s22], s20  }
0x9f: {  	s4 =	ssub.s32 $0x0, s20;
	[sflag:s22] =	ssyncset.done $0x0  }
0xa0: {  	[sflag:s22] =	ssyncadd.s32 s4;
	_ =	sdelay $0x1  }
0xa1: {  	s23 =	simm.s32 $0x1B8B  }
0xa2: {  	_ =	swait.ge [sflag:s23], $0x1  }
0xa3: {  	[sflag:s23] =	ssyncset.done $0x0  }
0xa4: {  	s25 =	simm.s32 $0x1B8E;
	s24 =	sld [smem:$0x3FFE];
	[sflag:s23] =	ssyncadd.s32 $0xFFFFFFFF  }
0xa5: {  	s26 =	simm.s32 $execute0_lowered;
	[smem:$0x3FD2] =	sst s25  }
0xa6: {  	s5 =	sshll.u32 s26, $0x1;
	_ =	strace $0x80000046;
	[dreg:$0x1] =	wrdreg $0xFFFFFFFF  }
0xa7: {  	s28 =	simm.s32 $_size_execute0_lowered;
	s3 =	sadd.s32 s3, s5;
	[dreg:$0x0] =	wrdreg $0x0  }
0xa8: {  	s5 =	sshll.u32 s28, $0x1;
	[dreg:$0x2] =	wrdreg s3  }
0xa9: {  	[dreg:$0x3] =	wrdreg s5  }
0xaa: {  	[dreg:$0x4] =	wrdreg $0xC0  }
0xab: {  	_ =	task [dreg:s7], $0x5FFFF  }
0xac: {  	[dreg:$0x1] =	wrdreg $0xFFFFFFFF  }
0xad: {  	[dreg:$0x0] =	wrdreg $0x60  }
0xae: {  	[dreg:$0x2] =	wrdreg s24  }
0xaf: {  	[dreg:$0x3] =	wrdreg s2  }
0xb0: {  	[dreg:$0x4] =	wrdreg $0x9  }
0xb1: {  	_ =	task.clear_ibuf [dreg:s7], $0x5FFFF;
	_ =	strace $0x90000046  }
0xb2: {  	s29 =	simm.s32 $0x9;
	_ =	strace $0x80000048  }
0xb3: {  	_ =	swait.ge [sflag:s29], $0x1  }
0xb4: {  	[sflag:s29] =	ssyncadd.s32 $0xFFFFFFFF  }
0xb5: {  	_ =	strace $0x90000048  }
0xb6: {  	_ =	sfence  }
0xb7: {  	s30 =	sld [smem:$0x0];
	_ =	sdelay $0x2  }
0xb8: {  	s31 =	sshll.u32 s1, $0xD;
	s1 =	sshrl.u32 s1, $0x2  }
0xb9: {  	s3 =	sand.u32 $0x4000, s31;
	s1 =	sadd.s32 s1, s30  }
0xba: {  	s0 =	sor.u32 s3, s0;
	s1 =	sshll.u32 s1, $0x11  }
0xbb: {  	s0 =	sor.u32 s1, s0  }
0xbc: {  	s0 =	sadd.s32 $0x8F2B, s0  }
0xbd: {  	[sflag:s0] =	ssyncadd.remote.s32 $0x1  }
0xbe: {  	_ =	sfence.sel $0xFFFF  }
0xbf: {  	[dreg:$0x0] =	wrdreg $0xFFFFFFFF;
	(pc) =	sbr.abs _section_cstart, $3  }
0xc0: {  	[dreg:$0x1] =	wrdreg $0xFFFFFFFF  }
0xc1: {  	_ =	task.clear_ibuf [dreg:s7], $0x2FFFF;
	_ =	strace $0x9FFFFFFF  }
0xc2: {  	(tm) =	ssettm $0x7FFFFFFF  }
0xc3: {  	_ =	shalt  }
tec
execute0_lowered:
.L_overlay_start_1:
0x0: {  	(tag) =	ssettag $0x1  }
0x1: {  	s0 =	rddreg [dreg:$0x0];
	s1 =	srdreg.scid  }
0x2: {  	s2 =	stileid.u32;
	s4 =	simm.s32 $0x0;
	s1 =	sand.u32 $0x1, s1  }
0x3: {  	s2 =	sshll.u32 s2, $0x1;
	[smem:$0x7FF] =	sst s4;
	s5 =	sadd.s32 $0xC00, s0  }
0x4: {  	s6 =	sadd.s32 $0x800, s0;
	s0 =	sadd.s32 $0xC40, s0;
	s2 =	sor.u32 s1, s2  }
0x5: {  	_ =	strace $0x80000047;
	s1 =	ssub.s32 $0x2, s1;
	[dreg:$0x5] =	wrdreg s6  }
0x6: {  	[dreg:$0x4] =	wrdreg s5;
	s3 =	smul.u32 $0x6400, s2;
	s29 =	sshrl.u32 s1, $0x1  }
0x7: {  	[dreg:$0x7] =	wrdreg s0;
	s1 =	ssub.s32 s1, s29  }
0x8: {  	[dreg:$0x3] =	wrdreg s3;
	s3 =	sshrl.u32 s3, $0x3;
	s31 =	smax.u32 s1, $0x1  }
0x9: {  	s30 =	sadd.s32 s5, s3;
	[dreg:$0x8] =	wrdreg s31  }
0xa: {  	s2 =	simm.s32 $0x0;
	[dreg:$0x6] =	wrdreg s30  }
.LBB2_1:
0xb: {  	[dreg:$0x9] =	wrdreg s2  }
0xc: {  	s0 =	rddreg [dreg:$0x5];
	s30 =	simm.s32 $0x5  }
0xd: {  	[tilespmem:s4], [sflag:$0x5] =	stream.linear.gather [hbm4b:s0+s4], $0x1900, $0x38;
	[tilespmem:$0x11D00] =	vst v63  }
0xe: {  	_ =	swait.ge [sflag:s30], $0x1900  }
0xf: {  	s1 =	simm.s32 $0x1900;
	[sflag:s30] =	ssyncset.done $0x0  }
0x10: {  	s20 =	simm.s32 $0x0;
	s31 =	rddreg [dreg:$0x6];
	[sflag:s30] =	ssyncadd.s32 $0xFFFFE700  }
0x11: {  	[tilespmem:s1], [sflag:$0x1] =	stream.linear.gather [hbm4b:s31+s4], $0x200, $0x38;
	[tilespmem:$0x11D00] =	vst v63  }
.LBB2_2:
0x12: {  	s1 =	sshll.u32 s20, $0xA;
	s0 =	rddreg [dreg:$0x3]  }
0x13: {  	s12 =	simm.s32 $0x1;
	[dreg:$0xb] =	wrdreg s1;
	s0 =	sadd.s32 s0, s1  }
0x14: {  	s14 =	simm.s32 $0x1B00;
	_ =	swait.ge [sflag:s12], $0x200;
	[dreg:$0xc] =	wrdreg s0  }
0x15: {  	s0 =	sshrl.u32 s0, $0x3;
	[sflag:s12] =	ssyncset.done $0x0;
	s13 =	rddreg [dreg:$0x7]  }
0x16: {  	p0 =	seq.s32 s20, $0x0;
	[sflag:s12] =	ssyncadd.s32 $0xFFFFFE00;
	s0 =	sadd.s32 s0, s13  }
0x17: {  	[tilespmem:s14], [sflag:$0x2] =	stream.linear.gather [hbm4b:s0+s4], $0x200, $0x38;
	[tilespmem:$0x11D00] =	vst v63  }
0x18: {  	s0 =	simm.s32 @!p0 $0x3  }
0x19: {  	_ =	swait.ge @!p0 [sflag:s0], $0x8000  }
0x1a: {  	[sflag:s0] =	ssyncset.done @!p0 $0x0  }
0x1b: {  	s15 =	simm.s32 $0x0;
	[sflag:s0] =	ssyncadd.s32 @!p0 $0xFFFF8000  }
0x1c: {  	v0 =	vld [tilespmem:s15+$0x1900];
	_ =	sdelay $0x4  }
0x1d: {  	v0 =	vshll.u32 v0, $0x8  }
0x1e: {  	v5 =	vshra.s32 v0, $0x2  }
0x1f: {  	(v2sf) =	vpush v5, $0x0;
	_ =	sdelay $0xe  }
0x20: {  	s16 =	spop (v2sf)  }
0x21: {  	v0 =	vld [tilespmem:s16+$0x0];
	_ =	sdelay $0x3  }
0x22: {  	s29 =	simm.s32 $0x1F00  }
0x23: {  	[tilespmem:s29+$0xFFFFFE00] =	vst v0  }
0x24: {  	v0 =	vld [tilespmem:s16+$0x10];
	_ =	sdelay $0x1  }
0x25: {  	(v2sf) =	vpush v5, $0x1;
	_ =	sdelay $0x2  }
0x26: {  	[tilespmem:s29+$0xFFFFFE10] =	vst v0  }
0x27: {  	v0 =	vld [tilespmem:s16+$0x20];
	_ =	sdelay $0x4  }
0x28: {  	[tilespmem:s29+$0xFFFFFE20] =	vst v0  }
0x29: {  	v0 =	vld [tilespmem:s16+$0x30];
	_ =	sdelay $0x4  }
0x2a: {  	s17 =	spop (v2sf);
	[tilespmem:s29+$0xFFFFFE30] =	vst v0  }
0x2b: {  	v0 =	vld [tilespmem:s17+$0x0];
	_ =	sdelay $0x4  }
0x2c: {  	[tilespmem:s29+$0xFFFFFE40] =	vst v0  }
0x2d: {  	v0 =	vld [tilespmem:s17+$0x10];
	_ =	sdelay $0x1  }
0x2e: {  	(v2sf) =	vpush v5, $0x2;
	_ =	sdelay $0x2  }
0x2f: {  	[tilespmem:s29+$0xFFFFFE50] =	vst v0  }
0x30: {  	v0 =	vld [tilespmem:s17+$0x20];
	_ =	sdelay $0x3  }
0x31: {  	s18 =	simm.s32 $0x10  }
0x32: {  	v1 =	vld [tilespmem:s18+$0x1900];
	[tilespmem:s29+$0xFFFFFE60] =	vst v0  }
0x33: {  	v0 =	vld [tilespmem:s17+$0x30];
	_ =	sdelay $0x4  }
0x34: {  	v1 =	vshll.u32 v1, $0x8;
	s19 =	spop (v2sf);
	[tilespmem:s29+$0xFFFFFE70] =	vst v0  }
0x35: {  	v1 =	vshra.s32 v1, $0x2;
	v0 =	vld [tilespmem:s19+$0x0]  }
0x36: {  	(v2sf) =	vpush v1, $0x0;
	_ =	sdelay $0x3  }
0x37: {  	[tilespmem:s29+$0xFFFFFE80] =	vst v0  }
0x38: {  	v0 =	vld [tilespmem:s19+$0x10];
	_ =	sdelay $0x1  }
0x39: {  	(v2sf) =	vpush v5, $0x3;
	_ =	sdelay $0x2  }
0x3a: {  	[tilespmem:s29+$0xFFFFFE90] =	vst v0  }
0x3b: {  	v0 =	vld [tilespmem:s19+$0x20];
	_ =	sdelay $0x3  }
0x3c: {  	s21 =	spop (v2sf)  }
0x3d: {  	v2 =	vld [tilespmem:s21+$0x0];
	[tilespmem:s29+$0xFFFFFEA0] =	vst v0  }
0x3e: {  	v0 =	vld [tilespmem:s19+$0x30];
	_ =	sdelay $0x2  }
0x3f: {  	s23 =	simm.s32 $0x2300  }
0x40: {  	[tilespmem:s23+$0xFFFFFE00] =	vst v2  }
0x41: {  	v2 =	vld [tilespmem:s21+$0x10];
	s22 =	spop (v2sf);
	[tilespmem:s29+$0xFFFFFEB0] =	vst v0  }
0x42: {  	v0 =	vld [tilespmem:s22+$0x0]  }
0x43: {  	(v2sf) =	vpush v1, $0x1;
	_ =	sdelay $0x2  }
0x44: {  	[tilespmem:s23+$0xFFFFFE10] =	vst v2  }
0x45: {  	v2 =	vld [tilespmem:s21+$0x20];
	[tilespmem:s29+$0xFFFFFEC0] =	vst v0  }
0x46: {  	v0 =	vld [tilespmem:s22+$0x10];
	_ =	sdelay $0x1  }
0x47: {  	(v2sf) =	vpush v5, $0x4;
	_ =	sdelay $0x1  }
0x48: {  	[tilespmem:s23+$0xFFFFFE20] =	vst v2  }
0x49: {  	v2 =	vld [tilespmem:s21+$0x30];
	[tilespmem:s29+$0xFFFFFED0] =	vst v0  }
0x4a: {  	v0 =	vld [tilespmem:s22+$0x20];
	_ =	sdelay $0x3  }
0x4b: {  	s24 =	spop (v2sf);
	[tilespmem:s23+$0xFFFFFE30] =	vst v2  }
0x4c: {  	v2 =	vld [tilespmem:s24+$0x0];
	[tilespmem:s29+$0xFFFFFEE0] =	vst v0  }
0x4d: {  	v0 =	vld [tilespmem:s22+$0x30];
	_ =	sdelay $0x3  }
0x4e: {  	[tilespmem:s23+$0xFFFFFE40] =	vst v2  }
0x4f: {  	s25 =	spop (v2sf);
	v2 =	vld [tilespmem:s24+$0x10];
	[tilespmem:s29+$0xFFFFFEF0] =	vst v0  }
0x50: {  	v0 =	vld [tilespmem:s25+$0x0]  }
0x51: {  	(v2sf) =	vpush v1, $0x2;
	_ =	sdelay $0x2  }
0x52: {  	[tilespmem:s23+$0xFFFFFE50] =	vst v2  }
0x53: {  	v2 =	vld [tilespmem:s24+$0x20];
	[tilespmem:s29+$0xFFFFFF00] =	vst v0  }
0x54: {  	v0 =	vld [tilespmem:s25+$0x10];
	_ =	sdelay $0x1  }
0x55: {  	(v2sf) =	vpush v5, $0x5  }
0x56: {  	s2 =	simm.s32 $0x20  }
0x57: {  	v3 =	vld [tilespmem:s2+$0x1900];
	[tilespmem:s23+$0xFFFFFE60] =	vst v2  }
0x58: {  	v2 =	vld [tilespmem:s24+$0x30];
	[tilespmem:s29+$0xFFFFFF10] =	vst v0  }
0x59: {  	v4 =	vld [tilespmem:s25+$0x20];
	_ =	sdelay $0x3  }
0x5a: {  	s26 =	spop (v2sf);
	[tilespmem:s23+$0xFFFFFE70] =	vst v2;
	v0 =	vshll.u32 v3, $0x8  }
0x5b: {  	v2 =	vld [tilespmem:s26+$0x0];
	v0 =	vshra.s32 v0, $0x2;
	[tilespmem:s29+$0xFFFFFF20] =	vst v4  }
0x5c: {  	(v2sf) =	vpush v0, $0x0;
	v3 =	vld [tilespmem:s25+$0x30];
	_ =	sdelay $0x3  }
0x5d: {  	[tilespmem:s23+$0xFFFFFE80] =	vst v2  }
0x5e: {  	s30 =	spop (v2sf);
	v2 =	vld [tilespmem:s26+$0x10];
	[tilespmem:s29+$0xFFFFFF30] =	vst v3  }
0x5f: {  	v3 =	vld [tilespmem:s30+$0x0]  }
0x60: {  	(v2sf) =	vpush v1, $0x3;
	_ =	sdelay $0x2  }
0x61: {  	[tilespmem:s23+$0xFFFFFE90] =	vst v2  }
0x62: {  	v2 =	vld [tilespmem:s26+$0x20];
	[tilespmem:s29+$0xFFFFFF40] =	vst v3  }
0x63: {  	v3 =	vld [tilespmem:s30+$0x10];
	_ =	sdelay $0x1  }
0x64: {  	(v2sf) =	vpush v5, $0x6  }
0x65: {  	s31 =	spop (v2sf)  }
0x66: {  	[tilespmem:s23+$0xFFFFFEA0] =	vst v2;
	v4 =	vld [tilespmem:s31+$0x0]  }
0x67: {  	v2 =	vld [tilespmem:s26+$0x30];
	[tilespmem:s29+$0xFFFFFF50] =	vst v3  }
0x68: {  	v3 =	vld [tilespmem:s30+$0x20];
	_ =	sdelay $0x1  }
0x69: {  	s24 =	simm.s32 $0x2700  }
0x6a: {  	[tilespmem:s24+$0xFFFFFE00] =	vst v4  }
0x6b: {  	s3 =	spop (v2sf);
	[tilespmem:s23+$0xFFFFFEB0] =	vst v2;
	v4 =	vld [tilespmem:s31+$0x10]  }
0x6c: {  	v2 =	vld [tilespmem:s3+$0x0];
	[tilespmem:s29+$0xFFFFFF60] =	vst v3  }
0x6d: {  	(v2sf) =	vpush v0, $0x1;
	v3 =	vld [tilespmem:s30+$0x30];
	_ =	sdelay $0x2  }
0x6e: {  	[tilespmem:s24+$0xFFFFFE10] =	vst v4  }
0x6f: {  	[tilespmem:s23+$0xFFFFFEC0] =	vst v2;
	v4 =	vld [tilespmem:s31+$0x20]  }
0x70: {  	s4 =	spop (v2sf);
	v2 =	vld [tilespmem:s3+$0x10];
	[tilespmem:s29+$0xFFFFFF70] =	vst v3  }
0x71: {  	v3 =	vld [tilespmem:s4+$0x0]  }
0x72: {  	(v2sf) =	vpush v1, $0x4;
	_ =	sdelay $0x1  }
0x73: {  	[tilespmem:s24+$0xFFFFFE20] =	vst v4  }
0x74: {  	[tilespmem:s23+$0xFFFFFED0] =	vst v2;
	v4 =	vld [tilespmem:s31+$0x30]  }
0x75: {  	v2 =	vld [tilespmem:s3+$0x20];
	[tilespmem:s29+$0xFFFFFF80] =	vst v3  }
0x76: {  	v3 =	vld [tilespmem:s4+$0x10];
	_ =	sdelay $0x1  }
0x77: {  	(v2sf) =	vpush v5, $0x7  }
0x78: {  	s5 =	spop (v2sf);
	[tilespmem:s24+$0xFFFFFE30] =	vst v4  }
0x79: {  	[tilespmem:s23+$0xFFFFFEE0] =	vst v2;
	v4 =	vld [tilespmem:s5+$0x0]  }
0x7a: {  	v2 =	vld [tilespmem:s3+$0x30];
	[tilespmem:s29+$0xFFFFFF90] =	vst v3  }
0x7b: {  	v3 =	vld [tilespmem:s4+$0x20];
	_ =	sdelay $0x2  }
0x7c: {  	[tilespmem:s24+$0xFFFFFE40] =	vst v4  }
0x7d: {  	s6 =	spop (v2sf);
	[tilespmem:s23+$0xFFFFFEF0] =	vst v2;
	v4 =	vld [tilespmem:s5+$0x10]  }
0x7e: {  	v2 =	vld [tilespmem:s6+$0x0];
	[tilespmem:s29+$0xFFFFFFA0] =	vst v3  }
0x7f: {  	(v2sf) =	vpush v0, $0x2;
	v3 =	vld [tilespmem:s4+$0x30];
	_ =	sdelay $0x2  }
0x80: {  	[tilespmem:s24+$0xFFFFFE50] =	vst v4  }
0x81: {  	[tilespmem:s23+$0xFFFFFF00] =	vst v2;
	v4 =	vld [tilespmem:s5+$0x20]  }
0x82: {  	s7 =	spop (v2sf);
	v2 =	vld [tilespmem:s6+$0x10];
	[tilespmem:s29+$0xFFFFFFB0] =	vst v3  }
0x83: {  	v3 =	vld [tilespmem:s7+$0x0]  }
0x84: {  	(v2sf) =	vpush v1, $0x5  }
0x85: {  	s3 =	simm.s32 $0x30  }
0x86: {  	v6 =	vld [tilespmem:s3+$0x1900];
	[tilespmem:s24+$0xFFFFFE60] =	vst v4  }
0x87: {  	[tilespmem:s23+$0xFFFFFF10] =	vst v2;
	v4 =	vld [tilespmem:s5+$0x30]  }
0x88: {  	v7 =	vld [tilespmem:s6+$0x20];
	[tilespmem:s29+$0xFFFFFFC0] =	vst v3  }
0x89: {  	v3 =	vld [tilespmem:s7+$0x10];
	_ =	sdelay $0x1  }
0x8a: {  	(v2sf) =	vpush v5, $0x8  }
0x8b: {  	s8 =	spop (v2sf);
	v2 =	vshll.u32 v6, $0x8;
	[tilespmem:s24+$0xFFFFFE70] =	vst v4  }
0x8c: {  	v2 =	vshra.s32 v2, $0x2;
	[tilespmem:s23+$0xFFFFFF20] =	vst v7;
	v4 =	vld [tilespmem:s8+$0x0]  }
0x8d: {  	(v2sf) =	vpush v2, $0x0;
	v6 =	vld [tilespmem:s6+$0x30];
	[tilespmem:s29+$0xFFFFFFD0] =	vst v3  }
0x8e: {  	v3 =	vld [tilespmem:s7+$0x20];
	_ =	sdelay $0x2  }
0x8f: {  	[tilespmem:s24+$0xFFFFFE80] =	vst v4  }
0x90: {  	s9 =	spop (v2sf);
	[tilespmem:s23+$0xFFFFFF30] =	vst v6;
	v4 =	vld [tilespmem:s8+$0x10]  }
0x91: {  	v6 =	vld [tilespmem:s9+$0x0];
	[tilespmem:s29+$0xFFFFFFE0] =	vst v3  }
0x92: {  	(v2sf) =	vpush v0, $0x3;
	v3 =	vld [tilespmem:s7+$0x30];
	_ =	sdelay $0x2  }
0x93: {  	[tilespmem:s24+$0xFFFFFE90] =	vst v4  }
0x94: {  	[tilespmem:s23+$0xFFFFFF40] =	vst v6;
	v4 =	vld [tilespmem:s8+$0x20]  }
0x95: {  	s10 =	spop (v2sf);
	v6 =	vld [tilespmem:s9+$0x10];
	[tilespmem:s29+$0xFFFFFFF0] =	vst v3  }
0x96: {  	v3 =	vld [tilespmem:s10+$0x0]  }
0x97: {  	(v2sf) =	vpush v1, $0x6  }
0x98: {  	s11 =	spop (v2sf)  }
0x99: {  	v7 =	vld [tilespmem:s11+$0x0];
	[tilespmem:s24+$0xFFFFFEA0] =	vst v4  }
0x9a: {  	[tilespmem:s23+$0xFFFFFF50] =	vst v6;
	v4 =	vld [tilespmem:s8+$0x30]  }
0x9b: {  	v6 =	vld [tilespmem:s9+$0x20];
	[tilespmem:s29+$0x0] =	vst v3  }
0x9c: {  	v3 =	vld [tilespmem:s10+$0x10]  }
0x9d: {  	s25 =	simm.s32 $0x2B00  }
0x9e: {  	(v2sf) =	vpush v5, $0x9;
	[tilespmem:s25+$0xFFFFFE00] =	vst v7  }
0x9f: {  	s12 =	spop (v2sf);
	v7 =	vld [tilespmem:s11+$0x10];
	[tilespmem:s24+$0xFFFFFEB0] =	vst v4  }
0xa0: {  	[tilespmem:s23+$0xFFFFFF60] =	vst v6;
	v4 =	vld [tilespmem:s12+$0x0]  }
0xa1: {  	(v2sf) =	vpush v2, $0x1;
	v6 =	vld [tilespmem:s9+$0x30];
	[tilespmem:s29+$0x10] =	vst v3  }
0xa2: {  	v3 =	vld [tilespmem:s10+$0x20];
	_ =	sdelay $0x1  }
0xa3: {  	[tilespmem:s25+$0xFFFFFE10] =	vst v7  }
0xa4: {  	v7 =	vld [tilespmem:s11+$0x20];
	[tilespmem:s24+$0xFFFFFEC0] =	vst v4  }
0xa5: {  	s13 =	spop (v2sf);
	[tilespmem:s23+$0xFFFFFF70] =	vst v6;
	v4 =	vld [tilespmem:s12+$0x10]  }
0xa6: {  	v6 =	vld [tilespmem:s13+$0x0];
	[tilespmem:s29+$0x20] =	vst v3  }
0xa7: {  	(v2sf) =	vpush v0, $0x4;
	v3 =	vld [tilespmem:s10+$0x30];
	_ =	sdelay $0x1  }
0xa8: {  	[tilespmem:s25+$0xFFFFFE20] =	vst v7  }
0xa9: {  	v7 =	vld [tilespmem:s11+$0x30];
	[tilespmem:s24+$0xFFFFFED0] =	vst v4  }
0xaa: {  	[tilespmem:s23+$0xFFFFFF80] =	vst v6;
	v4 =	vld [tilespmem:s12+$0x20]  }
0xab: {  	s14 =	spop (v2sf);
	v6 =	vld [tilespmem:s13+$0x10];
	[tilespmem:s29+$0x30] =	vst v3  }
0xac: {  	v3 =	vld [tilespmem:s14+$0x0]  }
0xad: {  	(v2sf) =	vpush v1, $0x7  }
0xae: {  	s15 =	spop (v2sf);
	[tilespmem:s25+$0xFFFFFE30] =	vst v7  }
0xaf: {  	v7 =	vld [tilespmem:s15+$0x0];
	[tilespmem:s24+$0xFFFFFEE0] =	vst v4  }
0xb0: {  	[tilespmem:s23+$0xFFFFFF90] =	vst v6;
	v4 =	vld [tilespmem:s12+$0x30]  }
0xb1: {  	v6 =	vld [tilespmem:s13+$0x20];
	[tilespmem:s29+$0x40] =	vst v3  }
0xb2: {  	v3 =	vld [tilespmem:s14+$0x10];
	_ =	sdelay $0x1  }
0xb3: {  	(v2sf) =	vpush v5, $0xA;
	[tilespmem:s25+$0xFFFFFE40] =	vst v7  }
0xb4: {  	s16 =	spop (v2sf);
	v7 =	vld [tilespmem:s15+$0x10];
	[tilespmem:s24+$0xFFFFFEF0] =	vst v4  }
0xb5: {  	[tilespmem:s23+$0xFFFFFFA0] =	vst v6;
	v4 =	vld [tilespmem:s16+$0x0]  }
0xb6: {  	(v2sf) =	vpush v2, $0x2;
	v6 =	vld [tilespmem:s13+$0x30];
	[tilespmem:s29+$0x50] =	vst v3  }
0xb7: {  	v3 =	vld [tilespmem:s14+$0x20];
	_ =	sdelay $0x1  }
0xb8: {  	[tilespmem:s25+$0xFFFFFE50] =	vst v7  }
0xb9: {  	v7 =	vld [tilespmem:s15+$0x20];
	[tilespmem:s24+$0xFFFFFF00] =	vst v4  }
0xba: {  	s17 =	spop (v2sf);
	[tilespmem:s23+$0xFFFFFFB0] =	vst v6;
	v4 =	vld [tilespmem:s16+$0x10]  }
0xbb: {  	v6 =	vld [tilespmem:s17+$0x0];
	[tilespmem:s29+$0x60] =	vst v3  }
0xbc: {  	(v2sf) =	vpush v0, $0x5;
	v3 =	vld [tilespmem:s14+$0x30]  }
0xbd: {  	s18 =	simm.s32 $0x40  }
0xbe: {  	v8 =	vld [tilespmem:s18+$0x1900];
	[tilespmem:s25+$0xFFFFFE60] =	vst v7  }
0xbf: {  	v7 =	vld [tilespmem:s15+$0x30];
	[tilespmem:s24+$0xFFFFFF10] =	vst v4  }
0xc0: {  	[tilespmem:s23+$0xFFFFFFC0] =	vst v6;
	v4 =	vld [tilespmem:s16+$0x20]  }
0xc1: {  	s19 =	spop (v2sf);
	v6 =	vld [tilespmem:s17+$0x10];
	[tilespmem:s29+$0x70] =	vst v3  }
0xc2: {  	v9 =	vld [tilespmem:s19+$0x0]  }
0xc3: {  	(v2sf) =	vpush v1, $0x8  }
0xc4: {  	s21 =	spop (v2sf);
	[tilespmem:s25+$0xFFFFFE70] =	vst v7;
	v3 =	vshll.u32 v8, $0x8  }
0xc5: {  	v7 =	vld [tilespmem:s21+$0x0];
	[tilespmem:s24+$0xFFFFFF20] =	vst v4;
	v3 =	vshra.s32 v3, $0x2  }
0xc6: {  	[tilespmem:s23+$0xFFFFFFD0] =	vst v6;
	v4 =	vld [tilespmem:s16+$0x30];
	(v2sf) =	vpush v3, $0x0  }
0xc7: {  	v6 =	vld [tilespmem:s17+$0x20];
	[tilespmem:s29+$0x80] =	vst v9  }
0xc8: {  	v8 =	vld [tilespmem:s19+$0x10];
	_ =	sdelay $0x1  }
0xc9: {  	[tilespmem:s25+$0xFFFFFE80] =	vst v7;
	(v2sf) =	vpush v5, $0xB  }
0xca: {  	s22 =	spop (v2sf);
	v7 =	vld [tilespmem:s21+$0x10];
	[tilespmem:s24+$0xFFFFFF30] =	vst v4  }
0xcb: {  	[tilespmem:s23+$0xFFFFFFE0] =	vst v6;
	v4 =	vld [tilespmem:s22+$0x0]  }
0xcc: {  	v6 =	vld [tilespmem:s17+$0x30];
	(v2sf) =	vpush v2, $0x3;
	[tilespmem:s29+$0x90] =	vst v8  }
0xcd: {  	v8 =	vld [tilespmem:s19+$0x20];
	_ =	sdelay $0x1  }
0xce: {  	[tilespmem:s25+$0xFFFFFE90] =	vst v7  }
0xcf: {  	v7 =	vld [tilespmem:s21+$0x20];
	[tilespmem:s24+$0xFFFFFF40] =	vst v4  }
0xd0: {  	s30 =	spop (v2sf);
	[tilespmem:s23+$0xFFFFFFF0] =	vst v6;
	v4 =	vld [tilespmem:s22+$0x10]  }
0xd1: {  	v6 =	vld [tilespmem:s30+$0x0];
	[tilespmem:s29+$0xA0] =	vst v8  }
0xd2: {  	(v2sf) =	vpush v0, $0x6;
	v8 =	vld [tilespmem:s19+$0x30]  }
0xd3: {  	s31 =	spop (v2sf)  }
0xd4: {  	[tilespmem:s25+$0xFFFFFEA0] =	vst v7;
	v9 =	vld [tilespmem:s31+$0x0]  }
0xd5: {  	v7 =	vld [tilespmem:s21+$0x30];
	[tilespmem:s24+$0xFFFFFF50] =	vst v4  }
0xd6: {  	[tilespmem:s23+$0x0] =	vst v6;
	v4 =	vld [tilespmem:s22+$0x20]  }
0xd7: {  	v6 =	vld [tilespmem:s30+$0x10];
	s4 =	spop (v2sf);
	[tilespmem:s29+$0xB0] =	vst v8  }
0xd8: {  	s26 =	simm.s32 $0x2F00;
	v8 =	vld [tilespmem:s4+$0x0]  }
0xd9: {  	(v2sf) =	vpush v1, $0x9;
	[tilespmem:s26+$0xFFFFFE00] =	vst v9  }
0xda: {  	[tilespmem:s25+$0xFFFFFEB0] =	vst v7;
	s5 =	spop (v2sf);
	v9 =	vld [tilespmem:s31+$0x10]  }
0xdb: {  	v7 =	vld [tilespmem:s5+$0x0];
	[tilespmem:s24+$0xFFFFFF60] =	vst v4  }
0xdc: {  	(v2sf) =	vpush v3, $0x1;
	[tilespmem:s23+$0x10] =	vst v6;
	v4 =	vld [tilespmem:s22+$0x30]  }
0xdd: {  	v6 =	vld [tilespmem:s30+$0x20];
	[tilespmem:s29+$0xC0] =	vst v8  }
0xde: {  	v8 =	vld [tilespmem:s4+$0x10]  }
0xdf: {  	[tilespmem:s26+$0xFFFFFE10] =	vst v9  }
0xe0: {  	(v2sf) =	vpush v5, $0xC;
	[tilespmem:s25+$0xFFFFFEC0] =	vst v7;
	v9 =	vld [tilespmem:s31+$0x20]  }
0xe1: {  	s6 =	spop (v2sf);
	v7 =	vld [tilespmem:s5+$0x10];
	[tilespmem:s24+$0xFFFFFF70] =	vst v4  }
0xe2: {  	[tilespmem:s23+$0x20] =	vst v6;
	v4 =	vld [tilespmem:s6+$0x0]  }
0xe3: {  	(v2sf) =	vpush v2, $0x4;
	v6 =	vld [tilespmem:s30+$0x30];
	[tilespmem:s29+$0xD0] =	vst v8  }
0xe4: {  	v8 =	vld [tilespmem:s4+$0x20]  }
0xe5: {  	[tilespmem:s26+$0xFFFFFE20] =	vst v9  }
0xe6: {  	[tilespmem:s25+$0xFFFFFED0] =	vst v7;
	v9 =	vld [tilespmem:s31+$0x30]  }
0xe7: {  	v7 =	vld [tilespmem:s5+$0x20];
	[tilespmem:s24+$0xFFFFFF80] =	vst v4  }
0xe8: {  	[tilespmem:s23+$0x30] =	vst v6;
	s7 =	spop (v2sf);
	v4 =	vld [tilespmem:s6+$0x10]  }
0xe9: {  	v6 =	vld [tilespmem:s7+$0x0];
	[tilespmem:s29+$0xE0] =	vst v8  }
0xea: {  	(v2sf) =	vpush v0, $0x7;
	v8 =	vld [tilespmem:s4+$0x30]  }
0xeb: {  	s8 =	spop (v2sf);
	[tilespmem:s26+$0xFFFFFE30] =	vst v9  }
0xec: {  	[tilespmem:s25+$0xFFFFFEE0] =	vst v7;
	v9 =	vld [tilespmem:s8+$0x0]  }
0xed: {  	v7 =	vld [tilespmem:s5+$0x30];
	[tilespmem:s24+$0xFFFFFF90] =	vst v4  }
0xee: {  	[tilespmem:s23+$0x40] =	vst v6;
	v4 =	vld [tilespmem:s6+$0x20]  }
0xef: {  	s9 =	spop (v2sf);
	v6 =	vld [tilespmem:s7+$0x10];
	[tilespmem:s29+$0xF0] =	vst v8  }
0xf0: {  	v8 =	vld [tilespmem:s9+$0x0]  }
0xf1: {  	(v2sf) =	vpush v1, $0xA;
	[tilespmem:s26+$0xFFFFFE40] =	vst v9  }
0xf2: {  	s10 =	spop (v2sf);
	[tilespmem:s25+$0xFFFFFEF0] =	vst v7;
	v9 =	vld [tilespmem:s8+$0x10]  }
0xf3: {  	v7 =	vld [tilespmem:s10+$0x0];
	[tilespmem:s24+$0xFFFFFFA0] =	vst v4  }
0xf4: {  	(v2sf) =	vpush v3, $0x2;
	[tilespmem:s23+$0x50] =	vst v6;
	v4 =	vld [tilespmem:s6+$0x30]  }
0xf5: {  	v6 =	vld [tilespmem:s7+$0x20];
	[tilespmem:s29+$0x100] =	vst v8  }
0xf6: {  	v8 =	vld [tilespmem:s9+$0x10]  }
0xf7: {  	[tilespmem:s26+$0xFFFFFE50] =	vst v9  }
0xf8: {  	(v2sf) =	vpush v5, $0xD;
	[tilespmem:s25+$0xFFFFFF00] =	vst v7;
	v9 =	vld [tilespmem:s8+$0x20]  }
0xf9: {  	s11 =	spop (v2sf);
	v7 =	vld [tilespmem:s10+$0x10];
	[tilespmem:s24+$0xFFFFFFB0] =	vst v4  }
0xfa: {  	[tilespmem:s23+$0x60] =	vst v6;
	v4 =	vld [tilespmem:s11+$0x0]  }
0xfb: {  	(v2sf) =	vpush v2, $0x5;
	v6 =	vld [tilespmem:s7+$0x30];
	[tilespmem:s29+$0x110] =	vst v8  }
0xfc: {  	s12 =	simm.s32 $0x50;
	v8 =	vld [tilespmem:s9+$0x20]  }
0xfd: {  	v10 =	vld [tilespmem:s12+$0x1900];
	[tilespmem:s26+$0xFFFFFE60] =	vst v9  }
0xfe: {  	[tilespmem:s25+$0xFFFFFF10] =	vst v7;
	v9 =	vld [tilespmem:s8+$0x30]  }
0xff: {  	v7 =	vld [tilespmem:s10+$0x20];
	[tilespmem:s24+$0xFFFFFFC0] =	vst v4  }
0x100: {  	s13 =	spop (v2sf);
	[tilespmem:s23+$0x70] =	vst v6;
	v11 =	vld [tilespmem:s11+$0x10]  }
0x101: {  	v6 =	vld [tilespmem:s13+$0x0];
	[tilespmem:s29+$0x120] =	vst v8  }
0x102: {  	(v2sf) =	vpush v0, $0x8;
	v8 =	vld [tilespmem:s9+$0x30]  }
0x103: {  	s14 =	spop (v2sf);
	v4 =	vshll.u32 v10, $0x8;
	[tilespmem:s26+$0xFFFFFE70] =	vst v9  }
0x104: {  	v4 =	vshra.s32 v4, $0x2;
	[tilespmem:s25+$0xFFFFFF20] =	vst v7;
	v9 =	vld [tilespmem:s14+$0x0]  }
0x105: {  	(v2sf) =	vpush v4, $0x0;
	v7 =	vld [tilespmem:s10+$0x30];
	[tilespmem:s24+$0xFFFFFFD0] =	vst v11  }
0x106: {  	[tilespmem:s23+$0x80] =	vst v6;
	v10 =	vld [tilespmem:s11+$0x20]  }
0x107: {  	s15 =	spop (v2sf);
	v6 =	vld [tilespmem:s13+$0x10];
	[tilespmem:s29+$0x130] =	vst v8  }
0x108: {  	v8 =	vld [tilespmem:s15+$0x0]  }
0x109: {  	(v2sf) =	vpush v1, $0xB;
	[tilespmem:s26+$0xFFFFFE80] =	vst v9  }
0x10a: {  	s16 =	spop (v2sf);
	[tilespmem:s25+$0xFFFFFF30] =	vst v7;
	v9 =	vld [tilespmem:s14+$0x10]  }
0x10b: {  	v7 =	vld [tilespmem:s16+$0x0];
	[tilespmem:s24+$0xFFFFFFE0] =	vst v10  }
0x10c: {  	(v2sf) =	vpush v3, $0x3;
	[tilespmem:s23+$0x90] =	vst v6;
	v10 =	vld [tilespmem:s11+$0x30]  }
0x10d: {  	v11 =	vld [tilespmem:s13+$0x20];
	[tilespmem:s29+$0x140] =	vst v8  }
0x10e: {  	s17 =	simm.s32 $0x60;
	v8 =	vld [tilespmem:s15+$0x10]  }
0x10f: {  	v6 =	vld [tilespmem:s17+$0x1900];
	[tilespmem:s26+$0xFFFFFE90] =	vst v9  }
0x110: {  	(v2sf) =	vpush v5, $0xE;
	[tilespmem:s25+$0xFFFFFF40] =	vst v7;
	v9 =	vld [tilespmem:s14+$0x20]  }
0x111: {  	s18 =	spop (v2sf);
	v7 =	vld [tilespmem:s16+$0x10];
	[tilespmem:s24+$0xFFFFFFF0] =	vst v10  }
0x112: {  	[tilespmem:s23+$0xA0] =	vst v11;
	v10 =	vld [tilespmem:s18+$0x0]  }
0x113: {  	(v2sf) =	vpush v2, $0x6;
	v11 =	vld [tilespmem:s13+$0x30];
	[tilespmem:s29+$0x150] =	vst v8  }
0x114: {  	s19 =	spop (v2sf);
	v8 =	vld [tilespmem:s15+$0x20]  }
0x115: {  	v12 =	vld [tilespmem:s19+$0x0];
	[tilespmem:s26+$0xFFFFFEA0] =	vst v9  }
0x116: {  	[tilespmem:s25+$0xFFFFFF50] =	vst v7;
	v9 =	vld [tilespmem:s14+$0x30]  }
0x117: {  	v7 =	vld [tilespmem:s16+$0x20];
	[tilespmem:s24+$0x0] =	vst v10  }
0x118: {  	s21 =	spop (v2sf);
	[tilespmem:s23+$0xB0] =	vst v11;
	v10 =	vld [tilespmem:s18+$0x10]  }
0x119: {  	s28 =	simm.s32 $0x3300;
	v11 =	vld [tilespmem:s21+$0x0];
	[tilespmem:s29+$0x160] =	vst v8  }
0x11a: {  	(v2sf) =	vpush v0, $0x9;
	[tilespmem:s28+$0xFFFFFE00] =	vst v12;
	v8 =	vld [tilespmem:s15+$0x30]  }
0x11b: {  	s22 =	spop (v2sf);
	v12 =	vld [tilespmem:s19+$0x10];
	[tilespmem:s26+$0xFFFFFEB0] =	vst v9  }
0x11c: {  	[tilespmem:s25+$0xFFFFFF60] =	vst v7;
	v9 =	vld [tilespmem:s22+$0x0]  }
0x11d: {  	(v2sf) =	vpush v4, $0x1;
	v7 =	vld [tilespmem:s16+$0x30];
	[tilespmem:s24+$0x10] =	vst v10  }
0x11e: {  	[tilespmem:s23+$0xC0] =	vst v11;
	v10 =	vld [tilespmem:s18+$0x20]  }
0x11f: {  	s30 =	spop (v2sf);
	v11 =	vld [tilespmem:s21+$0x10];
	[tilespmem:s29+$0x170] =	vst v8  }
0x120: {  	[tilespmem:s28+$0xFFFFFE10] =	vst v12;
	v8 =	vld [tilespmem:s30+$0x0]  }
0x121: {  	(v2sf) =	vpush v1, $0xC;
	v12 =	vld [tilespmem:s19+$0x20];
	[tilespmem:s26+$0xFFFFFEC0] =	vst v9  }
0x122: {  	s7 =	spop (v2sf);
	[tilespmem:s25+$0xFFFFFF70] =	vst v7;
	v9 =	vld [tilespmem:s22+$0x10]  }
0x123: {  	v7 =	vld [tilespmem:s7+$0x0];
	[tilespmem:s24+$0x20] =	vst v10  }
0x124: {  	(v2sf) =	vpush v3, $0x4;
	[tilespmem:s23+$0xD0] =	vst v11;
	v10 =	vld [tilespmem:s18+$0x30]  }
0x125: {  	v11 =	vld [tilespmem:s21+$0x20];
	[tilespmem:s29+$0x180] =	vst v8  }
0x126: {  	[tilespmem:s28+$0xFFFFFE20] =	vst v12;
	v8 =	vld [tilespmem:s30+$0x10]  }
0x127: {  	v12 =	vld [tilespmem:s19+$0x30];
	[tilespmem:s26+$0xFFFFFED0] =	vst v9  }
0x128: {  	(v2sf) =	vpush v5, $0xF;
	[tilespmem:s25+$0xFFFFFF80] =	vst v7;
	v9 =	vld [tilespmem:s22+$0x20]  }
0x129: {  	s31 =	spop (v2sf);
	v5 =	vld [tilespmem:s7+$0x10];
	[tilespmem:s24+$0x30] =	vst v10  }
0x12a: {  	(v2sf) =	vpush v2, $0x7;
	[tilespmem:s23+$0xE0] =	vst v11;
	v7 =	vld [tilespmem:s31+$0x0]  }
0x12b: {  	v10 =	vld [tilespmem:s21+$0x30];
	[tilespmem:s29+$0x190] =	vst v8  }
0x12c: {  	s6 =	spop (v2sf);
	[tilespmem:s28+$0xFFFFFE30] =	vst v12;
	v8 =	vld [tilespmem:s30+$0x20]  }
0x12d: {  	v11 =	vld [tilespmem:s6+$0x0];
	[tilespmem:s26+$0xFFFFFEE0] =	vst v9  }
0x12e: {  	[tilespmem:s25+$0xFFFFFF90] =	vst v5;
	v9 =	vld [tilespmem:s22+$0x30]  }
0x12f: {  	v5 =	vld [tilespmem:s7+$0x20];
	[tilespmem:s24+$0x40] =	vst v7  }
0x130: {  	s5 =	spop (v2sf);
	[tilespmem:s23+$0xF0] =	vst v10;
	v7 =	vld [tilespmem:s31+$0x10]  }
0x131: {  	v10 =	vld [tilespmem:s5+$0x0];
	[tilespmem:s29+$0x1A0] =	vst v8  }
0x132: {  	(v2sf) =	vpush v0, $0xA;
	[tilespmem:s28+$0xFFFFFE40] =	vst v11;
	v8 =	vld [tilespmem:s30+$0x30]  }
0x133: {  	s3 =	spop (v2sf);
	v11 =	vld [tilespmem:s6+$0x10];
	[tilespmem:s26+$0xFFFFFEF0] =	vst v9  }
0x134: {  	[tilespmem:s25+$0xFFFFFFA0] =	vst v5;
	v9 =	vld [tilespmem:s3+$0x0]  }
0x135: {  	(v2sf) =	vpush v4, $0x2;
	v63 =	vld [tilespmem:s7+$0x30];
	[tilespmem:s24+$0x50] =	vst v7  }
0x136: {  	[tilespmem:s23+$0x100] =	vst v10;
	v7 =	vld [tilespmem:s31+$0x20]  }
0x137: {  	s1 =	spop (v2sf);
	v13 =	vld [tilespmem:s5+$0x10];
	[tilespmem:s29+$0x1B0] =	vst v8  }
0x138: {  	[tilespmem:s28+$0xFFFFFE50] =	vst v11;
	v11 =	vld [tilespmem:s1+$0x0]  }
0x139: {  	s2 =	spop (v2sf);
	(v2sf) =	vpush v1, $0xD;
	v14 =	vld [tilespmem:s6+$0x20];
	[tilespmem:s26+$0xFFFFFF00] =	vst v9  }
0x13a: {  	[tilespmem:s25+$0xFFFFFFB0] =	vst v63;
	v5 =	vld [tilespmem:s3+$0x10]  }
0x13b: {  	[tilespmem:s24+$0x60] =	vst v7;
	v8 =	vld [tilespmem:s2+$0x0]  }
0x13c: {  	(v2sf) =	vpush v3, $0x5;
	[tilespmem:s23+$0x110] =	vst v13;
	v10 =	vld [tilespmem:s31+$0x30]  }
0x13d: {  	v9 =	vld [tilespmem:s5+$0x20];
	[tilespmem:s29+$0x1C0] =	vst v11  }
0x13e: {  	s0 =	simm.s32 $0x1C0;
	[tilespmem:s28+$0xFFFFFE60] =	vst v14;
	v7 =	vld [tilespmem:s1+$0x10]  }
.LBB2_3:
0x13f: {  	p0 =	sne.s32 s0, $0x7C0;
	v11 =	vld [tilespmem:s6+$0x30];
	[tilespmem:s26+$0xFFFFFF10] =	vst v5  }
0x140: {  	v12 =	vld [tilespmem:s3+$0x20];
	[tilespmem:s25+$0xFFFFFFC0] =	vst v8  }
0x141: {  	v8 =	vld [tilespmem:s2+$0x10];
	[tilespmem:s24+$0x70] =	vst v10;
	s4 =	spop (v2sf)  }
0x142: {  	v10 =	vld [tilespmem:s4+$0x0];
	[tilespmem:s23+$0x120] =	vst v9  }
0x143: {  	(v2sf) =	vpush v2, $0x8;
	v9 =	vld [tilespmem:s5+$0x30];
	[tilespmem:s29+$0x1D0] =	vst v7  }
0x144: {  	v5 =	vshll.u32 v6, $0x8;
	[tilespmem:s28+$0xFFFFFE70] =	vst v11;
	s5 =	spop (v2sf);
	v6 =	vld [tilespmem:s1+$0x20]  }
0x145: {  	v5 =	vshra.s32 v5, $0x2;
	v7 =	vld [tilespmem:s5+$0x0];
	[tilespmem:s26+$0xFFFFFF20] =	vst v12  }
0x146: {  	(v2sf) =	vpush v5, $0x0;
	v11 =	vld [tilespmem:s3+$0x30];
	[tilespmem:s25+$0xFFFFFFD0] =	vst v8  }
0x147: {  	v8 =	vld [tilespmem:s2+$0x20];
	[tilespmem:s24+$0x80] =	vst v10  }
0x148: {  	v10 =	vld [tilespmem:s4+$0x10];
	[tilespmem:s23+$0x130] =	vst v9;
	s3 =	spop (v2sf)  }
0x149: {  	v9 =	vld [tilespmem:s3+$0x0];
	[tilespmem:s29+$0x1E0] =	vst v6  }
0x14a: {  	[tilespmem:s28+$0xFFFFFE80] =	vst v7;
	(v2sf) =	vpush v0, $0xB;
	v6 =	vld [tilespmem:s1+$0x30]  }
0x14b: {  	v7 =	vld [tilespmem:s5+$0x10];
	[tilespmem:s26+$0xFFFFFF30] =	vst v11;
	s6 =	spop (v2sf)  }
0x14c: {  	v11 =	vld [tilespmem:s6+$0x0];
	[tilespmem:s25+$0xFFFFFFE0] =	vst v8  }
0x14d: {  	(v2sf) =	vpush v4, $0x3;
	v8 =	vld [tilespmem:s2+$0x30];
	[tilespmem:s24+$0x90] =	vst v10  }
0x14e: {  	v10 =	vld [tilespmem:s4+$0x20];
	[tilespmem:s23+$0x140] =	vst v9  }
0x14f: {  	s1 =	sshra.s32 s0, $0x2;
	v9 =	vld [tilespmem:s3+$0x10];
	[tilespmem:s29+$0x1F0] =	vst v6;
	s29 =	smov.u32 s23;
	s23 =	smov.u32 s24  }
0x150: {  	s24 =	smov.u32 s25;
	s25 =	smov.u32 s26;
	s26 =	smov.u32 s28;
	v6 =	vld [tilespmem:s1+$0x1900];
	[tilespmem:s28+$0xFFFFFE90] =	vst v7  }
0x151: {  	v7 =	vld [tilespmem:s5+$0x20];
	[tilespmem:s25+$0xFFFFFF40] =	vst v11;
	(v2sf) =	vpush v1, $0xE  }
0x152: {  	v11 =	vld [tilespmem:s6+$0x10];
	[tilespmem:s24+$0xFFFFFFF0] =	vst v8;
	s8 =	spop (v2sf)  }
0x153: {  	v8 =	vld [tilespmem:s8+$0x0];
	[tilespmem:s23+$0xA0] =	vst v10  }
0x154: {  	(v2sf) =	vpush v3, $0x6;
	v10 =	vld [tilespmem:s4+$0x30];
	[tilespmem:s29+$0x150] =	vst v9  }
0x155: {  	s7 =	spop (v2sf);
	v9 =	vld [tilespmem:s3+$0x20]  }
0x156: {  	v12 =	vld [tilespmem:s7+$0x0];
	[tilespmem:s28+$0xFFFFFEA0] =	vst v7  }
0x157: {  	v7 =	vld [tilespmem:s5+$0x30];
	[tilespmem:s25+$0xFFFFFF50] =	vst v11  }
0x158: {  	v11 =	vld [tilespmem:s6+$0x20];
	[tilespmem:s24+$0x0] =	vst v8  }
0x159: {  	v8 =	vld [tilespmem:s8+$0x10];
	[tilespmem:s23+$0xB0] =	vst v10;
	s1 =	spop (v2sf)  }
0x15a: {  	s28 =	sadd.s32 $0x400, s28;
	v10 =	vld [tilespmem:s1+$0x0];
	[tilespmem:s29+$0x160] =	vst v9  }
0x15b: {  	[tilespmem:s28+$0xFFFFFE00] =	vst v12;
	(v2sf) =	vpush v2, $0x9;
	v9 =	vld [tilespmem:s3+$0x30]  }
0x15c: {  	v12 =	vld [tilespmem:s7+$0x10];
	[tilespmem:s26+$0xFFFFFEB0] =	vst v7;
	s3 =	spop (v2sf)  }
0x15d: {  	v7 =	vld [tilespmem:s3+$0x0];
	[tilespmem:s25+$0xFFFFFF60] =	vst v11  }
0x15e: {  	(v2sf) =	vpush v5, $0x1;
	v11 =	vld [tilespmem:s6+$0x30];
	[tilespmem:s24+$0x10] =	vst v8  }
0x15f: {  	v8 =	vld [tilespmem:s8+$0x20];
	[tilespmem:s23+$0xC0] =	vst v10  }
0x160: {  	v10 =	vld [tilespmem:s1+$0x10];
	[tilespmem:s29+$0x170] =	vst v9;
	s2 =	spop (v2sf)  }
0x161: {  	[tilespmem:s28+$0xFFFFFE10] =	vst v12;
	v9 =	vld [tilespmem:s2+$0x0]  }
0x162: {  	v12 =	vld [tilespmem:s7+$0x20];
	[tilespmem:s26+$0xFFFFFEC0] =	vst v7;
	(v2sf) =	vpush v0, $0xC  }
0x163: {  	v7 =	vld [tilespmem:s3+$0x10];
	[tilespmem:s25+$0xFFFFFF70] =	vst v11;
	s4 =	spop (v2sf)  }
0x164: {  	v11 =	vld [tilespmem:s4+$0x0];
	[tilespmem:s24+$0x20] =	vst v8  }
0x165: {  	(v2sf) =	vpush v4, $0x4;
	v8 =	vld [tilespmem:s8+$0x30];
	[tilespmem:s23+$0xD0] =	vst v10  }
0x166: {  	v10 =	vld [tilespmem:s1+$0x20];
	[tilespmem:s29+$0x180] =	vst v9  }
0x167: {  	[tilespmem:s28+$0xFFFFFE20] =	vst v12;
	v9 =	vld [tilespmem:s2+$0x10]  }
0x168: {  	v12 =	vld [tilespmem:s7+$0x30];
	[tilespmem:s26+$0xFFFFFED0] =	vst v7  }
0x169: {  	v7 =	vld [tilespmem:s3+$0x20];
	[tilespmem:s25+$0xFFFFFF80] =	vst v11;
	(v2sf) =	vpush v1, $0xF;
	v1 =	vmovc v0;
	v0 =	vmovc v2;
	v2 =	vmov v3;
	v3 =	vmov v4  }
0x16a: {  	v4 =	vmov v5;
	v11 =	vld [tilespmem:s4+$0x10];
	[tilespmem:s24+$0x30] =	vst v8;
	s7 =	spop (v2sf)  }
0x16b: {  	v5 =	vld [tilespmem:s7+$0x0];
	[tilespmem:s23+$0xE0] =	vst v10  }
0x16c: {  	(v2sf) =	vpush v2, $0x7;
	v8 =	vld [tilespmem:s1+$0x30];
	[tilespmem:s29+$0x190] =	vst v9  }
0x16d: {  	[tilespmem:s28+$0xFFFFFE30] =	vst v12;
	s6 =	spop (v2sf);
	v9 =	vld [tilespmem:s2+$0x20]  }
0x16e: {  	v10 =	vld [tilespmem:s6+$0x0];
	[tilespmem:s26+$0xFFFFFEE0] =	vst v7  }
0x16f: {  	v7 =	vld [tilespmem:s3+$0x30];
	[tilespmem:s25+$0xFFFFFF90] =	vst v11  }
0x170: {  	v11 =	vld [tilespmem:s4+$0x20];
	[tilespmem:s24+$0x40] =	vst v5  }
0x171: {  	v5 =	vld [tilespmem:s7+$0x10];
	[tilespmem:s23+$0xF0] =	vst v8;
	s5 =	spop (v2sf)  }
0x172: {  	v8 =	vld [tilespmem:s5+$0x0];
	[tilespmem:s29+$0x1A0] =	vst v9  }
0x173: {  	[tilespmem:s28+$0xFFFFFE40] =	vst v10;
	(v2sf) =	vpush v0, $0xA;
	v9 =	vld [tilespmem:s2+$0x30]  }
0x174: {  	v10 =	vld [tilespmem:s6+$0x10];
	[tilespmem:s26+$0xFFFFFEF0] =	vst v7;
	s3 =	spop (v2sf)  }
0x175: {  	v7 =	vld [tilespmem:s3+$0x0];
	[tilespmem:s25+$0xFFFFFFA0] =	vst v11  }
0x176: {  	(v2sf) =	vpush v4, $0x2;
	v11 =	vld [tilespmem:s4+$0x30];
	[tilespmem:s24+$0x50] =	vst v5  }
0x177: {  	v12 =	vld [tilespmem:s7+$0x20];
	[tilespmem:s23+$0x100] =	vst v8  }
0x178: {  	v13 =	vld [tilespmem:s5+$0x10];
	[tilespmem:s29+$0x1B0] =	vst v9;
	s1 =	spop (v2sf)  }
0x179: {  	[tilespmem:s28+$0xFFFFFE50] =	vst v10;
	v14 =	vld [tilespmem:s1+$0x0]  }
0x17a: {  	v15 =	vld [tilespmem:s6+$0x20];
	[tilespmem:s26+$0xFFFFFF00] =	vst v7;
	(v2sf) =	vpush v1, $0xD  }
.Ltmp0:
0x17b: {  	v5 =	vld [tilespmem:s3+$0x10];
	[tilespmem:s25+$0xFFFFFFB0] =	vst v11;
	s2 =	spop (v2sf);
	(pc) =	sbr.rel @p0 .LBB2_3-.Ltmp0, $4  }
0x17c: {  	v8 =	vld [tilespmem:s2+$0x0];
	[tilespmem:s24+$0x60] =	vst v12  }
0x17d: {  	(v2sf) =	vpush v3, $0x5;
	v10 =	vld [tilespmem:s7+$0x30];
	[tilespmem:s23+$0x110] =	vst v13  }
0x17e: {  	v9 =	vld [tilespmem:s5+$0x20];
	[tilespmem:s29+$0x1C0] =	vst v14  }
0x17f: {  	s0 =	sadd.s32 $0x40, s0;
	[tilespmem:s28+$0xFFFFFE60] =	vst v15;
	v7 =	vld [tilespmem:s1+$0x10]  }
0x180: {  	v11 =	vld [tilespmem:s6+$0x30];
	[tilespmem:s26+$0xFFFFFF10] =	vst v5  }
0x181: {  	v12 =	vld [tilespmem:s3+$0x20]  }
0x182: {  	[tilespmem:s24+$0x70] =	vst v10;
	s0 =	spop (v2sf)  }
0x183: {  	v10 =	vld [tilespmem:s0+$0x0]  }
0x184: {  	v5 =	vshll.u32 v6, $0x8;
	[tilespmem:s23+$0x120] =	vst v9  }
0x185: {  	v5 =	vshra.s32 v5, $0x2;
	(v2sf) =	vpush v2, $0x8;
	v6 =	vld [tilespmem:s5+$0x30];
	[tilespmem:s28+$0xFFFFFE70] =	vst v11;
	s4 =	spop (v2sf)  }
0x186: {  	(v2sf) =	vpush v5, $0x0;
	v9 =	vld [tilespmem:s4+$0x0];
	[tilespmem:s26+$0xFFFFFF20] =	vst v12  }
0x187: {  	v11 =	vld [tilespmem:s3+$0x30]  }
0x188: {  	[tilespmem:s24+$0x80] =	vst v10  }
0x189: {  	[tilespmem:s29+$0x1D0] =	vst v7;
	v7 =	vld [tilespmem:s0+$0x10]  }
0x18a: {  	[tilespmem:s23+$0x130] =	vst v6;
	s11 =	spop (v2sf)  }
0x18b: {  	(v2sf) =	vpush v0, $0xB;
	v6 =	vld [tilespmem:s11+$0x0];
	[tilespmem:s28+$0xFFFFFE80] =	vst v9  }
0x18c: {  	v9 =	vld [tilespmem:s4+$0x10];
	[tilespmem:s26+$0xFFFFFF30] =	vst v11;
	s12 =	spop (v2sf)  }
0x18d: {  	v11 =	vld [tilespmem:s12+$0x0]  }
0x18e: {  	[tilespmem:s24+$0x90] =	vst v7  }
0x18f: {  	(v2sf) =	vpush v4, $0x3;
	v7 =	vld [tilespmem:s0+$0x20]  }
0x190: {  	[tilespmem:s23+$0x140] =	vst v6  }
0x191: {  	v6 =	vld [tilespmem:s11+$0x10];
	[tilespmem:s28+$0xFFFFFE90] =	vst v9  }
0x192: {  	v9 =	vld [tilespmem:s4+$0x20];
	[tilespmem:s26+$0xFFFFFF40] =	vst v11  }
0x193: {  	v11 =	vld [tilespmem:s12+$0x10]  }
0x194: {  	s13 =	spop (v2sf);
	[tilespmem:s24+$0xA0] =	vst v7  }
0x195: {  	s14 =	spop (v2sf);
	v7 =	vld [tilespmem:s0+$0x30]  }
0x196: {  	[tilespmem:s23+$0x150] =	vst v6;
	v6 =	vld [tilespmem:s14+$0x0]  }
0x197: {  	[tilespmem:s28+$0xFFFFFEA0] =	vst v9;
	v9 =	vld [tilespmem:s11+$0x20]  }
0x198: {  	[tilespmem:s26+$0xFFFFFF50] =	vst v11;
	v11 =	vld [tilespmem:s4+$0x30];
	_ =	sdelay $0x1  }
0x199: {  	s30 =	sadd.s32 $0x400, s28;
	s7 =	spop (v2sf);
	[tilespmem:s24+$0xB0] =	vst v7  }
0x19a: {  	(v2sf) =	vpush v1, $0xE;
	[tilespmem:s30+$0xFFFFFE00] =	vst v6;
	v6 =	vld [tilespmem:s7+$0x0]  }
0x19b: {  	(v2sf) =	vpush v3, $0x6;
	[tilespmem:s23+$0x160] =	vst v9;
	v9 =	vld [tilespmem:s14+$0x10]  }
0x19c: {  	(v2sf) =	vpush v2, $0x9;
	[tilespmem:s28+$0xFFFFFEB0] =	vst v11;
	v11 =	vld [tilespmem:s11+$0x30]  }
0x19d: {  	[tilespmem:s25+$0xFFFFFFC0] =	vst v8;
	s15 =	spop (v2sf);
	(v2sf) =	vpush v5, $0x1  }
0x19e: {  	v8 =	vld [tilespmem:s2+$0x10]  }
0x19f: {  	[tilespmem:s24+$0xC0] =	vst v6  }
0x1a0: {  	[tilespmem:s30+$0xFFFFFE10] =	vst v9  }
0x1a1: {  	[tilespmem:s23+$0x170] =	vst v11;
	v11 =	vld [tilespmem:s14+$0x20]  }
0x1a2: {  	v9 =	vld [tilespmem:s7+$0x10]  }
0x1a3: {  	[tilespmem:s25+$0xFFFFFFD0] =	vst v8  }
0x1a4: {  	v8 =	vld [tilespmem:s2+$0x20];
	_ =	sdelay $0x1  }
0x1a5: {  	[tilespmem:s30+$0xFFFFFE20] =	vst v11  }
0x1a6: {  	[tilespmem:s24+$0xD0] =	vst v9;
	v9 =	vld [tilespmem:s14+$0x30];
	_ =	sdelay $0x1  }
0x1a7: {  	[tilespmem:s25+$0xFFFFFFE0] =	vst v8;
	s31 =	spop (v2sf)  }
0x1a8: {  	v8 =	vld [tilespmem:s2+$0x30];
	s2 =	spop (v2sf)  }
0x1a9: {  	s14 =	spop (v2sf)  }
0x1aa: {  	s16 =	spop (v2sf);
	[tilespmem:s30+$0xFFFFFE30] =	vst v9  }
0x1ab: {  	v9 =	vld [tilespmem:s16+$0x0];
	_ =	sdelay $0x2  }
0x1ac: {  	(v2sf) =	vpush v0, $0xC  }
0x1ad: {  	(v2sf) =	vpush v4, $0x4  }
0x1ae: {  	(v2sf) =	vpush v1, $0xF;
	[tilespmem:s30+$0xFFFFFE40] =	vst v9  }
0x1af: {  	(v2sf) =	vpush v3, $0x7;
	v1 =	vld [tilespmem:s16+$0x10]  }
0x1b0: {  	(v2sf) =	vpush v2, $0xA  }
0x1b1: {  	(v2sf) =	vpush v5, $0x2  }
0x1b2: {  	v10 =	vld [tilespmem:s1+$0x20];
	_ =	sdelay $0x1  }
0x1b3: {  	[tilespmem:s30+$0xFFFFFE50] =	vst v1  }
0x1b4: {  	v1 =	vld [tilespmem:s16+$0x20];
	_ =	sdelay $0x1  }
0x1b5: {  	[tilespmem:s29+$0x1E0] =	vst v10  }
0x1b6: {  	v10 =	vld [tilespmem:s1+$0x30];
	_ =	sdelay $0x1  }
0x1b7: {  	[tilespmem:s30+$0xFFFFFE60] =	vst v1  }
0x1b8: {  	s9 =	spop (v2sf);
	v1 =	vld [tilespmem:s16+$0x30]  }
0x1b9: {  	s17 =	spop (v2sf)  }
0x1ba: {  	[tilespmem:s29+$0x1F0] =	vst v10;
	s29 =	spop (v2sf)  }
0x1bb: {  	[tilespmem:s25+$0xFFFFFFF0] =	vst v8;
	s3 =	spop (v2sf)  }
0x1bc: {  	v8 =	vld [tilespmem:s13+$0x0];
	s16 =	spop (v2sf)  }
0x1bd: {  	s21 =	spop (v2sf);
	[tilespmem:s30+$0xFFFFFE70] =	vst v1  }
0x1be: {  	v1 =	vld [tilespmem:s21+$0x0];
	_ =	sdelay $0x2  }
0x1bf: {  	[tilespmem:s25+$0x0] =	vst v8;
	v8 =	vld [tilespmem:s12+$0x20]  }
0x1c0: {  	v7 =	vld [tilespmem:s13+$0x10];
	(v2sf) =	vpush v0, $0xD  }
0x1c1: {  	(v2sf) =	vpush v4, $0x5;
	[tilespmem:s30+$0xFFFFFE80] =	vst v1  }
0x1c2: {  	(v2sf) =	vpush v3, $0x8;
	v1 =	vld [tilespmem:s21+$0x10]  }
0x1c3: {  	(v2sf) =	vpush v2, $0xB  }
0x1c4: {  	[tilespmem:s26+$0xFFFFFF60] =	vst v8;
	v8 =	vld [tilespmem:s15+$0x0];
	(v2sf) =	vpush v5, $0x3  }
0x1c5: {  	[tilespmem:s25+$0x10] =	vst v7;
	v7 =	vld [tilespmem:s12+$0x30];
	_ =	sdelay $0x1  }
0x1c6: {  	v6 =	vld [tilespmem:s13+$0x20];
	[tilespmem:s30+$0xFFFFFE90] =	vst v1  }
0x1c7: {  	v1 =	vld [tilespmem:s21+$0x20]  }
0x1c8: {  	[tilespmem:s28+$0xFFFFFEC0] =	vst v8;
	v59 =	vld [tilespmem:s31+$0x0]  }
0x1c9: {  	[tilespmem:s26+$0xFFFFFF70] =	vst v7;
	v13 =	vld [tilespmem:s15+$0x10]  }
0x1ca: {  	v14 =	vld [tilespmem:s2+$0x0]  }
0x1cb: {  	[tilespmem:s25+$0x20] =	vst v6  }
0x1cc: {  	v8 =	vld [tilespmem:s13+$0x30];
	[tilespmem:s30+$0xFFFFFEA0] =	vst v1  }
0x1cd: {  	[tilespmem:s23+$0x180] =	vst v59;
	v1 =	vld [tilespmem:s21+$0x30]  }
0x1ce: {  	v7 =	vld [tilespmem:s7+$0x20];
	[tilespmem:s28+$0xFFFFFED0] =	vst v13;
	s11 =	spop (v2sf)  }
0x1cf: {  	v6 =	vld [tilespmem:s31+$0x10];
	[tilespmem:s26+$0xFFFFFF80] =	vst v14;
	s22 =	spop (v2sf)  }
0x1d0: {  	v10 =	vld [tilespmem:s15+$0x20];
	s18 =	spop (v2sf)  }
0x1d1: {  	s13 =	spop (v2sf)  }
0x1d2: {  	s6 =	spop (v2sf);
	[tilespmem:s30+$0xFFFFFEB0] =	vst v1  }
0x1d3: {  	v1 =	vld [tilespmem:s6+$0x0];
	_ =	sdelay $0x3  }
0x1d4: {  	(v2sf) =	vpush v0, $0xE  }
0x1d5: {  	(v2sf) =	vpush v4, $0x6;
	[tilespmem:s30+$0xFFFFFEC0] =	vst v1  }
0x1d6: {  	(v2sf) =	vpush v3, $0x9;
	v1 =	vld [tilespmem:s6+$0x10]  }
0x1d7: {  	(v2sf) =	vpush v2, $0xC  }
0x1d8: {  	(v2sf) =	vpush v5, $0x4;
	_ =	sdelay $0x2  }
0x1d9: {  	[tilespmem:s30+$0xFFFFFED0] =	vst v1  }
0x1da: {  	v1 =	vld [tilespmem:s6+$0x20]  }
0x1db: {  	[tilespmem:s28+$0xFFFFFEE0] =	vst v10  }
0x1dc: {  	v9 =	vld [tilespmem:s15+$0x30];
	_ =	sdelay $0x2  }
0x1dd: {  	[tilespmem:s30+$0xFFFFFEE0] =	vst v1  }
0x1de: {  	v1 =	vld [tilespmem:s6+$0x30]  }
0x1df: {  	[tilespmem:s28+$0xFFFFFEF0] =	vst v9;
	s0 =	spop (v2sf)  }
0x1e0: {  	v9 =	vld [tilespmem:s17+$0x0];
	s5 =	spop (v2sf)  }
0x1e1: {  	s15 =	spop (v2sf)  }
0x1e2: {  	s19 =	spop (v2sf)  }
0x1e3: {  	s8 =	spop (v2sf);
	[tilespmem:s30+$0xFFFFFEF0] =	vst v1  }
0x1e4: {  	v1 =	vld [tilespmem:s8+$0x0]  }
0x1e5: {  	[tilespmem:s28+$0xFFFFFF00] =	vst v9  }
0x1e6: {  	(v2sf) =	vpush v0, $0xF;
	v0 =	vld [tilespmem:s17+$0x10];
	_ =	sdelay $0x2  }
0x1e7: {  	(v2sf) =	vpush v4, $0x7;
	[tilespmem:s30+$0xFFFFFF00] =	vst v1  }
0x1e8: {  	(v2sf) =	vpush v3, $0xA;
	v1 =	vld [tilespmem:s8+$0x10]  }
0x1e9: {  	(v2sf) =	vpush v2, $0xD;
	[tilespmem:s28+$0xFFFFFF10] =	vst v0  }
0x1ea: {  	(v2sf) =	vpush v5, $0x5;
	v0 =	vld [tilespmem:s17+$0x20];
	_ =	sdelay $0x2  }
0x1eb: {  	[tilespmem:s30+$0xFFFFFF10] =	vst v1  }
0x1ec: {  	v1 =	vld [tilespmem:s8+$0x20]  }
0x1ed: {  	[tilespmem:s28+$0xFFFFFF20] =	vst v0  }
0x1ee: {  	v0 =	vld [tilespmem:s17+$0x30];
	_ =	sdelay $0x2  }
0x1ef: {  	[tilespmem:s30+$0xFFFFFF20] =	vst v1  }
0x1f0: {  	v1 =	vld [tilespmem:s8+$0x30]  }
0x1f1: {  	s1 =	spop (v2sf);
	[tilespmem:s28+$0xFFFFFF30] =	vst v0  }
0x1f2: {  	s21 =	spop (v2sf);
	v0 =	vld [tilespmem:s22+$0x0]  }
0x1f3: {  	s12 =	spop (v2sf)  }
0x1f4: {  	s17 =	spop (v2sf)  }
0x1f5: {  	s10 =	spop (v2sf);
	[tilespmem:s30+$0xFFFFFF30] =	vst v1  }
0x1f6: {  	v1 =	vld [tilespmem:s10+$0x0]  }
0x1f7: {  	[tilespmem:s28+$0xFFFFFF40] =	vst v0  }
0x1f8: {  	v0 =	vld [tilespmem:s22+$0x10];
	_ =	sdelay $0x2  }
0x1f9: {  	(v2sf) =	vpush v4, $0x8;
	[tilespmem:s30+$0xFFFFFF40] =	vst v1  }
0x1fa: {  	(v2sf) =	vpush v3, $0xB;
	v1 =	vld [tilespmem:s10+$0x10]  }
0x1fb: {  	(v2sf) =	vpush v2, $0xE;
	[tilespmem:s28+$0xFFFFFF50] =	vst v0  }
0x1fc: {  	(v2sf) =	vpush v5, $0x6;
	v0 =	vld [tilespmem:s22+$0x20];
	_ =	sdelay $0x2  }
0x1fd: {  	[tilespmem:s30+$0xFFFFFF50] =	vst v1  }
0x1fe: {  	v1 =	vld [tilespmem:s10+$0x20]  }
0x1ff: {  	[tilespmem:s28+$0xFFFFFF60] =	vst v0  }
0x200: {  	v0 =	vld [tilespmem:s22+$0x30];
	_ =	sdelay $0x2  }
0x201: {  	[tilespmem:s30+$0xFFFFFF60] =	vst v1  }
0x202: {  	v1 =	vld [tilespmem:s10+$0x30]  }
0x203: {  	[tilespmem:s28+$0xFFFFFF70] =	vst v0  }
0x204: {  	s4 =	spop (v2sf);
	v0 =	vld [tilespmem:s5+$0x0]  }
0x205: {  	s8 =	spop (v2sf)  }
0x206: {  	s10 =	spop (v2sf)  }
0x207: {  	s22 =	spop (v2sf);
	[tilespmem:s30+$0xFFFFFF70] =	vst v1  }
0x208: {  	v1 =	vld [tilespmem:s22+$0x0]  }
0x209: {  	[tilespmem:s28+$0xFFFFFF80] =	vst v0  }
0x20a: {  	v0 =	vld [tilespmem:s5+$0x10]  }
0x20b: {  	v9 =	vld [tilespmem:s2+$0x10];
	_ =	sdelay $0x1  }
0x20c: {  	(v2sf) =	vpush v4, $0x9;
	[tilespmem:s30+$0xFFFFFF80] =	vst v1  }
0x20d: {  	(v2sf) =	vpush v3, $0xC;
	v1 =	vld [tilespmem:s22+$0x10]  }
0x20e: {  	[tilespmem:s28+$0xFFFFFF90] =	vst v0;
	(v2sf) =	vpush v2, $0xF  }
0x20f: {  	[tilespmem:s26+$0xFFFFFF90] =	vst v9;
	v0 =	vld [tilespmem:s5+$0x20];
	(v2sf) =	vpush v5, $0x7  }
0x210: {  	v2 =	vld [tilespmem:s2+$0x20];
	_ =	sdelay $0x1  }
0x211: {  	[tilespmem:s30+$0xFFFFFF90] =	vst v1  }
0x212: {  	v1 =	vld [tilespmem:s22+$0x20]  }
0x213: {  	[tilespmem:s28+$0xFFFFFFA0] =	vst v0  }
0x214: {  	v0 =	vld [tilespmem:s5+$0x30];
	[tilespmem:s26+$0xFFFFFFA0] =	vst v2  }
0x215: {  	v2 =	vld [tilespmem:s2+$0x30];
	_ =	sdelay $0x1  }
0x216: {  	[tilespmem:s30+$0xFFFFFFA0] =	vst v1  }
0x217: {  	v1 =	vld [tilespmem:s22+$0x30]  }
0x218: {  	[tilespmem:s28+$0xFFFFFFB0] =	vst v0  }
0x219: {  	v0 =	vld [tilespmem:s21+$0x0];
	[tilespmem:s26+$0xFFFFFFB0] =	vst v2;
	s22 =	spop (v2sf)  }
0x21a: {  	v2 =	vld [tilespmem:s3+$0x0];
	s5 =	spop (v2sf)  }
0x21b: {  	s6 =	spop (v2sf)  }
0x21c: {  	s2 =	spop (v2sf);
	[tilespmem:s30+$0xFFFFFFB0] =	vst v1  }
0x21d: {  	v1 =	vld [tilespmem:s2+$0x0]  }
0x21e: {  	[tilespmem:s28+$0xFFFFFFC0] =	vst v0  }
0x21f: {  	v0 =	vld [tilespmem:s21+$0x10];
	[tilespmem:s26+$0xFFFFFFC0] =	vst v2  }
0x220: {  	v2 =	vld [tilespmem:s3+$0x10];
	_ =	sdelay $0x1  }
0x221: {  	[tilespmem:s30+$0xFFFFFFC0] =	vst v1  }
0x222: {  	(v2sf) =	vpush v4, $0xA;
	v1 =	vld [tilespmem:s2+$0x10]  }
0x223: {  	[tilespmem:s28+$0xFFFFFFD0] =	vst v0;
	(v2sf) =	vpush v3, $0xD  }
0x224: {  	v0 =	vld [tilespmem:s21+$0x20];
	[tilespmem:s26+$0xFFFFFFD0] =	vst v2;
	(v2sf) =	vpush v5, $0x8  }
0x225: {  	v2 =	vld [tilespmem:s3+$0x20];
	_ =	sdelay $0x1  }
0x226: {  	[tilespmem:s30+$0xFFFFFFD0] =	vst v1  }
0x227: {  	v1 =	vld [tilespmem:s2+$0x20]  }
0x228: {  	[tilespmem:s28+$0xFFFFFFE0] =	vst v0  }
0x229: {  	v0 =	vld [tilespmem:s21+$0x30];
	[tilespmem:s26+$0xFFFFFFE0] =	vst v2  }
0x22a: {  	v2 =	vld [tilespmem:s3+$0x30];
	_ =	sdelay $0x1  }
0x22b: {  	[tilespmem:s30+$0xFFFFFFE0] =	vst v1  }
0x22c: {  	v1 =	vld [tilespmem:s2+$0x30]  }
0x22d: {  	[tilespmem:s28+$0xFFFFFFF0] =	vst v0  }
0x22e: {  	v0 =	vld [tilespmem:s4+$0x0];
	[tilespmem:s26+$0xFFFFFFF0] =	vst v2  }
0x22f: {  	v2 =	vld [tilespmem:s18+$0x0];
	s21 =	spop (v2sf)  }
0x230: {  	s2 =	spop (v2sf)  }
0x231: {  	s3 =	spop (v2sf);
	[tilespmem:s30+$0xFFFFFFF0] =	vst v1  }
0x232: {  	v1 =	vld [tilespmem:s3+$0x0]  }
0x233: {  	[tilespmem:s28+$0x0] =	vst v0  }
0x234: {  	v0 =	vld [tilespmem:s4+$0x10];
	[tilespmem:s26+$0x0] =	vst v2  }
0x235: {  	v2 =	vld [tilespmem:s18+$0x10];
	_ =	sdelay $0x1  }
0x236: {  	[tilespmem:s30+$0x0] =	vst v1  }
0x237: {  	(v2sf) =	vpush v4, $0xB;
	v1 =	vld [tilespmem:s3+$0x10]  }
0x238: {  	[tilespmem:s28+$0x10] =	vst v0;
	(v2sf) =	vpush v3, $0xE  }
0x239: {  	v0 =	vld [tilespmem:s4+$0x20];
	[tilespmem:s26+$0x10] =	vst v2;
	(v2sf) =	vpush v5, $0x9  }
0x23a: {  	v2 =	vld [tilespmem:s18+$0x20];
	_ =	sdelay $0x1  }
0x23b: {  	[tilespmem:s30+$0x10] =	vst v1  }
0x23c: {  	v1 =	vld [tilespmem:s3+$0x20]  }
0x23d: {  	[tilespmem:s28+$0x20] =	vst v0  }
0x23e: {  	v0 =	vld [tilespmem:s4+$0x30];
	[tilespmem:s26+$0x20] =	vst v2  }
0x23f: {  	v2 =	vld [tilespmem:s18+$0x30];
	_ =	sdelay $0x1  }
0x240: {  	[tilespmem:s30+$0x20] =	vst v1  }
0x241: {  	[tilespmem:s25+$0x30] =	vst v8;
	v1 =	vld [tilespmem:s3+$0x30]  }
0x242: {  	v8 =	vld [tilespmem:s14+$0x0];
	[tilespmem:s28+$0x30] =	vst v0  }
0x243: {  	v0 =	vld [tilespmem:s22+$0x0];
	[tilespmem:s26+$0x30] =	vst v2  }
0x244: {  	s4 =	spop (v2sf);
	v2 =	vld [tilespmem:s15+$0x0]  }
0x245: {  	s18 =	spop (v2sf)  }
0x246: {  	s3 =	spop (v2sf);
	[tilespmem:s30+$0x30] =	vst v1  }
0x247: {  	[tilespmem:s25+$0x40] =	vst v8;
	v1 =	vld [tilespmem:s3+$0x0]  }
0x248: {  	v8 =	vld [tilespmem:s14+$0x10];
	[tilespmem:s28+$0x40] =	vst v0  }
0x249: {  	v0 =	vld [tilespmem:s22+$0x10];
	[tilespmem:s26+$0x40] =	vst v2  }
0x24a: {  	v2 =	vld [tilespmem:s15+$0x10];
	_ =	sdelay $0x1  }
0x24b: {  	[tilespmem:s30+$0x40] =	vst v1  }
0x24c: {  	[tilespmem:s25+$0x50] =	vst v8;
	(v2sf) =	vpush v4, $0xC;
	v1 =	vld [tilespmem:s3+$0x10]  }
0x24d: {  	(v2sf) =	vpush v3, $0xF;
	v3 =	vld [tilespmem:s14+$0x20];
	[tilespmem:s28+$0x50] =	vst v0  }
0x24e: {  	v0 =	vld [tilespmem:s22+$0x20];
	[tilespmem:s26+$0x50] =	vst v2;
	(v2sf) =	vpush v5, $0xA  }
0x24f: {  	v2 =	vld [tilespmem:s15+$0x20];
	_ =	sdelay $0x1  }
0x250: {  	[tilespmem:s30+$0x50] =	vst v1  }
0x251: {  	[tilespmem:s25+$0x60] =	vst v3;
	v1 =	vld [tilespmem:s3+$0x20]  }
0x252: {  	v3 =	vld [tilespmem:s14+$0x30];
	[tilespmem:s28+$0x60] =	vst v0  }
0x253: {  	v0 =	vld [tilespmem:s22+$0x30];
	[tilespmem:s26+$0x60] =	vst v2  }
0x254: {  	v2 =	vld [tilespmem:s15+$0x30];
	_ =	sdelay $0x1  }
0x255: {  	[tilespmem:s30+$0x60] =	vst v1  }
0x256: {  	[tilespmem:s25+$0x70] =	vst v3;
	v1 =	vld [tilespmem:s3+$0x30]  }
0x257: {  	v3 =	vld [tilespmem:s16+$0x0];
	[tilespmem:s28+$0x70] =	vst v0  }
0x258: {  	v0 =	vld [tilespmem:s21+$0x0];
	[tilespmem:s26+$0x70] =	vst v2  }
0x259: {  	v2 =	vld [tilespmem:s12+$0x0];
	s3 =	spop (v2sf)  }
0x25a: {  	s14 =	spop (v2sf)  }
0x25b: {  	s22 =	spop (v2sf);
	[tilespmem:s30+$0x70] =	vst v1  }
0x25c: {  	[tilespmem:s25+$0x80] =	vst v3;
	v1 =	vld [tilespmem:s22+$0x0]  }
0x25d: {  	v3 =	vld [tilespmem:s16+$0x10];
	[tilespmem:s28+$0x80] =	vst v0  }
0x25e: {  	v0 =	vld [tilespmem:s21+$0x10];
	[tilespmem:s26+$0x80] =	vst v2  }
0x25f: {  	v2 =	vld [tilespmem:s12+$0x10];
	_ =	sdelay $0x1  }
0x260: {  	[tilespmem:s30+$0x80] =	vst v1  }
0x261: {  	[tilespmem:s25+$0x90] =	vst v3;
	v1 =	vld [tilespmem:s22+$0x10]  }
0x262: {  	v3 =	vld [tilespmem:s16+$0x20];
	[tilespmem:s28+$0x90] =	vst v0;
	(v2sf) =	vpush v4, $0xD  }
0x263: {  	v0 =	vld [tilespmem:s21+$0x20];
	[tilespmem:s26+$0x90] =	vst v2;
	(v2sf) =	vpush v5, $0xB  }
0x264: {  	v2 =	vld [tilespmem:s12+$0x20];
	_ =	sdelay $0x1  }
0x265: {  	[tilespmem:s30+$0x90] =	vst v1  }
0x266: {  	[tilespmem:s25+$0xA0] =	vst v3;
	v1 =	vld [tilespmem:s22+$0x20]  }
0x267: {  	v3 =	vld [tilespmem:s16+$0x30];
	[tilespmem:s28+$0xA0] =	vst v0  }
0x268: {  	v0 =	vld [tilespmem:s21+$0x30];
	[tilespmem:s26+$0xA0] =	vst v2  }
0x269: {  	v2 =	vld [tilespmem:s12+$0x30];
	_ =	sdelay $0x1  }
0x26a: {  	[tilespmem:s30+$0xA0] =	vst v1  }
0x26b: {  	[tilespmem:s25+$0xB0] =	vst v3;
	v1 =	vld [tilespmem:s22+$0x30]  }
0x26c: {  	v3 =	vld [tilespmem:s13+$0x0];
	[tilespmem:s28+$0xB0] =	vst v0  }
0x26d: {  	v0 =	vld [tilespmem:s4+$0x0];
	[tilespmem:s26+$0xB0] =	vst v2  }
0x26e: {  	v2 =	vld [tilespmem:s8+$0x0]  }
0x26f: {  	s12 =	spop (v2sf)  }
0x270: {  	s22 =	spop (v2sf);
	[tilespmem:s30+$0xB0] =	vst v1  }
0x271: {  	[tilespmem:s25+$0xC0] =	vst v3;
	v1 =	vld [tilespmem:s22+$0x0]  }
0x272: {  	v3 =	vld [tilespmem:s13+$0x10];
	[tilespmem:s28+$0xC0] =	vst v0  }
0x273: {  	v0 =	vld [tilespmem:s4+$0x10];
	[tilespmem:s26+$0xC0] =	vst v2  }
0x274: {  	v2 =	vld [tilespmem:s8+$0x10];
	_ =	sdelay $0x1  }
0x275: {  	[tilespmem:s30+$0xC0] =	vst v1  }
0x276: {  	[tilespmem:s25+$0xD0] =	vst v3;
	v1 =	vld [tilespmem:s22+$0x10]  }
0x277: {  	(v2sf) =	vpush v4, $0xE;
	v3 =	vld [tilespmem:s13+$0x20];
	[tilespmem:s28+$0xD0] =	vst v0  }
0x278: {  	(v2sf) =	vpush v5, $0xC;
	v0 =	vld [tilespmem:s4+$0x20];
	[tilespmem:s26+$0xD0] =	vst v2  }
0x279: {  	v2 =	vld [tilespmem:s8+$0x20]  }
0x27a: {  	[tilespmem:s24+$0xE0] =	vst v7  }
0x27b: {  	v7 =	vld [tilespmem:s7+$0x30];
	[tilespmem:s30+$0xD0] =	vst v1  }
0x27c: {  	[tilespmem:s25+$0xE0] =	vst v3;
	v1 =	vld [tilespmem:s22+$0x20]  }
0x27d: {  	v3 =	vld [tilespmem:s13+$0x30];
	[tilespmem:s28+$0xE0] =	vst v0  }
0x27e: {  	v0 =	vld [tilespmem:s4+$0x30];
	[tilespmem:s26+$0xE0] =	vst v2  }
0x27f: {  	v2 =	vld [tilespmem:s8+$0x30]  }
0x280: {  	[tilespmem:s24+$0xF0] =	vst v7  }
0x281: {  	v7 =	vld [tilespmem:s9+$0x0];
	[tilespmem:s30+$0xE0] =	vst v1  }
0x282: {  	[tilespmem:s25+$0xF0] =	vst v3;
	v1 =	vld [tilespmem:s22+$0x30]  }
0x283: {  	v3 =	vld [tilespmem:s19+$0x0];
	[tilespmem:s28+$0xF0] =	vst v0  }
0x284: {  	v0 =	vld [tilespmem:s3+$0x0];
	[tilespmem:s26+$0xF0] =	vst v2  }
0x285: {  	v2 =	vld [tilespmem:s5+$0x0]  }
0x286: {  	[tilespmem:s24+$0x100] =	vst v7;
	s15 =	spop (v2sf)  }
0x287: {  	v7 =	vld [tilespmem:s9+$0x10];
	s16 =	spop (v2sf);
	[tilespmem:s30+$0xF0] =	vst v1  }
0x288: {  	[tilespmem:s25+$0x100] =	vst v3;
	v1 =	vld [tilespmem:s16+$0x0]  }
0x289: {  	v3 =	vld [tilespmem:s19+$0x10];
	[tilespmem:s28+$0x100] =	vst v0  }
0x28a: {  	v0 =	vld [tilespmem:s3+$0x10];
	[tilespmem:s26+$0x100] =	vst v2  }
0x28b: {  	v2 =	vld [tilespmem:s5+$0x10]  }
0x28c: {  	[tilespmem:s24+$0x110] =	vst v7  }
0x28d: {  	(v2sf) =	vpush v4, $0xF;
	v4 =	vld [tilespmem:s9+$0x20];
	[tilespmem:s30+$0x100] =	vst v1  }
0x28e: {  	[tilespmem:s25+$0x110] =	vst v3;
	v1 =	vld [tilespmem:s16+$0x10]  }
0x28f: {  	v3 =	vld [tilespmem:s19+$0x20];
	[tilespmem:s28+$0x110] =	vst v0  }
0x290: {  	(v2sf) =	vpush v5, $0xD;
	v0 =	vld [tilespmem:s3+$0x20];
	[tilespmem:s26+$0x110] =	vst v2  }
0x291: {  	v2 =	vld [tilespmem:s5+$0x20]  }
0x292: {  	[tilespmem:s24+$0x120] =	vst v4  }
0x293: {  	v4 =	vld [tilespmem:s9+$0x30];
	[tilespmem:s30+$0x110] =	vst v1  }
0x294: {  	[tilespmem:s25+$0x120] =	vst v3;
	v1 =	vld [tilespmem:s16+$0x20]  }
0x295: {  	v3 =	vld [tilespmem:s19+$0x30];
	[tilespmem:s28+$0x120] =	vst v0  }
0x296: {  	v0 =	vld [tilespmem:s3+$0x30];
	[tilespmem:s26+$0x120] =	vst v2  }
0x297: {  	v2 =	vld [tilespmem:s5+$0x30]  }
0x298: {  	[tilespmem:s24+$0x130] =	vst v4  }
0x299: {  	v4 =	vld [tilespmem:s11+$0x0];
	[tilespmem:s30+$0x120] =	vst v1  }
0x29a: {  	[tilespmem:s25+$0x130] =	vst v3;
	v1 =	vld [tilespmem:s16+$0x30]  }
0x29b: {  	v3 =	vld [tilespmem:s17+$0x0];
	[tilespmem:s28+$0x130] =	vst v0  }
0x29c: {  	v0 =	vld [tilespmem:s12+$0x0];
	[tilespmem:s26+$0x130] =	vst v2  }
0x29d: {  	v2 =	vld [tilespmem:s2+$0x0]  }
0x29e: {  	[tilespmem:s24+$0x140] =	vst v4;
	s19 =	spop (v2sf)  }
0x29f: {  	v4 =	vld [tilespmem:s11+$0x10];
	s21 =	spop (v2sf);
	[tilespmem:s30+$0x130] =	vst v1  }
0x2a0: {  	[tilespmem:s25+$0x140] =	vst v3;
	v1 =	vld [tilespmem:s21+$0x0]  }
0x2a1: {  	v3 =	vld [tilespmem:s17+$0x10];
	[tilespmem:s28+$0x140] =	vst v0  }
0x2a2: {  	v0 =	vld [tilespmem:s12+$0x10];
	[tilespmem:s26+$0x140] =	vst v2  }
0x2a3: {  	v2 =	vld [tilespmem:s2+$0x10]  }
0x2a4: {  	[tilespmem:s24+$0x150] =	vst v4  }
0x2a5: {  	v4 =	vld [tilespmem:s11+$0x20];
	[tilespmem:s30+$0x140] =	vst v1  }
0x2a6: {  	[tilespmem:s25+$0x150] =	vst v3;
	v1 =	vld [tilespmem:s21+$0x10]  }
0x2a7: {  	v3 =	vld [tilespmem:s17+$0x20];
	[tilespmem:s28+$0x150] =	vst v0  }
0x2a8: {  	(v2sf) =	vpush v5, $0xE;
	v0 =	vld [tilespmem:s12+$0x20];
	[tilespmem:s26+$0x150] =	vst v2  }
0x2a9: {  	v2 =	vld [tilespmem:s2+$0x20]  }
0x2aa: {  	[tilespmem:s24+$0x160] =	vst v4  }
0x2ab: {  	v4 =	vld [tilespmem:s11+$0x30];
	[tilespmem:s30+$0x150] =	vst v1  }
0x2ac: {  	[tilespmem:s25+$0x160] =	vst v3;
	v1 =	vld [tilespmem:s21+$0x20]  }
0x2ad: {  	v3 =	vld [tilespmem:s17+$0x30];
	[tilespmem:s28+$0x160] =	vst v0  }
0x2ae: {  	v0 =	vld [tilespmem:s12+$0x30];
	[tilespmem:s26+$0x160] =	vst v2  }
0x2af: {  	v2 =	vld [tilespmem:s2+$0x30]  }
0x2b0: {  	[tilespmem:s24+$0x170] =	vst v4  }
0x2b1: {  	v4 =	vld [tilespmem:s0+$0x0];
	[tilespmem:s30+$0x160] =	vst v1  }
0x2b2: {  	[tilespmem:s25+$0x170] =	vst v3;
	v1 =	vld [tilespmem:s21+$0x30]  }
0x2b3: {  	v3 =	vld [tilespmem:s10+$0x0];
	[tilespmem:s28+$0x170] =	vst v0  }
0x2b4: {  	v0 =	vld [tilespmem:s15+$0x0];
	[tilespmem:s26+$0x170] =	vst v2  }
0x2b5: {  	v2 =	vld [tilespmem:s18+$0x0]  }
0x2b6: {  	[tilespmem:s24+$0x180] =	vst v4  }
0x2b7: {  	s22 =	spop (v2sf);
	v4 =	vld [tilespmem:s0+$0x10];
	[tilespmem:s30+$0x170] =	vst v1  }
0x2b8: {  	[tilespmem:s25+$0x180] =	vst v3;
	v1 =	vld [tilespmem:s22+$0x0]  }
0x2b9: {  	v3 =	vld [tilespmem:s10+$0x10];
	[tilespmem:s28+$0x180] =	vst v0  }
0x2ba: {  	v0 =	vld [tilespmem:s15+$0x10];
	[tilespmem:s26+$0x180] =	vst v2  }
0x2bb: {  	[tilespmem:s23+$0x190] =	vst v6;
	v2 =	vld [tilespmem:s18+$0x10]  }
0x2bc: {  	v6 =	vld [tilespmem:s31+$0x20];
	[tilespmem:s24+$0x190] =	vst v4  }
0x2bd: {  	v4 =	vld [tilespmem:s0+$0x20];
	[tilespmem:s30+$0x180] =	vst v1  }
0x2be: {  	[tilespmem:s25+$0x190] =	vst v3;
	v1 =	vld [tilespmem:s22+$0x10]  }
0x2bf: {  	v3 =	vld [tilespmem:s10+$0x20];
	[tilespmem:s28+$0x190] =	vst v0  }
0x2c0: {  	(v2sf) =	vpush v5, $0xF;
	v0 =	vld [tilespmem:s15+$0x20];
	[tilespmem:s26+$0x190] =	vst v2  }
0x2c1: {  	[tilespmem:s23+$0x1A0] =	vst v6;
	v2 =	vld [tilespmem:s18+$0x20]  }
0x2c2: {  	v5 =	vld [tilespmem:s31+$0x30];
	[tilespmem:s24+$0x1A0] =	vst v4  }
0x2c3: {  	v4 =	vld [tilespmem:s0+$0x30];
	[tilespmem:s30+$0x190] =	vst v1  }
0x2c4: {  	[tilespmem:s25+$0x1A0] =	vst v3;
	v1 =	vld [tilespmem:s22+$0x20]  }
0x2c5: {  	v3 =	vld [tilespmem:s10+$0x30];
	[tilespmem:s28+$0x1A0] =	vst v0  }
0x2c6: {  	v0 =	vld [tilespmem:s15+$0x30];
	[tilespmem:s26+$0x1A0] =	vst v2  }
0x2c7: {  	[tilespmem:s23+$0x1B0] =	vst v5;
	v2 =	vld [tilespmem:s18+$0x30]  }
0x2c8: {  	v5 =	vld [tilespmem:s29+$0x0];
	[tilespmem:s24+$0x1B0] =	vst v4  }
0x2c9: {  	v4 =	vld [tilespmem:s1+$0x0];
	[tilespmem:s30+$0x1A0] =	vst v1  }
0x2ca: {  	[tilespmem:s25+$0x1B0] =	vst v3;
	v1 =	vld [tilespmem:s22+$0x30]  }
0x2cb: {  	v3 =	vld [tilespmem:s6+$0x0];
	[tilespmem:s28+$0x1B0] =	vst v0  }
0x2cc: {  	v0 =	vld [tilespmem:s19+$0x0];
	[tilespmem:s26+$0x1B0] =	vst v2  }
0x2cd: {  	[tilespmem:s23+$0x1C0] =	vst v5;
	v2 =	vld [tilespmem:s14+$0x0]  }
0x2ce: {  	v5 =	vld [tilespmem:s29+$0x10];
	[tilespmem:s24+$0x1C0] =	vst v4  }
0x2cf: {  	s31 =	spop (v2sf);
	v4 =	vld [tilespmem:s1+$0x10];
	[tilespmem:s30+$0x1B0] =	vst v1  }
0x2d0: {  	[tilespmem:s25+$0x1C0] =	vst v3;
	v1 =	vld [tilespmem:s31+$0x0]  }
0x2d1: {  	v3 =	vld [tilespmem:s6+$0x10];
	[tilespmem:s28+$0x1C0] =	vst v0  }
0x2d2: {  	v0 =	vld [tilespmem:s19+$0x10];
	[tilespmem:s26+$0x1C0] =	vst v2  }
0x2d3: {  	[tilespmem:s23+$0x1D0] =	vst v5;
	v2 =	vld [tilespmem:s14+$0x10]  }
0x2d4: {  	v5 =	vld [tilespmem:s29+$0x20];
	[tilespmem:s24+$0x1D0] =	vst v4  }
0x2d5: {  	v4 =	vld [tilespmem:s1+$0x20];
	[tilespmem:s30+$0x1C0] =	vst v1  }
0x2d6: {  	[tilespmem:s25+$0x1D0] =	vst v3;
	v1 =	vld [tilespmem:s31+$0x10]  }
0x2d7: {  	v3 =	vld [tilespmem:s6+$0x20];
	[tilespmem:s28+$0x1D0] =	vst v0  }
0x2d8: {  	v0 =	vld [tilespmem:s19+$0x20];
	[tilespmem:s26+$0x1D0] =	vst v2  }
0x2d9: {  	[tilespmem:s23+$0x1E0] =	vst v5;
	v2 =	vld [tilespmem:s14+$0x20]  }
0x2da: {  	v5 =	vld [tilespmem:s29+$0x30];
	[tilespmem:s24+$0x1E0] =	vst v4  }
0x2db: {  	v4 =	vld [tilespmem:s1+$0x30];
	[tilespmem:s30+$0x1D0] =	vst v1  }
0x2dc: {  	[tilespmem:s25+$0x1E0] =	vst v3;
	v1 =	vld [tilespmem:s31+$0x20]  }
0x2dd: {  	v3 =	vld [tilespmem:s6+$0x30];
	[tilespmem:s28+$0x1E0] =	vst v0  }
0x2de: {  	v0 =	vld [tilespmem:s19+$0x30];
	[tilespmem:s26+$0x1E0] =	vst v2  }
0x2df: {  	[tilespmem:s23+$0x1F0] =	vst v5;
	v2 =	vld [tilespmem:s14+$0x30]  }
0x2e0: {  	[tilespmem:s24+$0x1F0] =	vst v4  }
0x2e1: {  	[tilespmem:s30+$0x1E0] =	vst v1  }
0x2e2: {  	[tilespmem:s25+$0x1F0] =	vst v3;
	v1 =	vld [tilespmem:s31+$0x30]  }
0x2e3: {  	[tilespmem:s28+$0x1F0] =	vst v0  }
0x2e4: {  	[tilespmem:s26+$0x1F0] =	vst v2  }
0x2e5: {  	s2 =	rddreg [dreg:$0xc]  }
0x2e6: {  	s3 =	rddreg [dreg:$0x1];
	s0 =	sshll.u32 s2, $0x3  }
0x2e7: {  	s4 =	simm.s32 $0x0;
	s5 =	simm.s32 $0x1D00;
	s0 =	sadd.s32 s3, s0;
	[tilespmem:s30+$0x1F0] =	vst v1  }
0x2e8: {  	[hbm4b:s0+s4] =	stream.linear.scatter [tilespmem:s5], [sflag:$0x3], $0x8000, $0x38;
	[tilespmem:$0x11D00] =	vst v63  }
0x2e9: {  	s6 =	rddreg [dreg:$0x3]  }
0x2ea: {  	s8 =	simm.s32 $0x2;
	s7 =	rddreg [dreg:$0xb]  }
0x2eb: {  	s0 =	sadd.s32 s7, s6;
	_ =	swait.ge [sflag:s8], $0x200  }
0x2ec: {  	p0 =	seq.s32 s20, $0x18;
	s0 =	sadd.s32 $0x200, s0;
	s1 =	rddreg [dreg:$0x4]  }
0x2ed: {  	p1 =	seq.s32 @!p0 s20, $0x0;
	[dreg:$0xa] =	wrdreg s0;
	s0 =	sshrl.u32 @!p0 s0, $0x3  }
0x2ee: {  	s2 =	simm.s32 @!p0 $0x1900;
	[sflag:s8] =	ssyncset.done $0x0;
	s0 =	sadd.s32 @!p0 s1, s0  }
0x2ef: {  	[sflag:s8] =	ssyncadd.s32 $0xFFFFFE00;
	s1 =	simm.s32 @!p0 $0x0;
	s0 =	sadd.s32 @!p0 $0x40, s0  }
0x2f0: {  	[tilespmem:s2], [sflag:$0x1] =	stream.linear.gather @!p0 [hbm4b:s0+s1], $0x200, $0x38;
	[tilespmem:$0x11D00] =	vst v63  }
0x2f1: {  	p0 =	por p0, !p1  }
0x2f2: {  	s0 =	simm.s32 @p0 $0x4  }
0x2f3: {  	_ =	swait.ge @p0 [sflag:s0], $0x8000  }
0x2f4: {  	s9 =	simm.s32 $0x0;
	[sflag:s0] =	ssyncset.done @p0 $0x0  }
0x2f5: {  	[sflag:s0] =	ssyncadd.s32 @p0 $0xFFFF8000;
	s0 =	sand.u32 $0x1F0, s9  }
0x2f6: {  	v0 =	vld [tilespmem:s0+$0x1B00];
	_ =	sdelay $0x4  }
0x2f7: {  	v0 =	vshll.u32 v0, $0x8  }
0x2f8: {  	v5 =	vshra.s32 v0, $0x2  }
0x2f9: {  	(v2sf) =	vpush v5, $0x0;
	_ =	sdelay $0xe  }
0x2fa: {  	s10 =	spop (v2sf)  }
0x2fb: {  	v0 =	vld [tilespmem:s10+$0x0];
	_ =	sdelay $0x3  }
0x2fc: {  	s28 =	simm.s32 $0x0  }
0x2fd: {  	[tilespmem:s28+$0x9D00] =	vst v0  }
0x2fe: {  	v0 =	vld [tilespmem:s10+$0x10];
	_ =	sdelay $0x1  }
0x2ff: {  	(v2sf) =	vpush v5, $0x1;
	_ =	sdelay $0x2  }
0x300: {  	[tilespmem:s28+$0x9D10] =	vst v0  }
0x301: {  	v0 =	vld [tilespmem:s10+$0x20];
	_ =	sdelay $0x4  }
0x302: {  	[tilespmem:s28+$0x9D20] =	vst v0  }
0x303: {  	v0 =	vld [tilespmem:s10+$0x30];
	_ =	sdelay $0x4  }
0x304: {  	s11 =	spop (v2sf);
	[tilespmem:s28+$0x9D30] =	vst v0  }
0x305: {  	v0 =	vld [tilespmem:s11+$0x0];
	_ =	sdelay $0x4  }
0x306: {  	[tilespmem:s28+$0x9D40] =	vst v0  }
0x307: {  	v0 =	vld [tilespmem:s11+$0x10];
	_ =	sdelay $0x1  }
0x308: {  	(v2sf) =	vpush v5, $0x2;
	_ =	sdelay $0x2  }
0x309: {  	[tilespmem:s28+$0x9D50] =	vst v0  }
0x30a: {  	v0 =	vld [tilespmem:s11+$0x20];
	_ =	sdelay $0x2  }
0x30b: {  	s12 =	simm.s32 $0x10  }
0x30c: {  	s1 =	sand.u32 $0x1F0, s12  }
0x30d: {  	v1 =	vld [tilespmem:s1+$0x1B00];
	[tilespmem:s28+$0x9D60] =	vst v0  }
0x30e: {  	v0 =	vld [tilespmem:s11+$0x30];
	_ =	sdelay $0x4  }
0x30f: {  	v1 =	vshll.u32 v1, $0x8;
	s13 =	spop (v2sf);
	[tilespmem:s28+$0x9D70] =	vst v0  }
0x310: {  	v1 =	vshra.s32 v1, $0x2;
	v0 =	vld [tilespmem:s13+$0x0]  }
0x311: {  	(v2sf) =	vpush v1, $0x0;
	_ =	sdelay $0x3  }
0x312: {  	[tilespmem:s28+$0x9D80] =	vst v0  }
0x313: {  	v0 =	vld [tilespmem:s13+$0x10];
	_ =	sdelay $0x1  }
0x314: {  	(v2sf) =	vpush v5, $0x3;
	_ =	sdelay $0x2  }
0x315: {  	[tilespmem:s28+$0x9D90] =	vst v0  }
0x316: {  	v0 =	vld [tilespmem:s13+$0x20];
	_ =	sdelay $0x3  }
0x317: {  	s14 =	spop (v2sf)  }
0x318: {  	v2 =	vld [tilespmem:s14+$0x0];
	[tilespmem:s28+$0x9DA0] =	vst v0  }
0x319: {  	v0 =	vld [tilespmem:s13+$0x30];
	_ =	sdelay $0x2  }
0x31a: {  	s22 =	simm.s32 $0x400  }
0x31b: {  	[tilespmem:s22+$0x9D00] =	vst v2  }
0x31c: {  	v2 =	vld [tilespmem:s14+$0x10];
	s15 =	spop (v2sf);
	[tilespmem:s28+$0x9DB0] =	vst v0  }
0x31d: {  	v0 =	vld [tilespmem:s15+$0x0]  }
0x31e: {  	(v2sf) =	vpush v1, $0x1;
	_ =	sdelay $0x2  }
0x31f: {  	[tilespmem:s22+$0x9D10] =	vst v2  }
0x320: {  	v2 =	vld [tilespmem:s14+$0x20];
	[tilespmem:s28+$0x9DC0] =	vst v0  }
0x321: {  	v0 =	vld [tilespmem:s15+$0x10];
	_ =	sdelay $0x1  }
0x322: {  	(v2sf) =	vpush v5, $0x4;
	_ =	sdelay $0x1  }
0x323: {  	[tilespmem:s22+$0x9D20] =	vst v2  }
0x324: {  	v2 =	vld [tilespmem:s14+$0x30];
	[tilespmem:s28+$0x9DD0] =	vst v0  }
0x325: {  	v0 =	vld [tilespmem:s15+$0x20];
	_ =	sdelay $0x3  }
0x326: {  	s16 =	spop (v2sf);
	[tilespmem:s22+$0x9D30] =	vst v2  }
0x327: {  	v2 =	vld [tilespmem:s16+$0x0];
	[tilespmem:s28+$0x9DE0] =	vst v0  }
0x328: {  	v0 =	vld [tilespmem:s15+$0x30];
	_ =	sdelay $0x3  }
0x329: {  	[tilespmem:s22+$0x9D40] =	vst v2  }
0x32a: {  	s17 =	spop (v2sf);
	v2 =	vld [tilespmem:s16+$0x10];
	[tilespmem:s28+$0x9DF0] =	vst v0  }
0x32b: {  	v0 =	vld [tilespmem:s17+$0x0]  }
0x32c: {  	(v2sf) =	vpush v1, $0x2;
	_ =	sdelay $0x2  }
0x32d: {  	[tilespmem:s22+$0x9D50] =	vst v2  }
0x32e: {  	v2 =	vld [tilespmem:s16+$0x20];
	[tilespmem:s28+$0x9E00] =	vst v0  }
0x32f: {  	v0 =	vld [tilespmem:s17+$0x10];
	_ =	sdelay $0x1  }
0x330: {  	s18 =	simm.s32 $0x20;
	(v2sf) =	vpush v5, $0x5  }
0x331: {  	s2 =	sand.u32 $0x1F0, s18  }
0x332: {  	v3 =	vld [tilespmem:s2+$0x1B00];
	[tilespmem:s22+$0x9D60] =	vst v2  }
0x333: {  	v2 =	vld [tilespmem:s16+$0x30];
	[tilespmem:s28+$0x9E10] =	vst v0  }
0x334: {  	v4 =	vld [tilespmem:s17+$0x20];
	_ =	sdelay $0x3  }
0x335: {  	s19 =	spop (v2sf);
	[tilespmem:s22+$0x9D70] =	vst v2;
	v0 =	vshll.u32 v3, $0x8  }
0x336: {  	v2 =	vld [tilespmem:s19+$0x0];
	v0 =	vshra.s32 v0, $0x2;
	[tilespmem:s28+$0x9E20] =	vst v4  }
0x337: {  	(v2sf) =	vpush v0, $0x0;
	v3 =	vld [tilespmem:s17+$0x30];
	_ =	sdelay $0x3  }
0x338: {  	[tilespmem:s22+$0x9D80] =	vst v2  }
0x339: {  	s21 =	spop (v2sf);
	v2 =	vld [tilespmem:s19+$0x10];
	[tilespmem:s28+$0x9E30] =	vst v3  }
0x33a: {  	v3 =	vld [tilespmem:s21+$0x0]  }
0x33b: {  	(v2sf) =	vpush v1, $0x3;
	_ =	sdelay $0x2  }
0x33c: {  	[tilespmem:s22+$0x9D90] =	vst v2  }
0x33d: {  	v2 =	vld [tilespmem:s19+$0x20];
	[tilespmem:s28+$0x9E40] =	vst v3  }
0x33e: {  	v3 =	vld [tilespmem:s21+$0x10];
	_ =	sdelay $0x1  }
0x33f: {  	(v2sf) =	vpush v5, $0x6  }
0x340: {  	s24 =	spop (v2sf)  }
0x341: {  	[tilespmem:s22+$0x9DA0] =	vst v2;
	v4 =	vld [tilespmem:s24+$0x0]  }
0x342: {  	v2 =	vld [tilespmem:s19+$0x30];
	[tilespmem:s28+$0x9E50] =	vst v3  }
0x343: {  	v3 =	vld [tilespmem:s21+$0x20];
	_ =	sdelay $0x1  }
0x344: {  	s23 =	simm.s32 $0x800  }
0x345: {  	[tilespmem:s23+$0x9D00] =	vst v4  }
0x346: {  	s25 =	spop (v2sf);
	[tilespmem:s22+$0x9DB0] =	vst v2;
	v4 =	vld [tilespmem:s24+$0x10]  }
0x347: {  	v2 =	vld [tilespmem:s25+$0x0];
	[tilespmem:s28+$0x9E60] =	vst v3  }
0x348: {  	(v2sf) =	vpush v0, $0x1;
	v3 =	vld [tilespmem:s21+$0x30];
	_ =	sdelay $0x2  }
0x349: {  	[tilespmem:s23+$0x9D10] =	vst v4  }
0x34a: {  	[tilespmem:s22+$0x9DC0] =	vst v2;
	v4 =	vld [tilespmem:s24+$0x20]  }
0x34b: {  	s26 =	spop (v2sf);
	v2 =	vld [tilespmem:s25+$0x10];
	[tilespmem:s28+$0x9E70] =	vst v3  }
0x34c: {  	v3 =	vld [tilespmem:s26+$0x0]  }
0x34d: {  	(v2sf) =	vpush v1, $0x4;
	_ =	sdelay $0x1  }
0x34e: {  	[tilespmem:s23+$0x9D20] =	vst v4  }
0x34f: {  	[tilespmem:s22+$0x9DD0] =	vst v2;
	v4 =	vld [tilespmem:s24+$0x30]  }
0x350: {  	v2 =	vld [tilespmem:s25+$0x20];
	[tilespmem:s28+$0x9E80] =	vst v3  }
0x351: {  	v3 =	vld [tilespmem:s26+$0x10];
	_ =	sdelay $0x1  }
0x352: {  	(v2sf) =	vpush v5, $0x7  }
0x353: {  	s29 =	spop (v2sf);
	[tilespmem:s23+$0x9D30] =	vst v4  }
0x354: {  	[tilespmem:s22+$0x9DE0] =	vst v2;
	v4 =	vld [tilespmem:s29+$0x0]  }
0x355: {  	v2 =	vld [tilespmem:s25+$0x30];
	[tilespmem:s28+$0x9E90] =	vst v3  }
0x356: {  	v3 =	vld [tilespmem:s26+$0x20];
	_ =	sdelay $0x2  }
0x357: {  	[tilespmem:s23+$0x9D40] =	vst v4  }
0x358: {  	s30 =	spop (v2sf);
	[tilespmem:s22+$0x9DF0] =	vst v2;
	v4 =	vld [tilespmem:s29+$0x10]  }
0x359: {  	v2 =	vld [tilespmem:s30+$0x0];
	[tilespmem:s28+$0x9EA0] =	vst v3  }
0x35a: {  	(v2sf) =	vpush v0, $0x2;
	v3 =	vld [tilespmem:s26+$0x30];
	_ =	sdelay $0x2  }
0x35b: {  	[tilespmem:s23+$0x9D50] =	vst v4  }
0x35c: {  	[tilespmem:s22+$0x9E00] =	vst v2;
	v4 =	vld [tilespmem:s29+$0x20]  }
0x35d: {  	s31 =	spop (v2sf);
	v2 =	vld [tilespmem:s30+$0x10];
	[tilespmem:s28+$0x9EB0] =	vst v3  }
0x35e: {  	v3 =	vld [tilespmem:s31+$0x0]  }
0x35f: {  	s4 =	simm.s32 $0x30;
	(v2sf) =	vpush v1, $0x5  }
0x360: {  	s3 =	sand.u32 $0x1F0, s4  }
0x361: {  	v6 =	vld [tilespmem:s3+$0x1B00];
	[tilespmem:s23+$0x9D60] =	vst v4  }
0x362: {  	[tilespmem:s22+$0x9E10] =	vst v2;
	v4 =	vld [tilespmem:s29+$0x30]  }
0x363: {  	v7 =	vld [tilespmem:s30+$0x20];
	[tilespmem:s28+$0x9EC0] =	vst v3  }
0x364: {  	v3 =	vld [tilespmem:s31+$0x10];
	_ =	sdelay $0x1  }
0x365: {  	(v2sf) =	vpush v5, $0x8  }
0x366: {  	s5 =	spop (v2sf);
	v2 =	vshll.u32 v6, $0x8;
	[tilespmem:s23+$0x9D70] =	vst v4  }
0x367: {  	v2 =	vshra.s32 v2, $0x2;
	[tilespmem:s22+$0x9E20] =	vst v7;
	v4 =	vld [tilespmem:s5+$0x0]  }
0x368: {  	(v2sf) =	vpush v2, $0x0;
	v6 =	vld [tilespmem:s30+$0x30];
	[tilespmem:s28+$0x9ED0] =	vst v3  }
0x369: {  	v3 =	vld [tilespmem:s31+$0x20];
	_ =	sdelay $0x2  }
0x36a: {  	[tilespmem:s23+$0x9D80] =	vst v4  }
0x36b: {  	s6 =	spop (v2sf);
	[tilespmem:s22+$0x9E30] =	vst v6;
	v4 =	vld [tilespmem:s5+$0x10]  }
0x36c: {  	v6 =	vld [tilespmem:s6+$0x0];
	[tilespmem:s28+$0x9EE0] =	vst v3  }
0x36d: {  	(v2sf) =	vpush v0, $0x3;
	v3 =	vld [tilespmem:s31+$0x30];
	_ =	sdelay $0x2  }
0x36e: {  	[tilespmem:s23+$0x9D90] =	vst v4  }
0x36f: {  	[tilespmem:s22+$0x9E40] =	vst v6;
	v4 =	vld [tilespmem:s5+$0x20]  }
0x370: {  	s7 =	spop (v2sf);
	v6 =	vld [tilespmem:s6+$0x10];
	[tilespmem:s28+$0x9EF0] =	vst v3  }
0x371: {  	v3 =	vld [tilespmem:s7+$0x0]  }
0x372: {  	(v2sf) =	vpush v1, $0x6  }
0x373: {  	s8 =	spop (v2sf)  }
0x374: {  	v7 =	vld [tilespmem:s8+$0x0];
	[tilespmem:s23+$0x9DA0] =	vst v4  }
0x375: {  	[tilespmem:s22+$0x9E50] =	vst v6;
	v4 =	vld [tilespmem:s5+$0x30]  }
0x376: {  	v6 =	vld [tilespmem:s6+$0x20];
	[tilespmem:s28+$0x9F00] =	vst v3  }
0x377: {  	v3 =	vld [tilespmem:s7+$0x10]  }
0x378: {  	s24 =	simm.s32 $0xC00  }
0x379: {  	(v2sf) =	vpush v5, $0x9;
	[tilespmem:s24+$0x9D00] =	vst v7  }
0x37a: {  	s9 =	spop (v2sf);
	v7 =	vld [tilespmem:s8+$0x10];
	[tilespmem:s23+$0x9DB0] =	vst v4  }
0x37b: {  	[tilespmem:s22+$0x9E60] =	vst v6;
	v4 =	vld [tilespmem:s9+$0x0]  }
0x37c: {  	(v2sf) =	vpush v2, $0x1;
	v6 =	vld [tilespmem:s6+$0x30];
	[tilespmem:s28+$0x9F10] =	vst v3  }
0x37d: {  	v3 =	vld [tilespmem:s7+$0x20];
	_ =	sdelay $0x1  }
0x37e: {  	[tilespmem:s24+$0x9D10] =	vst v7  }
0x37f: {  	v7 =	vld [tilespmem:s8+$0x20];
	[tilespmem:s23+$0x9DC0] =	vst v4  }
0x380: {  	s10 =	spop (v2sf);
	[tilespmem:s22+$0x9E70] =	vst v6;
	v4 =	vld [tilespmem:s9+$0x10]  }
0x381: {  	v6 =	vld [tilespmem:s10+$0x0];
	[tilespmem:s28+$0x9F20] =	vst v3  }
0x382: {  	(v2sf) =	vpush v0, $0x4;
	v3 =	vld [tilespmem:s7+$0x30];
	_ =	sdelay $0x1  }
0x383: {  	[tilespmem:s24+$0x9D20] =	vst v7  }
0x384: {  	v7 =	vld [tilespmem:s8+$0x30];
	[tilespmem:s23+$0x9DD0] =	vst v4  }
0x385: {  	[tilespmem:s22+$0x9E80] =	vst v6;
	v4 =	vld [tilespmem:s9+$0x20]  }
0x386: {  	s11 =	spop (v2sf);
	v6 =	vld [tilespmem:s10+$0x10];
	[tilespmem:s28+$0x9F30] =	vst v3  }
0x387: {  	v3 =	vld [tilespmem:s11+$0x0]  }
0x388: {  	(v2sf) =	vpush v1, $0x7  }
0x389: {  	s12 =	spop (v2sf);
	[tilespmem:s24+$0x9D30] =	vst v7  }
0x38a: {  	v7 =	vld [tilespmem:s12+$0x0];
	[tilespmem:s23+$0x9DE0] =	vst v4  }
0x38b: {  	[tilespmem:s22+$0x9E90] =	vst v6;
	v4 =	vld [tilespmem:s9+$0x30]  }
0x38c: {  	v6 =	vld [tilespmem:s10+$0x20];
	[tilespmem:s28+$0x9F40] =	vst v3  }
0x38d: {  	v3 =	vld [tilespmem:s11+$0x10];
	_ =	sdelay $0x1  }
0x38e: {  	(v2sf) =	vpush v5, $0xA;
	[tilespmem:s24+$0x9D40] =	vst v7  }
0x38f: {  	s13 =	spop (v2sf);
	v7 =	vld [tilespmem:s12+$0x10];
	[tilespmem:s23+$0x9DF0] =	vst v4  }
0x390: {  	[tilespmem:s22+$0x9EA0] =	vst v6;
	v4 =	vld [tilespmem:s13+$0x0]  }
0x391: {  	(v2sf) =	vpush v2, $0x2;
	v6 =	vld [tilespmem:s10+$0x30];
	[tilespmem:s28+$0x9F50] =	vst v3  }
0x392: {  	v3 =	vld [tilespmem:s11+$0x20];
	_ =	sdelay $0x1  }
0x393: {  	[tilespmem:s24+$0x9D50] =	vst v7  }
0x394: {  	v7 =	vld [tilespmem:s12+$0x20];
	[tilespmem:s23+$0x9E00] =	vst v4  }
0x395: {  	s14 =	spop (v2sf);
	[tilespmem:s22+$0x9EB0] =	vst v6;
	v4 =	vld [tilespmem:s13+$0x10]  }
0x396: {  	v6 =	vld [tilespmem:s14+$0x0];
	[tilespmem:s28+$0x9F60] =	vst v3  }
0x397: {  	s15 =	simm.s32 $0x40;
	(v2sf) =	vpush v0, $0x5;
	v3 =	vld [tilespmem:s11+$0x30]  }
0x398: {  	s16 =	sand.u32 $0x1F0, s15  }
0x399: {  	v8 =	vld [tilespmem:s16+$0x1B00];
	[tilespmem:s24+$0x9D60] =	vst v7  }
0x39a: {  	v7 =	vld [tilespmem:s12+$0x30];
	[tilespmem:s23+$0x9E10] =	vst v4  }
0x39b: {  	[tilespmem:s22+$0x9EC0] =	vst v6;
	v4 =	vld [tilespmem:s13+$0x20]  }
0x39c: {  	s17 =	spop (v2sf);
	v6 =	vld [tilespmem:s14+$0x10];
	[tilespmem:s28+$0x9F70] =	vst v3  }
0x39d: {  	v9 =	vld [tilespmem:s17+$0x0]  }
0x39e: {  	(v2sf) =	vpush v1, $0x8  }
0x39f: {  	s18 =	spop (v2sf);
	[tilespmem:s24+$0x9D70] =	vst v7;
	v3 =	vshll.u32 v8, $0x8  }
0x3a0: {  	v7 =	vld [tilespmem:s18+$0x0];
	[tilespmem:s23+$0x9E20] =	vst v4;
	v3 =	vshra.s32 v3, $0x2  }
0x3a1: {  	[tilespmem:s22+$0x9ED0] =	vst v6;
	v4 =	vld [tilespmem:s13+$0x30];
	(v2sf) =	vpush v3, $0x0  }
0x3a2: {  	v6 =	vld [tilespmem:s14+$0x20];
	[tilespmem:s28+$0x9F80] =	vst v9  }
0x3a3: {  	v8 =	vld [tilespmem:s17+$0x10];
	_ =	sdelay $0x1  }
0x3a4: {  	[tilespmem:s24+$0x9D80] =	vst v7;
	(v2sf) =	vpush v5, $0xB  }
0x3a5: {  	s19 =	spop (v2sf);
	v7 =	vld [tilespmem:s18+$0x10];
	[tilespmem:s23+$0x9E30] =	vst v4  }
0x3a6: {  	[tilespmem:s22+$0x9EE0] =	vst v6;
	v4 =	vld [tilespmem:s19+$0x0]  }
0x3a7: {  	v6 =	vld [tilespmem:s14+$0x30];
	(v2sf) =	vpush v2, $0x3;
	[tilespmem:s28+$0x9F90] =	vst v8  }
0x3a8: {  	v8 =	vld [tilespmem:s17+$0x20];
	_ =	sdelay $0x1  }
0x3a9: {  	[tilespmem:s24+$0x9D90] =	vst v7  }
0x3aa: {  	v7 =	vld [tilespmem:s18+$0x20];
	[tilespmem:s23+$0x9E40] =	vst v4  }
0x3ab: {  	s21 =	spop (v2sf);
	[tilespmem:s22+$0x9EF0] =	vst v6;
	v4 =	vld [tilespmem:s19+$0x10]  }
0x3ac: {  	v6 =	vld [tilespmem:s21+$0x0];
	[tilespmem:s28+$0x9FA0] =	vst v8  }
0x3ad: {  	(v2sf) =	vpush v0, $0x6;
	v8 =	vld [tilespmem:s17+$0x30]  }
0x3ae: {  	s26 =	spop (v2sf)  }
0x3af: {  	[tilespmem:s24+$0x9DA0] =	vst v7;
	v9 =	vld [tilespmem:s26+$0x0]  }
0x3b0: {  	v7 =	vld [tilespmem:s18+$0x30];
	[tilespmem:s23+$0x9E50] =	vst v4  }
0x3b1: {  	[tilespmem:s22+$0x9F00] =	vst v6;
	v4 =	vld [tilespmem:s19+$0x20]  }
0x3b2: {  	v6 =	vld [tilespmem:s21+$0x10];
	s29 =	spop (v2sf);
	[tilespmem:s28+$0x9FB0] =	vst v8  }
0x3b3: {  	s25 =	simm.s32 $0x1000;
	v8 =	vld [tilespmem:s29+$0x0]  }
0x3b4: {  	(v2sf) =	vpush v1, $0x9;
	[tilespmem:s25+$0x9D00] =	vst v9  }
0x3b5: {  	[tilespmem:s24+$0x9DB0] =	vst v7;
	s30 =	spop (v2sf);
	v9 =	vld [tilespmem:s26+$0x10]  }
0x3b6: {  	v7 =	vld [tilespmem:s30+$0x0];
	[tilespmem:s23+$0x9E60] =	vst v4  }
0x3b7: {  	(v2sf) =	vpush v3, $0x1;
	[tilespmem:s22+$0x9F10] =	vst v6;
	v4 =	vld [tilespmem:s19+$0x30]  }
0x3b8: {  	v6 =	vld [tilespmem:s21+$0x20];
	[tilespmem:s28+$0x9FC0] =	vst v8  }
0x3b9: {  	v8 =	vld [tilespmem:s29+$0x10]  }
0x3ba: {  	[tilespmem:s25+$0x9D10] =	vst v9  }
0x3bb: {  	(v2sf) =	vpush v5, $0xC;
	[tilespmem:s24+$0x9DC0] =	vst v7;
	v9 =	vld [tilespmem:s26+$0x20]  }
0x3bc: {  	s31 =	spop (v2sf);
	v7 =	vld [tilespmem:s30+$0x10];
	[tilespmem:s23+$0x9E70] =	vst v4  }
0x3bd: {  	[tilespmem:s22+$0x9F20] =	vst v6;
	v4 =	vld [tilespmem:s31+$0x0]  }
0x3be: {  	(v2sf) =	vpush v2, $0x4;
	v6 =	vld [tilespmem:s21+$0x30];
	[tilespmem:s28+$0x9FD0] =	vst v8  }
0x3bf: {  	v8 =	vld [tilespmem:s29+$0x20]  }
0x3c0: {  	[tilespmem:s25+$0x9D20] =	vst v9  }
0x3c1: {  	[tilespmem:s24+$0x9DD0] =	vst v7;
	v9 =	vld [tilespmem:s26+$0x30]  }
0x3c2: {  	v7 =	vld [tilespmem:s30+$0x20];
	[tilespmem:s23+$0x9E80] =	vst v4  }
0x3c3: {  	[tilespmem:s22+$0x9F30] =	vst v6;
	s5 =	spop (v2sf);
	v4 =	vld [tilespmem:s31+$0x10]  }
0x3c4: {  	v6 =	vld [tilespmem:s5+$0x0];
	[tilespmem:s28+$0x9FE0] =	vst v8  }
0x3c5: {  	(v2sf) =	vpush v0, $0x7;
	v8 =	vld [tilespmem:s29+$0x30]  }
0x3c6: {  	s6 =	spop (v2sf);
	[tilespmem:s25+$0x9D30] =	vst v9  }
0x3c7: {  	[tilespmem:s24+$0x9DE0] =	vst v7;
	v9 =	vld [tilespmem:s6+$0x0]  }
0x3c8: {  	v7 =	vld [tilespmem:s30+$0x30];
	[tilespmem:s23+$0x9E90] =	vst v4  }
0x3c9: {  	[tilespmem:s22+$0x9F40] =	vst v6;
	v4 =	vld [tilespmem:s31+$0x20]  }
0x3ca: {  	s7 =	spop (v2sf);
	v6 =	vld [tilespmem:s5+$0x10];
	[tilespmem:s28+$0x9FF0] =	vst v8  }
0x3cb: {  	v8 =	vld [tilespmem:s7+$0x0]  }
0x3cc: {  	(v2sf) =	vpush v1, $0xA;
	[tilespmem:s25+$0x9D40] =	vst v9  }
0x3cd: {  	s8 =	spop (v2sf);
	[tilespmem:s24+$0x9DF0] =	vst v7;
	v9 =	vld [tilespmem:s6+$0x10]  }
0x3ce: {  	v7 =	vld [tilespmem:s8+$0x0];
	[tilespmem:s23+$0x9EA0] =	vst v4  }
0x3cf: {  	(v2sf) =	vpush v3, $0x2;
	[tilespmem:s22+$0x9F50] =	vst v6;
	v4 =	vld [tilespmem:s31+$0x30]  }
0x3d0: {  	v6 =	vld [tilespmem:s5+$0x20];
	[tilespmem:s28+$0xA000] =	vst v8  }
0x3d1: {  	v8 =	vld [tilespmem:s7+$0x10]  }
0x3d2: {  	[tilespmem:s25+$0x9D50] =	vst v9  }
0x3d3: {  	(v2sf) =	vpush v5, $0xD;
	[tilespmem:s24+$0x9E00] =	vst v7;
	v9 =	vld [tilespmem:s6+$0x20]  }
0x3d4: {  	s9 =	spop (v2sf);
	v7 =	vld [tilespmem:s8+$0x10];
	[tilespmem:s23+$0x9EB0] =	vst v4  }
0x3d5: {  	[tilespmem:s22+$0x9F60] =	vst v6;
	v4 =	vld [tilespmem:s9+$0x0]  }
0x3d6: {  	s10 =	simm.s32 $0x50;
	(v2sf) =	vpush v2, $0x5;
	v6 =	vld [tilespmem:s5+$0x30];
	[tilespmem:s28+$0xA010] =	vst v8  }
0x3d7: {  	s11 =	sand.u32 $0x1F0, s10;
	v8 =	vld [tilespmem:s7+$0x20]  }
0x3d8: {  	v10 =	vld [tilespmem:s11+$0x1B00];
	[tilespmem:s25+$0x9D60] =	vst v9  }
0x3d9: {  	[tilespmem:s24+$0x9E10] =	vst v7;
	v9 =	vld [tilespmem:s6+$0x30]  }
0x3da: {  	v7 =	vld [tilespmem:s8+$0x20];
	[tilespmem:s23+$0x9EC0] =	vst v4  }
0x3db: {  	s12 =	spop (v2sf);
	[tilespmem:s22+$0x9F70] =	vst v6;
	v11 =	vld [tilespmem:s9+$0x10]  }
0x3dc: {  	v6 =	vld [tilespmem:s12+$0x0];
	[tilespmem:s28+$0xA020] =	vst v8  }
0x3dd: {  	(v2sf) =	vpush v0, $0x8;
	v8 =	vld [tilespmem:s7+$0x30]  }
0x3de: {  	s13 =	spop (v2sf);
	v4 =	vshll.u32 v10, $0x8;
	[tilespmem:s25+$0x9D70] =	vst v9  }
0x3df: {  	v4 =	vshra.s32 v4, $0x2;
	[tilespmem:s24+$0x9E20] =	vst v7;
	v9 =	vld [tilespmem:s13+$0x0]  }
0x3e0: {  	(v2sf) =	vpush v4, $0x0;
	v7 =	vld [tilespmem:s8+$0x30];
	[tilespmem:s23+$0x9ED0] =	vst v11  }
0x3e1: {  	[tilespmem:s22+$0x9F80] =	vst v6;
	v10 =	vld [tilespmem:s9+$0x20]  }
0x3e2: {  	s14 =	spop (v2sf);
	v6 =	vld [tilespmem:s12+$0x10];
	[tilespmem:s28+$0xA030] =	vst v8  }
0x3e3: {  	v8 =	vld [tilespmem:s14+$0x0]  }
0x3e4: {  	(v2sf) =	vpush v1, $0xB;
	[tilespmem:s25+$0x9D80] =	vst v9  }
0x3e5: {  	s15 =	spop (v2sf);
	[tilespmem:s24+$0x9E30] =	vst v7;
	v9 =	vld [tilespmem:s13+$0x10]  }
0x3e6: {  	v7 =	vld [tilespmem:s15+$0x0];
	[tilespmem:s23+$0x9EE0] =	vst v10  }
0x3e7: {  	(v2sf) =	vpush v3, $0x3;
	[tilespmem:s22+$0x9F90] =	vst v6;
	v10 =	vld [tilespmem:s9+$0x30]  }
0x3e8: {  	s0 =	simm.s32 $0x60;
	v11 =	vld [tilespmem:s12+$0x20];
	[tilespmem:s28+$0xA040] =	vst v8  }
0x3e9: {  	s16 =	sand.u32 $0x1F0, s0;
	v8 =	vld [tilespmem:s14+$0x10]  }
0x3ea: {  	v6 =	vld [tilespmem:s16+$0x1B00];
	[tilespmem:s25+$0x9D90] =	vst v9  }
0x3eb: {  	(v2sf) =	vpush v5, $0xE;
	[tilespmem:s24+$0x9E40] =	vst v7;
	v9 =	vld [tilespmem:s13+$0x20]  }
0x3ec: {  	s17 =	spop (v2sf);
	v7 =	vld [tilespmem:s15+$0x10];
	[tilespmem:s23+$0x9EF0] =	vst v10  }
0x3ed: {  	[tilespmem:s22+$0x9FA0] =	vst v11;
	v10 =	vld [tilespmem:s17+$0x0]  }
0x3ee: {  	(v2sf) =	vpush v2, $0x6;
	v11 =	vld [tilespmem:s12+$0x30];
	[tilespmem:s28+$0xA050] =	vst v8  }
0x3ef: {  	s18 =	spop (v2sf);
	v8 =	vld [tilespmem:s14+$0x20]  }
0x3f0: {  	v60 =	vld [tilespmem:s18+$0x0];
	[tilespmem:s25+$0x9DA0] =	vst v9  }
0x3f1: {  	[tilespmem:s24+$0x9E50] =	vst v7;
	v9 =	vld [tilespmem:s13+$0x30]  }
0x3f2: {  	v7 =	vld [tilespmem:s15+$0x20];
	[tilespmem:s23+$0x9F00] =	vst v10  }
0x3f3: {  	s19 =	spop (v2sf);
	[tilespmem:s22+$0x9FB0] =	vst v11;
	v10 =	vld [tilespmem:s17+$0x10]  }
0x3f4: {  	s26 =	simm.s32 $0x1400;
	v11 =	vld [tilespmem:s19+$0x0];
	[tilespmem:s28+$0xA060] =	vst v8  }
0x3f5: {  	(v2sf) =	vpush v0, $0x9;
	[tilespmem:s26+$0x9D00] =	vst v60;
	v8 =	vld [tilespmem:s14+$0x30]  }
0x3f6: {  	s21 =	spop (v2sf);
	v12 =	vld [tilespmem:s18+$0x10];
	[tilespmem:s25+$0x9DB0] =	vst v9  }
0x3f7: {  	[tilespmem:s24+$0x9E60] =	vst v7;
	v9 =	vld [tilespmem:s21+$0x0]  }
0x3f8: {  	(v2sf) =	vpush v4, $0x1;
	v7 =	vld [tilespmem:s15+$0x30];
	[tilespmem:s23+$0x9F10] =	vst v10  }
0x3f9: {  	[tilespmem:s22+$0x9FC0] =	vst v11;
	v10 =	vld [tilespmem:s17+$0x20]  }
0x3fa: {  	s29 =	spop (v2sf);
	v11 =	vld [tilespmem:s19+$0x10];
	[tilespmem:s28+$0xA070] =	vst v8  }
0x3fb: {  	[tilespmem:s26+$0x9D10] =	vst v12;
	v8 =	vld [tilespmem:s29+$0x0]  }
0x3fc: {  	(v2sf) =	vpush v1, $0xC;
	v12 =	vld [tilespmem:s18+$0x20];
	[tilespmem:s25+$0x9DC0] =	vst v9  }
0x3fd: {  	s30 =	spop (v2sf);
	[tilespmem:s24+$0x9E70] =	vst v7;
	v9 =	vld [tilespmem:s21+$0x10]  }
0x3fe: {  	v7 =	vld [tilespmem:s30+$0x0];
	[tilespmem:s23+$0x9F20] =	vst v10  }
0x3ff: {  	(v2sf) =	vpush v3, $0x4;
	[tilespmem:s22+$0x9FD0] =	vst v11;
	v10 =	vld [tilespmem:s17+$0x30]  }
0x400: {  	v11 =	vld [tilespmem:s19+$0x20];
	[tilespmem:s28+$0xA080] =	vst v8  }
0x401: {  	[tilespmem:s26+$0x9D20] =	vst v12;
	v8 =	vld [tilespmem:s29+$0x10]  }
0x402: {  	v12 =	vld [tilespmem:s18+$0x30];
	[tilespmem:s25+$0x9DD0] =	vst v9  }
0x403: {  	(v2sf) =	vpush v5, $0xF;
	[tilespmem:s24+$0x9E80] =	vst v7;
	v9 =	vld [tilespmem:s21+$0x20]  }
0x404: {  	s31 =	spop (v2sf);
	v5 =	vld [tilespmem:s30+$0x10];
	[tilespmem:s23+$0x9F30] =	vst v10  }
0x405: {  	(v2sf) =	vpush v2, $0x7;
	[tilespmem:s22+$0x9FE0] =	vst v11;
	v7 =	vld [tilespmem:s31+$0x0]  }
0x406: {  	v10 =	vld [tilespmem:s19+$0x30];
	[tilespmem:s28+$0xA090] =	vst v8  }
0x407: {  	s7 =	spop (v2sf);
	[tilespmem:s26+$0x9D30] =	vst v12;
	v8 =	vld [tilespmem:s29+$0x20]  }
0x408: {  	v11 =	vld [tilespmem:s7+$0x0];
	[tilespmem:s25+$0x9DE0] =	vst v9  }
0x409: {  	[tilespmem:s24+$0x9E90] =	vst v5;
	v9 =	vld [tilespmem:s21+$0x30]  }
0x40a: {  	v5 =	vld [tilespmem:s30+$0x20];
	[tilespmem:s23+$0x9F40] =	vst v7  }
0x40b: {  	s8 =	spop (v2sf);
	[tilespmem:s22+$0x9FF0] =	vst v10;
	v7 =	vld [tilespmem:s31+$0x10]  }
0x40c: {  	v10 =	vld [tilespmem:s8+$0x0];
	[tilespmem:s28+$0xA0A0] =	vst v8  }
0x40d: {  	(v2sf) =	vpush v0, $0xA;
	[tilespmem:s26+$0x9D40] =	vst v11;
	v8 =	vld [tilespmem:s29+$0x30]  }
0x40e: {  	s5 =	spop (v2sf);
	v11 =	vld [tilespmem:s7+$0x10];
	[tilespmem:s25+$0x9DF0] =	vst v9  }
0x40f: {  	[tilespmem:s24+$0x9EA0] =	vst v5;
	v9 =	vld [tilespmem:s5+$0x0]  }
0x410: {  	(v2sf) =	vpush v4, $0x2;
	v61 =	vld [tilespmem:s30+$0x30];
	[tilespmem:s23+$0x9F50] =	vst v7  }
0x411: {  	[tilespmem:s22+$0xA000] =	vst v10;
	v7 =	vld [tilespmem:s31+$0x20]  }
0x412: {  	s2 =	spop (v2sf);
	v62 =	vld [tilespmem:s8+$0x10];
	[tilespmem:s28+$0xA0B0] =	vst v8  }
0x413: {  	[tilespmem:s26+$0x9D50] =	vst v11;
	v11 =	vld [tilespmem:s2+$0x0]  }
0x414: {  	s3 =	spop (v2sf);
	(v2sf) =	vpush v1, $0xD;
	v63 =	vld [tilespmem:s7+$0x20];
	[tilespmem:s25+$0x9E00] =	vst v9  }
0x415: {  	[tilespmem:s24+$0x9EB0] =	vst v61;
	v5 =	vld [tilespmem:s5+$0x10]  }
0x416: {  	[tilespmem:s23+$0x9F60] =	vst v7;
	v8 =	vld [tilespmem:s3+$0x0]  }
0x417: {  	(v2sf) =	vpush v3, $0x5;
	[tilespmem:s22+$0xA010] =	vst v62;
	v10 =	vld [tilespmem:s31+$0x30]  }
0x418: {  	v9 =	vld [tilespmem:s8+$0x20];
	[tilespmem:s28+$0xA0C0] =	vst v11  }
0x419: {  	s1 =	simm.s32 $0x6000;
	s6 =	simm.s32 $0x7000;
	[tilespmem:s26+$0x9D60] =	vst v63;
	v7 =	vld [tilespmem:s2+$0x10]  }
.LBB2_5:
0x41a: {  	p0 =	sne.s32 s6, $0x1F000;
	v11 =	vld [tilespmem:s7+$0x30];
	[tilespmem:s25+$0x9E10] =	vst v5  }
0x41b: {  	v12 =	vld [tilespmem:s5+$0x20];
	[tilespmem:s24+$0x9EC0] =	vst v8  }
0x41c: {  	v8 =	vld [tilespmem:s3+$0x10];
	[tilespmem:s23+$0x9F70] =	vst v10;
	s4 =	spop (v2sf)  }
0x41d: {  	v10 =	vld [tilespmem:s4+$0x0];
	[tilespmem:s22+$0xA020] =	vst v9  }
0x41e: {  	(v2sf) =	vpush v2, $0x8;
	v9 =	vld [tilespmem:s8+$0x30];
	[tilespmem:s28+$0xA0D0] =	vst v7  }
0x41f: {  	v5 =	vshll.u32 v6, $0x8;
	[tilespmem:s26+$0x9D70] =	vst v11;
	s7 =	spop (v2sf);
	v6 =	vld [tilespmem:s2+$0x20]  }
0x420: {  	v5 =	vshra.s32 v5, $0x2;
	v7 =	vld [tilespmem:s7+$0x0];
	[tilespmem:s25+$0x9E20] =	vst v12  }
0x421: {  	(v2sf) =	vpush v5, $0x0;
	v11 =	vld [tilespmem:s5+$0x30];
	[tilespmem:s24+$0x9ED0] =	vst v8  }
0x422: {  	v8 =	vld [tilespmem:s3+$0x20];
	[tilespmem:s23+$0x9F80] =	vst v10  }
0x423: {  	v10 =	vld [tilespmem:s4+$0x10];
	[tilespmem:s22+$0xA030] =	vst v9;
	s5 =	spop (v2sf)  }
0x424: {  	v9 =	vld [tilespmem:s5+$0x0];
	[tilespmem:s28+$0xA0E0] =	vst v6  }
0x425: {  	[tilespmem:s26+$0x9D80] =	vst v7;
	(v2sf) =	vpush v0, $0xB;
	v6 =	vld [tilespmem:s2+$0x30]  }
0x426: {  	v7 =	vld [tilespmem:s7+$0x10];
	[tilespmem:s25+$0x9E30] =	vst v11;
	s2 =	spop (v2sf)  }
0x427: {  	v11 =	vld [tilespmem:s2+$0x0];
	[tilespmem:s24+$0x9EE0] =	vst v8  }
0x428: {  	(v2sf) =	vpush v4, $0x3;
	v8 =	vld [tilespmem:s3+$0x30];
	[tilespmem:s23+$0x9F90] =	vst v10  }
0x429: {  	s0 =	sadd.s32 $0x10, s0;
	v10 =	vld [tilespmem:s4+$0x20];
	[tilespmem:s22+$0xA040] =	vst v9  }
0x42a: {  	s3 =	sand.u32 $0x1F0, s0;
	v9 =	vld [tilespmem:s5+$0x10];
	[tilespmem:s28+$0xA0F0] =	vst v6;
	s28 =	smov.u32 s22;
	s22 =	smov.u32 s23  }
0x42b: {  	s23 =	smov.u32 s24;
	s24 =	smov.u32 s25;
	s25 =	smov.u32 s26;
	v6 =	vld [tilespmem:s3+$0x1B00];
	[tilespmem:s26+$0x9D90] =	vst v7  }
0x42c: {  	v7 =	vld [tilespmem:s7+$0x20];
	[tilespmem:s24+$0x9E40] =	vst v11;
	(v2sf) =	vpush v1, $0xE  }
0x42d: {  	v11 =	vld [tilespmem:s2+$0x10];
	[tilespmem:s23+$0x9EF0] =	vst v8;
	s10 =	spop (v2sf)  }
0x42e: {  	v8 =	vld [tilespmem:s10+$0x0];
	[tilespmem:s22+$0x9FA0] =	vst v10  }
0x42f: {  	(v2sf) =	vpush v3, $0x6;
	v10 =	vld [tilespmem:s4+$0x30];
	[tilespmem:s28+$0xA050] =	vst v9  }
0x430: {  	s8 =	spop (v2sf);
	v9 =	vld [tilespmem:s5+$0x20]  }
0x431: {  	v12 =	vld [tilespmem:s8+$0x0];
	[tilespmem:s25+$0x9DA0] =	vst v7  }
0x432: {  	v7 =	vld [tilespmem:s7+$0x30];
	[tilespmem:s24+$0x9E50] =	vst v11  }
0x433: {  	v11 =	vld [tilespmem:s2+$0x20];
	[tilespmem:s23+$0x9F00] =	vst v8  }
0x434: {  	v8 =	vld [tilespmem:s10+$0x10];
	[tilespmem:s22+$0x9FB0] =	vst v10;
	s3 =	spop (v2sf)  }
0x435: {  	s26 =	sshra.s32 s1, $0x2;
	s1 =	smov.u32 s6;
	v10 =	vld [tilespmem:s3+$0x0];
	[tilespmem:s28+$0xA060] =	vst v9  }
0x436: {  	[tilespmem:s26+$0x9D00] =	vst v12;
	(v2sf) =	vpush v2, $0x9;
	v9 =	vld [tilespmem:s5+$0x30]  }
0x437: {  	v12 =	vld [tilespmem:s8+$0x10];
	[tilespmem:s25+$0x9DB0] =	vst v7;
	s4 =	spop (v2sf)  }
0x438: {  	v7 =	vld [tilespmem:s4+$0x0];
	[tilespmem:s24+$0x9E60] =	vst v11  }
0x439: {  	(v2sf) =	vpush v5, $0x1;
	v11 =	vld [tilespmem:s2+$0x30];
	[tilespmem:s23+$0x9F10] =	vst v8  }
0x43a: {  	v8 =	vld [tilespmem:s10+$0x20];
	[tilespmem:s22+$0x9FC0] =	vst v10  }
0x43b: {  	v10 =	vld [tilespmem:s3+$0x10];
	[tilespmem:s28+$0xA070] =	vst v9;
	s2 =	spop (v2sf)  }
0x43c: {  	[tilespmem:s26+$0x9D10] =	vst v12;
	v9 =	vld [tilespmem:s2+$0x0]  }
0x43d: {  	v12 =	vld [tilespmem:s8+$0x20];
	[tilespmem:s25+$0x9DC0] =	vst v7;
	(v2sf) =	vpush v0, $0xC  }
0x43e: {  	v7 =	vld [tilespmem:s4+$0x10];
	[tilespmem:s24+$0x9E70] =	vst v11;
	s9 =	spop (v2sf)  }
0x43f: {  	v11 =	vld [tilespmem:s9+$0x0];
	[tilespmem:s23+$0x9F20] =	vst v8  }
0x440: {  	(v2sf) =	vpush v4, $0x4;
	v8 =	vld [tilespmem:s10+$0x30];
	[tilespmem:s22+$0x9FD0] =	vst v10  }
0x441: {  	v10 =	vld [tilespmem:s3+$0x20];
	[tilespmem:s28+$0xA080] =	vst v9  }
0x442: {  	[tilespmem:s26+$0x9D20] =	vst v12;
	v9 =	vld [tilespmem:s2+$0x10]  }
0x443: {  	v12 =	vld [tilespmem:s8+$0x30];
	[tilespmem:s25+$0x9DD0] =	vst v7  }
0x444: {  	v7 =	vld [tilespmem:s4+$0x20];
	[tilespmem:s24+$0x9E80] =	vst v11;
	(v2sf) =	vpush v1, $0xF;
	v1 =	vmovc v0;
	v0 =	vmovc v2;
	v2 =	vmov v3;
	v3 =	vmov v4  }
0x445: {  	v4 =	vmov v5;
	v11 =	vld [tilespmem:s9+$0x10];
	[tilespmem:s23+$0x9F30] =	vst v8;
	s10 =	spop (v2sf)  }
0x446: {  	v5 =	vld [tilespmem:s10+$0x0];
	[tilespmem:s22+$0x9FE0] =	vst v10  }
0x447: {  	(v2sf) =	vpush v2, $0x7;
	v8 =	vld [tilespmem:s3+$0x30];
	[tilespmem:s28+$0xA090] =	vst v9  }
0x448: {  	[tilespmem:s26+$0x9D30] =	vst v12;
	s7 =	spop (v2sf);
	v9 =	vld [tilespmem:s2+$0x20]  }
0x449: {  	v10 =	vld [tilespmem:s7+$0x0];
	[tilespmem:s25+$0x9DE0] =	vst v7  }
0x44a: {  	v7 =	vld [tilespmem:s4+$0x30];
	[tilespmem:s24+$0x9E90] =	vst v11  }
0x44b: {  	v11 =	vld [tilespmem:s9+$0x20];
	[tilespmem:s23+$0x9F40] =	vst v5  }
0x44c: {  	v5 =	vld [tilespmem:s10+$0x10];
	[tilespmem:s22+$0x9FF0] =	vst v8;
	s8 =	spop (v2sf)  }
0x44d: {  	v8 =	vld [tilespmem:s8+$0x0];
	[tilespmem:s28+$0xA0A0] =	vst v9  }
0x44e: {  	[tilespmem:s26+$0x9D40] =	vst v10;
	(v2sf) =	vpush v0, $0xA;
	v9 =	vld [tilespmem:s2+$0x30]  }
0x44f: {  	v10 =	vld [tilespmem:s7+$0x10];
	[tilespmem:s25+$0x9DF0] =	vst v7;
	s5 =	spop (v2sf)  }
0x450: {  	v7 =	vld [tilespmem:s5+$0x0];
	[tilespmem:s24+$0x9EA0] =	vst v11  }
0x451: {  	(v2sf) =	vpush v4, $0x2;
	v11 =	vld [tilespmem:s9+$0x30];
	[tilespmem:s23+$0x9F50] =	vst v5  }
0x452: {  	v12 =	vld [tilespmem:s10+$0x20];
	[tilespmem:s22+$0xA000] =	vst v8  }
0x453: {  	v13 =	vld [tilespmem:s8+$0x10];
	[tilespmem:s28+$0xA0B0] =	vst v9;
	s2 =	spop (v2sf)  }
0x454: {  	[tilespmem:s26+$0x9D50] =	vst v10;
	v14 =	vld [tilespmem:s2+$0x0]  }
0x455: {  	v15 =	vld [tilespmem:s7+$0x20];
	[tilespmem:s25+$0x9E00] =	vst v7;
	(v2sf) =	vpush v1, $0xD  }
.Ltmp1:
0x456: {  	v5 =	vld [tilespmem:s5+$0x10];
	[tilespmem:s24+$0x9EB0] =	vst v11;
	s3 =	spop (v2sf);
	(pc) =	sbr.rel @p0 .LBB2_5-.Ltmp1, $4  }
0x457: {  	v8 =	vld [tilespmem:s3+$0x0];
	[tilespmem:s23+$0x9F60] =	vst v12  }
0x458: {  	(v2sf) =	vpush v3, $0x5;
	v10 =	vld [tilespmem:s10+$0x30];
	[tilespmem:s22+$0xA010] =	vst v13  }
0x459: {  	v9 =	vld [tilespmem:s8+$0x20];
	[tilespmem:s28+$0xA0C0] =	vst v14  }
0x45a: {  	s6 =	sadd.s32 $0x1000, s6;
	[tilespmem:s26+$0x9D60] =	vst v15;
	v7 =	vld [tilespmem:s2+$0x10]  }
0x45b: {  	_ =	sdelay $0x2  }
0x45c: {  	v45 =	vshll.u32 v6, $0x8  }
0x45d: {  	v11 =	vld [tilespmem:s7+$0x30];
	[tilespmem:s25+$0x9E10] =	vst v5;
	v5 =	vshra.s32 v45, $0x2;
	s0 =	spop (v2sf);
	(v2sf) =	vpush v2, $0x8  }
0x45e: {  	v12 =	vld [tilespmem:s5+$0x20];
	[tilespmem:s24+$0x9EC0] =	vst v8;
	s4 =	spop (v2sf);
	(v2sf) =	vpush v5, $0x0  }
0x45f: {  	v8 =	vld [tilespmem:s3+$0x10];
	[tilespmem:s23+$0x9F70] =	vst v10  }
0x460: {  	v10 =	vld [tilespmem:s0+$0x0];
	[tilespmem:s22+$0xA020] =	vst v9  }
0x461: {  	v9 =	vld [tilespmem:s8+$0x30];
	[tilespmem:s28+$0xA0D0] =	vst v7  }
0x462: {  	[tilespmem:s26+$0x9D70] =	vst v11;
	v49 =	vld [tilespmem:s2+$0x20]  }
0x463: {  	v46 =	vld [tilespmem:s4+$0x0];
	[tilespmem:s25+$0x9E20] =	vst v12  }
0x464: {  	v47 =	vld [tilespmem:s5+$0x30];
	[tilespmem:s24+$0x9ED0] =	vst v8  }
0x465: {  	v8 =	vld [tilespmem:s3+$0x20];
	[tilespmem:s23+$0x9F80] =	vst v10  }
0x466: {  	v10 =	vld [tilespmem:s0+$0x10];
	[tilespmem:s22+$0xA030] =	vst v9;
	s19 =	spop (v2sf)  }
0x467: {  	(v2sf) =	vpush v0, $0xB;
	v48 =	vld [tilespmem:s19+$0x0];
	[tilespmem:s28+$0xA0E0] =	vst v49  }
0x468: {  	(v2sf) =	vpush v4, $0x3;
	[tilespmem:s26+$0x9D80] =	vst v46;
	v9 =	vld [tilespmem:s2+$0x30]  }
0x469: {  	v6 =	vld [tilespmem:s4+$0x10];
	[tilespmem:s25+$0x9E30] =	vst v47;
	s6 =	spop (v2sf)  }
0x46a: {  	v11 =	vld [tilespmem:s6+$0x0];
	[tilespmem:s24+$0x9EE0] =	vst v8  }
0x46b: {  	v8 =	vld [tilespmem:s3+$0x30];
	[tilespmem:s23+$0x9F90] =	vst v10  }
0x46c: {  	v10 =	vld [tilespmem:s0+$0x20];
	[tilespmem:s22+$0xA040] =	vst v48;
	s21 =	spop (v2sf)  }
0x46d: {  	v7 =	vld [tilespmem:s19+$0x10];
	[tilespmem:s28+$0xA0F0] =	vst v9;
	s29 =	spop (v2sf)  }
0x46e: {  	[tilespmem:s26+$0x9D90] =	vst v6;
	v50 =	vld [tilespmem:s29+$0x0]  }
0x46f: {  	(v2sf) =	vpush v1, $0xE;
	v6 =	vld [tilespmem:s4+$0x20];
	[tilespmem:s25+$0x9E40] =	vst v11  }
0x470: {  	v11 =	vld [tilespmem:s6+$0x10];
	[tilespmem:s24+$0x9EF0] =	vst v8  }
0x471: {  	v8 =	vld [tilespmem:s21+$0x0];
	[tilespmem:s23+$0x9FA0] =	vst v10  }
0x472: {  	s28 =	sshra.s32 s1, $0x2;
	(v2sf) =	vpush v3, $0x6;
	v10 =	vld [tilespmem:s0+$0x30];
	[tilespmem:s22+$0xA050] =	vst v7  }
0x473: {  	v7 =	vld [tilespmem:s19+$0x20];
	[tilespmem:s28+$0x9D00] =	vst v50  }
0x474: {  	[tilespmem:s26+$0x9DA0] =	vst v6;
	v9 =	vld [tilespmem:s29+$0x10]  }
0x475: {  	v6 =	vld [tilespmem:s4+$0x30];
	[tilespmem:s25+$0x9E50] =	vst v11  }
0x476: {  	s7 =	spop (v2sf);
	(v2sf) =	vpush v2, $0x9;
	v11 =	vld [tilespmem:s6+$0x20];
	[tilespmem:s24+$0x9F00] =	vst v8  }
0x477: {  	s31 =	spop (v2sf);
	(v2sf) =	vpush v5, $0x1;
	v8 =	vld [tilespmem:s21+$0x10];
	[tilespmem:s23+$0x9FB0] =	vst v10  }
0x478: {  	v10 =	vld [tilespmem:s7+$0x0];
	[tilespmem:s22+$0xA060] =	vst v7  }
0x479: {  	v7 =	vld [tilespmem:s19+$0x30];
	[tilespmem:s28+$0x9D10] =	vst v9  }
0x47a: {  	[tilespmem:s26+$0x9DB0] =	vst v6;
	v52 =	vld [tilespmem:s29+$0x20]  }
0x47b: {  	v6 =	vld [tilespmem:s31+$0x0];
	[tilespmem:s25+$0x9E60] =	vst v11  }
0x47c: {  	v11 =	vld [tilespmem:s6+$0x30];
	[tilespmem:s24+$0x9F10] =	vst v8  }
0x47d: {  	v8 =	vld [tilespmem:s21+$0x20];
	[tilespmem:s23+$0x9FC0] =	vst v10  }
0x47e: {  	s30 =	spop (v2sf);
	v10 =	vld [tilespmem:s7+$0x10];
	[tilespmem:s22+$0xA070] =	vst v7  }
0x47f: {  	v51 =	vld [tilespmem:s30+$0x0];
	[tilespmem:s28+$0x9D20] =	vst v52  }
0x480: {  	[tilespmem:s26+$0x9DC0] =	vst v6;
	v55 =	vld [tilespmem:s29+$0x30]  }
0x481: {  	s5 =	spop (v2sf);
	v13 =	vld [tilespmem:s31+$0x10];
	[tilespmem:s25+$0x9E70] =	vst v11  }
0x482: {  	v11 =	vld [tilespmem:s5+$0x0];
	[tilespmem:s24+$0x9F20] =	vst v8  }
0x483: {  	v8 =	vld [tilespmem:s21+$0x30];
	[tilespmem:s23+$0x9FD0] =	vst v10  }
0x484: {  	(v2sf) =	vpush v0, $0xC;
	v53 =	vld [tilespmem:s7+$0x20];
	[tilespmem:s22+$0xA080] =	vst v51  }
0x485: {  	(v2sf) =	vpush v4, $0x4;
	s14 =	spop (v2sf);
	v54 =	vld [tilespmem:s30+$0x10];
	[tilespmem:s28+$0x9D30] =	vst v55  }
0x486: {  	s3 =	spop (v2sf)  }
0x487: {  	v9 =	vld [tilespmem:s3+$0x0];
	_ =	sdelay $0x4  }
0x488: {  	(v2sf) =	vpush v1, $0xF;
	[tilespmem:s28+$0x9D40] =	vst v9  }
0x489: {  	(v2sf) =	vpush v3, $0x7;
	v56 =	vld [tilespmem:s3+$0x10]  }
0x48a: {  	(v2sf) =	vpush v2, $0xA  }
0x48b: {  	(v2sf) =	vpush v5, $0x2;
	_ =	sdelay $0x2  }
0x48c: {  	[tilespmem:s28+$0x9D50] =	vst v56  }
0x48d: {  	v1 =	vld [tilespmem:s3+$0x20];
	_ =	sdelay $0x4  }
0x48e: {  	[tilespmem:s28+$0x9D60] =	vst v1  }
0x48f: {  	s11 =	spop (v2sf);
	v1 =	vld [tilespmem:s3+$0x30]  }
0x490: {  	s4 =	spop (v2sf)  }
0x491: {  	s29 =	spop (v2sf)  }
0x492: {  	s2 =	spop (v2sf)  }
0x493: {  	s13 =	spop (v2sf)  }
0x494: {  	s8 =	spop (v2sf);
	[tilespmem:s28+$0x9D70] =	vst v1  }
0x495: {  	v1 =	vld [tilespmem:s8+$0x0];
	_ =	sdelay $0x3  }
0x496: {  	(v2sf) =	vpush v0, $0xD  }
0x497: {  	(v2sf) =	vpush v4, $0x5;
	[tilespmem:s28+$0x9D80] =	vst v1  }
0x498: {  	(v2sf) =	vpush v3, $0x8;
	v1 =	vld [tilespmem:s8+$0x10]  }
0x499: {  	(v2sf) =	vpush v2, $0xB  }
0x49a: {  	(v2sf) =	vpush v5, $0x3;
	_ =	sdelay $0x2  }
0x49b: {  	[tilespmem:s28+$0x9D90] =	vst v1  }
0x49c: {  	v1 =	vld [tilespmem:s8+$0x20];
	_ =	sdelay $0x4  }
0x49d: {  	[tilespmem:s28+$0x9DA0] =	vst v1  }
0x49e: {  	v1 =	vld [tilespmem:s8+$0x30]  }
0x49f: {  	s0 =	spop (v2sf)  }
0x4a0: {  	s9 =	spop (v2sf)  }
0x4a1: {  	s15 =	spop (v2sf)  }
0x4a2: {  	s19 =	spop (v2sf)  }
0x4a3: {  	s12 =	spop (v2sf);
	[tilespmem:s28+$0x9DB0] =	vst v1  }
0x4a4: {  	v1 =	vld [tilespmem:s12+$0x0];
	_ =	sdelay $0x3  }
0x4a5: {  	(v2sf) =	vpush v0, $0xE  }
0x4a6: {  	(v2sf) =	vpush v4, $0x6;
	[tilespmem:s28+$0x9DC0] =	vst v1  }
0x4a7: {  	(v2sf) =	vpush v3, $0x9;
	v1 =	vld [tilespmem:s12+$0x10]  }
0x4a8: {  	(v2sf) =	vpush v2, $0xC  }
0x4a9: {  	(v2sf) =	vpush v5, $0x4;
	_ =	sdelay $0x1  }
0x4aa: {  	[tilespmem:s26+$0x9DD0] =	vst v13  }
0x4ab: {  	v57 =	vld [tilespmem:s31+$0x20];
	[tilespmem:s28+$0x9DD0] =	vst v1  }
0x4ac: {  	v1 =	vld [tilespmem:s12+$0x20];
	_ =	sdelay $0x3  }
0x4ad: {  	[tilespmem:s26+$0x9DE0] =	vst v57  }
0x4ae: {  	v9 =	vld [tilespmem:s31+$0x30];
	[tilespmem:s28+$0x9DE0] =	vst v1  }
0x4af: {  	v1 =	vld [tilespmem:s12+$0x30]  }
0x4b0: {  	s1 =	spop (v2sf)  }
0x4b1: {  	s3 =	spop (v2sf)  }
0x4b2: {  	s12 =	spop (v2sf)  }
0x4b3: {  	[tilespmem:s26+$0x9DF0] =	vst v9;
	s17 =	spop (v2sf)  }
0x4b4: {  	v9 =	vld [tilespmem:s4+$0x0];
	s16 =	spop (v2sf);
	[tilespmem:s28+$0x9DF0] =	vst v1  }
0x4b5: {  	v1 =	vld [tilespmem:s16+$0x0];
	_ =	sdelay $0x3  }
0x4b6: {  	[tilespmem:s26+$0x9E00] =	vst v9;
	(v2sf) =	vpush v0, $0xF  }
0x4b7: {  	v58 =	vld [tilespmem:s4+$0x10];
	(v2sf) =	vpush v4, $0x7;
	[tilespmem:s28+$0x9E00] =	vst v1  }
0x4b8: {  	(v2sf) =	vpush v3, $0xA;
	v1 =	vld [tilespmem:s16+$0x10]  }
0x4b9: {  	(v2sf) =	vpush v2, $0xD  }
0x4ba: {  	(v2sf) =	vpush v5, $0x5;
	_ =	sdelay $0x1  }
0x4bb: {  	[tilespmem:s26+$0x9E10] =	vst v58  }
0x4bc: {  	v0 =	vld [tilespmem:s4+$0x20];
	[tilespmem:s28+$0x9E10] =	vst v1  }
0x4bd: {  	v1 =	vld [tilespmem:s16+$0x20];
	_ =	sdelay $0x3  }
0x4be: {  	[tilespmem:s26+$0x9E20] =	vst v0  }
0x4bf: {  	v0 =	vld [tilespmem:s4+$0x30];
	[tilespmem:s28+$0x9E20] =	vst v1  }
0x4c0: {  	v1 =	vld [tilespmem:s16+$0x30]  }
0x4c1: {  	s31 =	spop (v2sf)  }
0x4c2: {  	s16 =	spop (v2sf)  }
0x4c3: {  	s8 =	spop (v2sf)  }
0x4c4: {  	[tilespmem:s26+$0x9E30] =	vst v0;
	s10 =	spop (v2sf)  }
0x4c5: {  	v0 =	vld [tilespmem:s9+$0x0];
	s18 =	spop (v2sf);
	[tilespmem:s28+$0x9E30] =	vst v1  }
0x4c6: {  	v1 =	vld [tilespmem:s18+$0x0];
	_ =	sdelay $0x3  }
0x4c7: {  	[tilespmem:s26+$0x9E40] =	vst v0  }
0x4c8: {  	v0 =	vld [tilespmem:s9+$0x10];
	(v2sf) =	vpush v4, $0x8;
	[tilespmem:s28+$0x9E40] =	vst v1  }
0x4c9: {  	(v2sf) =	vpush v3, $0xB;
	v1 =	vld [tilespmem:s18+$0x10]  }
0x4ca: {  	(v2sf) =	vpush v2, $0xE  }
0x4cb: {  	(v2sf) =	vpush v5, $0x6;
	_ =	sdelay $0x1  }
0x4cc: {  	[tilespmem:s26+$0x9E50] =	vst v0  }
0x4cd: {  	v0 =	vld [tilespmem:s9+$0x20];
	[tilespmem:s28+$0x9E50] =	vst v1  }
0x4ce: {  	v1 =	vld [tilespmem:s18+$0x20];
	_ =	sdelay $0x3  }
0x4cf: {  	[tilespmem:s26+$0x9E60] =	vst v0  }
0x4d0: {  	v0 =	vld [tilespmem:s9+$0x30];
	[tilespmem:s28+$0x9E60] =	vst v1  }
0x4d1: {  	v1 =	vld [tilespmem:s18+$0x30];
	_ =	sdelay $0x1  }
0x4d2: {  	s4 =	spop (v2sf)  }
0x4d3: {  	s18 =	spop (v2sf)  }
0x4d4: {  	[tilespmem:s26+$0x9E70] =	vst v0;
	s9 =	spop (v2sf)  }
0x4d5: {  	v0 =	vld [tilespmem:s3+$0x0];
	s21 =	spop (v2sf);
	[tilespmem:s28+$0x9E70] =	vst v1  }
0x4d6: {  	v1 =	vld [tilespmem:s21+$0x0]  }
0x4d7: {  	[tilespmem:s25+$0x9E80] =	vst v11  }
0x4d8: {  	v59 =	vld [tilespmem:s5+$0x10];
	_ =	sdelay $0x1  }
0x4d9: {  	[tilespmem:s26+$0x9E80] =	vst v0  }
0x4da: {  	v0 =	vld [tilespmem:s3+$0x10];
	(v2sf) =	vpush v4, $0x9;
	[tilespmem:s28+$0x9E80] =	vst v1  }
0x4db: {  	(v2sf) =	vpush v3, $0xC;
	v1 =	vld [tilespmem:s21+$0x10]  }
0x4dc: {  	[tilespmem:s25+$0x9E90] =	vst v59;
	(v2sf) =	vpush v2, $0xF  }
0x4dd: {  	v60 =	vld [tilespmem:s5+$0x20];
	(v2sf) =	vpush v5, $0x7;
	_ =	sdelay $0x1  }
0x4de: {  	[tilespmem:s26+$0x9E90] =	vst v0  }
0x4df: {  	v0 =	vld [tilespmem:s3+$0x20];
	[tilespmem:s28+$0x9E90] =	vst v1  }
0x4e0: {  	v1 =	vld [tilespmem:s21+$0x20]  }
0x4e1: {  	[tilespmem:s25+$0x9EA0] =	vst v60  }
0x4e2: {  	v2 =	vld [tilespmem:s5+$0x30];
	_ =	sdelay $0x1  }
0x4e3: {  	[tilespmem:s26+$0x9EA0] =	vst v0  }
0x4e4: {  	v0 =	vld [tilespmem:s3+$0x30];
	[tilespmem:s28+$0x9EA0] =	vst v1  }
0x4e5: {  	v1 =	vld [tilespmem:s21+$0x30]  }
0x4e6: {  	[tilespmem:s25+$0x9EB0] =	vst v2  }
0x4e7: {  	s3 =	spop (v2sf);
	v2 =	vld [tilespmem:s2+$0x0]  }
0x4e8: {  	s5 =	spop (v2sf)  }
0x4e9: {  	[tilespmem:s26+$0x9EB0] =	vst v0;
	s6 =	spop (v2sf)  }
0x4ea: {  	v0 =	vld [tilespmem:s16+$0x0];
	s21 =	spop (v2sf);
	[tilespmem:s28+$0x9EB0] =	vst v1  }
0x4eb: {  	v1 =	vld [tilespmem:s21+$0x0]  }
0x4ec: {  	[tilespmem:s25+$0x9EC0] =	vst v2  }
0x4ed: {  	v2 =	vld [tilespmem:s2+$0x10];
	_ =	sdelay $0x1  }
0x4ee: {  	[tilespmem:s26+$0x9EC0] =	vst v0  }
0x4ef: {  	v0 =	vld [tilespmem:s16+$0x10];
	[tilespmem:s28+$0x9EC0] =	vst v1  }
0x4f0: {  	(v2sf) =	vpush v4, $0xA;
	v1 =	vld [tilespmem:s21+$0x10]  }
0x4f1: {  	(v2sf) =	vpush v3, $0xD;
	[tilespmem:s25+$0x9ED0] =	vst v2  }
0x4f2: {  	(v2sf) =	vpush v5, $0x8;
	v2 =	vld [tilespmem:s2+$0x20];
	_ =	sdelay $0x1  }
0x4f3: {  	[tilespmem:s26+$0x9ED0] =	vst v0  }
0x4f4: {  	v0 =	vld [tilespmem:s16+$0x20];
	[tilespmem:s28+$0x9ED0] =	vst v1  }
0x4f5: {  	v1 =	vld [tilespmem:s21+$0x20]  }
0x4f6: {  	[tilespmem:s25+$0x9EE0] =	vst v2  }
0x4f7: {  	v2 =	vld [tilespmem:s2+$0x30];
	_ =	sdelay $0x1  }
0x4f8: {  	[tilespmem:s26+$0x9EE0] =	vst v0  }
0x4f9: {  	v0 =	vld [tilespmem:s16+$0x30];
	[tilespmem:s28+$0x9EE0] =	vst v1  }
0x4fa: {  	v1 =	vld [tilespmem:s21+$0x30]  }
0x4fb: {  	[tilespmem:s25+$0x9EF0] =	vst v2  }
0x4fc: {  	v2 =	vld [tilespmem:s15+$0x0]  }
0x4fd: {  	s21 =	spop (v2sf)  }
0x4fe: {  	[tilespmem:s26+$0x9EF0] =	vst v0;
	s2 =	spop (v2sf)  }
0x4ff: {  	v0 =	vld [tilespmem:s4+$0x0];
	s16 =	spop (v2sf);
	[tilespmem:s28+$0x9EF0] =	vst v1  }
0x500: {  	v1 =	vld [tilespmem:s16+$0x0]  }
0x501: {  	[tilespmem:s25+$0x9F00] =	vst v2  }
0x502: {  	v2 =	vld [tilespmem:s15+$0x10];
	_ =	sdelay $0x1  }
0x503: {  	[tilespmem:s26+$0x9F00] =	vst v0  }
0x504: {  	v0 =	vld [tilespmem:s4+$0x10];
	[tilespmem:s28+$0x9F00] =	vst v1  }
0x505: {  	(v2sf) =	vpush v4, $0xB;
	v1 =	vld [tilespmem:s16+$0x10]  }
0x506: {  	[tilespmem:s25+$0x9F10] =	vst v2;
	(v2sf) =	vpush v3, $0xE  }
0x507: {  	v2 =	vld [tilespmem:s15+$0x20];
	(v2sf) =	vpush v5, $0x9;
	_ =	sdelay $0x1  }
0x508: {  	[tilespmem:s26+$0x9F10] =	vst v0  }
0x509: {  	v0 =	vld [tilespmem:s4+$0x20];
	[tilespmem:s28+$0x9F10] =	vst v1  }
0x50a: {  	v1 =	vld [tilespmem:s16+$0x20]  }
0x50b: {  	[tilespmem:s25+$0x9F20] =	vst v2  }
0x50c: {  	v2 =	vld [tilespmem:s15+$0x30];
	_ =	sdelay $0x1  }
0x50d: {  	[tilespmem:s26+$0x9F20] =	vst v0  }
0x50e: {  	v0 =	vld [tilespmem:s4+$0x30];
	[tilespmem:s28+$0x9F20] =	vst v1  }
0x50f: {  	[tilespmem:s24+$0x9F30] =	vst v8;
	v1 =	vld [tilespmem:s16+$0x30]  }
0x510: {  	v8 =	vld [tilespmem:s14+$0x0];
	[tilespmem:s25+$0x9F30] =	vst v2  }
0x511: {  	v2 =	vld [tilespmem:s12+$0x0]  }
0x512: {  	s4 =	spop (v2sf)  }
0x513: {  	[tilespmem:s26+$0x9F30] =	vst v0;
	s16 =	spop (v2sf)  }
0x514: {  	v0 =	vld [tilespmem:s3+$0x0];
	s15 =	spop (v2sf);
	[tilespmem:s28+$0x9F30] =	vst v1  }
0x515: {  	[tilespmem:s24+$0x9F40] =	vst v8;
	v1 =	vld [tilespmem:s15+$0x0]  }
0x516: {  	v8 =	vld [tilespmem:s14+$0x10];
	[tilespmem:s25+$0x9F40] =	vst v2  }
0x517: {  	v2 =	vld [tilespmem:s12+$0x10];
	_ =	sdelay $0x1  }
0x518: {  	[tilespmem:s26+$0x9F40] =	vst v0  }
0x519: {  	v0 =	vld [tilespmem:s3+$0x10];
	[tilespmem:s28+$0x9F40] =	vst v1  }
0x51a: {  	[tilespmem:s24+$0x9F50] =	vst v8;
	(v2sf) =	vpush v4, $0xC;
	v1 =	vld [tilespmem:s15+$0x10]  }
0x51b: {  	v61 =	vld [tilespmem:s14+$0x20];
	[tilespmem:s25+$0x9F50] =	vst v2;
	(v2sf) =	vpush v3, $0xF  }
0x51c: {  	v2 =	vld [tilespmem:s12+$0x20];
	(v2sf) =	vpush v5, $0xA;
	_ =	sdelay $0x1  }
0x51d: {  	[tilespmem:s26+$0x9F50] =	vst v0  }
0x51e: {  	v0 =	vld [tilespmem:s3+$0x20];
	[tilespmem:s28+$0x9F50] =	vst v1  }
0x51f: {  	[tilespmem:s24+$0x9F60] =	vst v61;
	v1 =	vld [tilespmem:s15+$0x20]  }
0x520: {  	v3 =	vld [tilespmem:s14+$0x30];
	[tilespmem:s25+$0x9F60] =	vst v2  }
0x521: {  	v2 =	vld [tilespmem:s12+$0x30];
	_ =	sdelay $0x1  }
0x522: {  	[tilespmem:s26+$0x9F60] =	vst v0  }
0x523: {  	v0 =	vld [tilespmem:s3+$0x30];
	[tilespmem:s28+$0x9F60] =	vst v1  }
0x524: {  	[tilespmem:s24+$0x9F70] =	vst v3;
	v1 =	vld [tilespmem:s15+$0x30]  }
0x525: {  	v3 =	vld [tilespmem:s13+$0x0];
	[tilespmem:s25+$0x9F70] =	vst v2  }
0x526: {  	v2 =	vld [tilespmem:s8+$0x0]  }
0x527: {  	s3 =	spop (v2sf)  }
0x528: {  	[tilespmem:s26+$0x9F70] =	vst v0;
	s14 =	spop (v2sf)  }
0x529: {  	v0 =	vld [tilespmem:s21+$0x0];
	s15 =	spop (v2sf);
	[tilespmem:s28+$0x9F70] =	vst v1  }
0x52a: {  	[tilespmem:s24+$0x9F80] =	vst v3;
	v1 =	vld [tilespmem:s15+$0x0]  }
0x52b: {  	v3 =	vld [tilespmem:s13+$0x10];
	[tilespmem:s25+$0x9F80] =	vst v2  }
0x52c: {  	v2 =	vld [tilespmem:s8+$0x10];
	_ =	sdelay $0x1  }
0x52d: {  	[tilespmem:s26+$0x9F80] =	vst v0  }
0x52e: {  	v0 =	vld [tilespmem:s21+$0x10];
	[tilespmem:s28+$0x9F80] =	vst v1  }
0x52f: {  	[tilespmem:s24+$0x9F90] =	vst v3;
	v1 =	vld [tilespmem:s15+$0x10]  }
0x530: {  	(v2sf) =	vpush v4, $0xD;
	v3 =	vld [tilespmem:s13+$0x20];
	[tilespmem:s25+$0x9F90] =	vst v2  }
0x531: {  	(v2sf) =	vpush v5, $0xB;
	v2 =	vld [tilespmem:s8+$0x20];
	_ =	sdelay $0x1  }
0x532: {  	[tilespmem:s26+$0x9F90] =	vst v0  }
0x533: {  	v0 =	vld [tilespmem:s21+$0x20];
	[tilespmem:s28+$0x9F90] =	vst v1  }
0x534: {  	[tilespmem:s24+$0x9FA0] =	vst v3;
	v1 =	vld [tilespmem:s15+$0x20]  }
0x535: {  	v3 =	vld [tilespmem:s13+$0x30];
	[tilespmem:s25+$0x9FA0] =	vst v2  }
0x536: {  	v2 =	vld [tilespmem:s8+$0x30];
	_ =	sdelay $0x1  }
0x537: {  	[tilespmem:s26+$0x9FA0] =	vst v0  }
0x538: {  	v0 =	vld [tilespmem:s21+$0x30];
	[tilespmem:s28+$0x9FA0] =	vst v1  }
0x539: {  	[tilespmem:s24+$0x9FB0] =	vst v3;
	v1 =	vld [tilespmem:s15+$0x30]  }
0x53a: {  	v3 =	vld [tilespmem:s19+$0x0];
	[tilespmem:s25+$0x9FB0] =	vst v2  }
0x53b: {  	v2 =	vld [tilespmem:s18+$0x0];
	_ =	sdelay $0x1  }
0x53c: {  	[tilespmem:s26+$0x9FB0] =	vst v0;
	s8 =	spop (v2sf)  }
0x53d: {  	v0 =	vld [tilespmem:s4+$0x0];
	s21 =	spop (v2sf);
	[tilespmem:s28+$0x9FB0] =	vst v1  }
0x53e: {  	[tilespmem:s24+$0x9FC0] =	vst v3;
	v1 =	vld [tilespmem:s21+$0x0]  }
0x53f: {  	v3 =	vld [tilespmem:s19+$0x10];
	[tilespmem:s25+$0x9FC0] =	vst v2  }
0x540: {  	v2 =	vld [tilespmem:s18+$0x10];
	_ =	sdelay $0x1  }
0x541: {  	[tilespmem:s26+$0x9FC0] =	vst v0  }
0x542: {  	v0 =	vld [tilespmem:s4+$0x10];
	[tilespmem:s28+$0x9FC0] =	vst v1  }
0x543: {  	[tilespmem:s24+$0x9FD0] =	vst v3;
	v1 =	vld [tilespmem:s21+$0x10]  }
0x544: {  	(v2sf) =	vpush v4, $0xE;
	v3 =	vld [tilespmem:s19+$0x20];
	[tilespmem:s25+$0x9FD0] =	vst v2  }
0x545: {  	(v2sf) =	vpush v5, $0xC;
	v2 =	vld [tilespmem:s18+$0x20]  }
0x546: {  	[tilespmem:s23+$0x9FE0] =	vst v53  }
0x547: {  	v7 =	vld [tilespmem:s7+$0x30];
	[tilespmem:s26+$0x9FD0] =	vst v0  }
0x548: {  	v0 =	vld [tilespmem:s4+$0x20];
	[tilespmem:s28+$0x9FD0] =	vst v1  }
0x549: {  	[tilespmem:s24+$0x9FE0] =	vst v3;
	v1 =	vld [tilespmem:s21+$0x20]  }
0x54a: {  	v3 =	vld [tilespmem:s19+$0x30];
	[tilespmem:s25+$0x9FE0] =	vst v2  }
0x54b: {  	v2 =	vld [tilespmem:s18+$0x30]  }
0x54c: {  	[tilespmem:s23+$0x9FF0] =	vst v7  }
0x54d: {  	v7 =	vld [tilespmem:s11+$0x0];
	[tilespmem:s26+$0x9FE0] =	vst v0  }
0x54e: {  	v0 =	vld [tilespmem:s4+$0x30];
	[tilespmem:s28+$0x9FE0] =	vst v1  }
0x54f: {  	[tilespmem:s24+$0x9FF0] =	vst v3;
	v1 =	vld [tilespmem:s21+$0x30]  }
0x550: {  	v3 =	vld [tilespmem:s17+$0x0];
	[tilespmem:s25+$0x9FF0] =	vst v2  }
0x551: {  	v2 =	vld [tilespmem:s5+$0x0]  }
0x552: {  	[tilespmem:s23+$0xA000] =	vst v7  }
0x553: {  	v7 =	vld [tilespmem:s11+$0x10];
	[tilespmem:s26+$0x9FF0] =	vst v0;
	s13 =	spop (v2sf)  }
0x554: {  	v0 =	vld [tilespmem:s3+$0x0];
	s15 =	spop (v2sf);
	[tilespmem:s28+$0x9FF0] =	vst v1  }
0x555: {  	[tilespmem:s24+$0xA000] =	vst v3;
	v1 =	vld [tilespmem:s15+$0x0]  }
0x556: {  	v3 =	vld [tilespmem:s17+$0x10];
	[tilespmem:s25+$0xA000] =	vst v2  }
0x557: {  	v2 =	vld [tilespmem:s5+$0x10]  }
0x558: {  	[tilespmem:s23+$0xA010] =	vst v7  }
0x559: {  	v62 =	vld [tilespmem:s11+$0x20];
	[tilespmem:s26+$0xA000] =	vst v0  }
0x55a: {  	v0 =	vld [tilespmem:s3+$0x10];
	[tilespmem:s28+$0xA000] =	vst v1  }
0x55b: {  	[tilespmem:s24+$0xA010] =	vst v3;
	v1 =	vld [tilespmem:s15+$0x10]  }
0x55c: {  	(v2sf) =	vpush v4, $0xF;
	v3 =	vld [tilespmem:s17+$0x20];
	[tilespmem:s25+$0xA010] =	vst v2  }
0x55d: {  	(v2sf) =	vpush v5, $0xD;
	v2 =	vld [tilespmem:s5+$0x20]  }
0x55e: {  	[tilespmem:s23+$0xA020] =	vst v62  }
0x55f: {  	v4 =	vld [tilespmem:s11+$0x30];
	[tilespmem:s26+$0xA010] =	vst v0  }
0x560: {  	v0 =	vld [tilespmem:s3+$0x20];
	[tilespmem:s28+$0xA010] =	vst v1  }
0x561: {  	[tilespmem:s24+$0xA020] =	vst v3;
	v1 =	vld [tilespmem:s15+$0x20]  }
0x562: {  	v3 =	vld [tilespmem:s17+$0x30];
	[tilespmem:s25+$0xA020] =	vst v2  }
0x563: {  	v2 =	vld [tilespmem:s5+$0x30]  }
0x564: {  	[tilespmem:s23+$0xA030] =	vst v4  }
0x565: {  	v4 =	vld [tilespmem:s0+$0x0];
	[tilespmem:s26+$0xA020] =	vst v0  }
0x566: {  	v0 =	vld [tilespmem:s3+$0x30];
	[tilespmem:s28+$0xA020] =	vst v1  }
0x567: {  	[tilespmem:s24+$0xA030] =	vst v3;
	v1 =	vld [tilespmem:s15+$0x30]  }
0x568: {  	v3 =	vld [tilespmem:s10+$0x0];
	[tilespmem:s25+$0xA030] =	vst v2  }
0x569: {  	v2 =	vld [tilespmem:s2+$0x0]  }
0x56a: {  	[tilespmem:s23+$0xA040] =	vst v4  }
0x56b: {  	v4 =	vld [tilespmem:s0+$0x10];
	[tilespmem:s26+$0xA030] =	vst v0;
	s17 =	spop (v2sf)  }
0x56c: {  	v0 =	vld [tilespmem:s8+$0x0];
	s18 =	spop (v2sf);
	[tilespmem:s28+$0xA030] =	vst v1  }
0x56d: {  	[tilespmem:s24+$0xA040] =	vst v3;
	v1 =	vld [tilespmem:s18+$0x0]  }
0x56e: {  	v3 =	vld [tilespmem:s10+$0x10];
	[tilespmem:s25+$0xA040] =	vst v2  }
0x56f: {  	v2 =	vld [tilespmem:s2+$0x10]  }
0x570: {  	[tilespmem:s23+$0xA050] =	vst v4  }
0x571: {  	v4 =	vld [tilespmem:s0+$0x20];
	[tilespmem:s26+$0xA040] =	vst v0  }
0x572: {  	v0 =	vld [tilespmem:s8+$0x10];
	[tilespmem:s28+$0xA040] =	vst v1  }
0x573: {  	[tilespmem:s24+$0xA050] =	vst v3;
	v1 =	vld [tilespmem:s18+$0x10]  }
0x574: {  	v3 =	vld [tilespmem:s10+$0x20];
	[tilespmem:s25+$0xA050] =	vst v2  }
0x575: {  	(v2sf) =	vpush v5, $0xE;
	v2 =	vld [tilespmem:s2+$0x20]  }
0x576: {  	[tilespmem:s23+$0xA060] =	vst v4  }
0x577: {  	v4 =	vld [tilespmem:s0+$0x30];
	[tilespmem:s26+$0xA050] =	vst v0  }
0x578: {  	v0 =	vld [tilespmem:s8+$0x20];
	[tilespmem:s28+$0xA050] =	vst v1  }
0x579: {  	[tilespmem:s24+$0xA060] =	vst v3;
	v1 =	vld [tilespmem:s18+$0x20]  }
0x57a: {  	v3 =	vld [tilespmem:s10+$0x30];
	[tilespmem:s25+$0xA060] =	vst v2  }
0x57b: {  	v2 =	vld [tilespmem:s2+$0x30]  }
0x57c: {  	[tilespmem:s23+$0xA070] =	vst v4  }
0x57d: {  	v4 =	vld [tilespmem:s1+$0x0];
	[tilespmem:s26+$0xA060] =	vst v0  }
0x57e: {  	v0 =	vld [tilespmem:s8+$0x30];
	[tilespmem:s28+$0xA060] =	vst v1  }
0x57f: {  	[tilespmem:s24+$0xA070] =	vst v3;
	v1 =	vld [tilespmem:s18+$0x30]  }
0x580: {  	v3 =	vld [tilespmem:s9+$0x0];
	[tilespmem:s25+$0xA070] =	vst v2  }
0x581: {  	v2 =	vld [tilespmem:s16+$0x0]  }
0x582: {  	[tilespmem:s23+$0xA080] =	vst v4  }
0x583: {  	v4 =	vld [tilespmem:s1+$0x10];
	[tilespmem:s26+$0xA070] =	vst v0  }
0x584: {  	v0 =	vld [tilespmem:s13+$0x0];
	s19 =	spop (v2sf);
	[tilespmem:s28+$0xA070] =	vst v1  }
0x585: {  	[tilespmem:s24+$0xA080] =	vst v3;
	v1 =	vld [tilespmem:s19+$0x0]  }
0x586: {  	v3 =	vld [tilespmem:s9+$0x10];
	[tilespmem:s25+$0xA080] =	vst v2  }
0x587: {  	[tilespmem:s22+$0xA090] =	vst v54;
	v2 =	vld [tilespmem:s16+$0x10]  }
0x588: {  	v6 =	vld [tilespmem:s30+$0x20];
	[tilespmem:s23+$0xA090] =	vst v4  }
0x589: {  	v4 =	vld [tilespmem:s1+$0x20];
	[tilespmem:s26+$0xA080] =	vst v0  }
0x58a: {  	v0 =	vld [tilespmem:s13+$0x10];
	[tilespmem:s28+$0xA080] =	vst v1  }
0x58b: {  	[tilespmem:s24+$0xA090] =	vst v3;
	v1 =	vld [tilespmem:s19+$0x10]  }
0x58c: {  	v3 =	vld [tilespmem:s9+$0x20];
	[tilespmem:s25+$0xA090] =	vst v2  }
0x58d: {  	[tilespmem:s22+$0xA0A0] =	vst v6;
	(v2sf) =	vpush v5, $0xF;
	v2 =	vld [tilespmem:s16+$0x20]  }
0x58e: {  	v63 =	vld [tilespmem:s30+$0x30];
	[tilespmem:s23+$0xA0A0] =	vst v4  }
0x58f: {  	v4 =	vld [tilespmem:s1+$0x30];
	[tilespmem:s26+$0xA090] =	vst v0  }
0x590: {  	v0 =	vld [tilespmem:s13+$0x20];
	[tilespmem:s28+$0xA090] =	vst v1  }
0x591: {  	[tilespmem:s24+$0xA0A0] =	vst v3;
	v1 =	vld [tilespmem:s19+$0x20]  }
0x592: {  	v3 =	vld [tilespmem:s9+$0x30];
	[tilespmem:s25+$0xA0A0] =	vst v2  }
0x593: {  	[tilespmem:s22+$0xA0B0] =	vst v63;
	v2 =	vld [tilespmem:s16+$0x30]  }
0x594: {  	v5 =	vld [tilespmem:s29+$0x0];
	[tilespmem:s23+$0xA0B0] =	vst v4  }
0x595: {  	v4 =	vld [tilespmem:s31+$0x0];
	[tilespmem:s26+$0xA0A0] =	vst v0  }
0x596: {  	v0 =	vld [tilespmem:s13+$0x30];
	[tilespmem:s28+$0xA0A0] =	vst v1  }
0x597: {  	[tilespmem:s24+$0xA0B0] =	vst v3;
	v1 =	vld [tilespmem:s19+$0x30]  }
0x598: {  	v3 =	vld [tilespmem:s6+$0x0];
	[tilespmem:s25+$0xA0B0] =	vst v2  }
0x599: {  	[tilespmem:s22+$0xA0C0] =	vst v5;
	v2 =	vld [tilespmem:s14+$0x0]  }
0x59a: {  	v5 =	vld [tilespmem:s29+$0x10];
	[tilespmem:s23+$0xA0C0] =	vst v4  }
0x59b: {  	v4 =	vld [tilespmem:s31+$0x10];
	[tilespmem:s26+$0xA0B0] =	vst v0  }
0x59c: {  	s21 =	spop (v2sf);
	v0 =	vld [tilespmem:s17+$0x0];
	[tilespmem:s28+$0xA0B0] =	vst v1  }
0x59d: {  	[tilespmem:s24+$0xA0C0] =	vst v3;
	v1 =	vld [tilespmem:s21+$0x0]  }
0x59e: {  	v3 =	vld [tilespmem:s6+$0x10];
	[tilespmem:s25+$0xA0C0] =	vst v2  }
0x59f: {  	[tilespmem:s22+$0xA0D0] =	vst v5;
	v2 =	vld [tilespmem:s14+$0x10]  }
0x5a0: {  	v5 =	vld [tilespmem:s29+$0x20];
	[tilespmem:s23+$0xA0D0] =	vst v4  }
0x5a1: {  	v4 =	vld [tilespmem:s31+$0x20];
	[tilespmem:s26+$0xA0C0] =	vst v0  }
0x5a2: {  	v0 =	vld [tilespmem:s17+$0x10];
	[tilespmem:s28+$0xA0C0] =	vst v1  }
0x5a3: {  	[tilespmem:s24+$0xA0D0] =	vst v3;
	v1 =	vld [tilespmem:s21+$0x10]  }
0x5a4: {  	v3 =	vld [tilespmem:s6+$0x20];
	[tilespmem:s25+$0xA0D0] =	vst v2  }
0x5a5: {  	[tilespmem:s22+$0xA0E0] =	vst v5;
	v2 =	vld [tilespmem:s14+$0x20]  }
0x5a6: {  	v5 =	vld [tilespmem:s29+$0x30];
	[tilespmem:s23+$0xA0E0] =	vst v4  }
0x5a7: {  	v4 =	vld [tilespmem:s31+$0x30];
	[tilespmem:s26+$0xA0D0] =	vst v0  }
0x5a8: {  	v0 =	vld [tilespmem:s17+$0x20];
	[tilespmem:s28+$0xA0D0] =	vst v1  }
0x5a9: {  	[tilespmem:s24+$0xA0E0] =	vst v3;
	v1 =	vld [tilespmem:s21+$0x20]  }
0x5aa: {  	v3 =	vld [tilespmem:s6+$0x30];
	[tilespmem:s25+$0xA0E0] =	vst v2  }
0x5ab: {  	[tilespmem:s22+$0xA0F0] =	vst v5;
	v2 =	vld [tilespmem:s14+$0x30]  }
0x5ac: {  	[tilespmem:s23+$0xA0F0] =	vst v4  }
0x5ad: {  	[tilespmem:s26+$0xA0E0] =	vst v0  }
0x5ae: {  	v0 =	vld [tilespmem:s17+$0x30];
	[tilespmem:s28+$0xA0E0] =	vst v1  }
0x5af: {  	s20 =	sadd.s32 $0x1, s20;
	[tilespmem:s24+$0xA0F0] =	vst v3;
	v1 =	vld [tilespmem:s21+$0x30]  }
0x5b0: {  	p0 =	sne.s32 s20, $0x19;
	[tilespmem:s25+$0xA0F0] =	vst v2  }
.Ltmp2:
0x5b1: {  	s29 =	rddreg [dreg:$0xa];
	(pc) =	sbr.rel @p0 .LBB2_2-.Ltmp2, $4  }
0x5b2: {  	s0 =	sshll.u32 s29, $0x3  }
0x5b3: {  	s30 =	rddreg [dreg:$0x1];
	[tilespmem:s26+$0xA0F0] =	vst v0;
	s0 =	sand.u32 $0x1FFFF000, s0  }
0x5b4: {  	s4 =	simm.s32 $0x0;
	s31 =	simm.s32 $0x9D00;
	s0 =	sadd.s32 s30, s0;
	[tilespmem:s28+$0xA0F0] =	vst v1  }
0x5b5: {  	[hbm4b:s0+s4] =	stream.linear.scatter [tilespmem:s31], [sflag:$0x4], $0x8000, $0x38;
	[tilespmem:$0x11D00] =	vst v63  }
0x5b6: {  	s0 =	simm.s32 $0x3  }
0x5b7: {  	_ =	swait.ge [sflag:s0], $0x8000  }
0x5b8: {  	[sflag:s0] =	ssyncset.done $0x0  }
0x5b9: {  	s1 =	simm.s32 $0x4;
	[sflag:s0] =	ssyncadd.s32 $0xFFFF8000  }
0x5ba: {  	_ =	swait.ge [sflag:s1], $0x8000  }
0x5bb: {  	s2 =	rddreg [dreg:$0x9]  }
0x5bc: {  	s31 =	rddreg [dreg:$0x8];
	s2 =	sadd.s32 $0x1, s2  }
0x5bd: {  	p0 =	sne.s32 s2, s31  }
.Ltmp3:
0x5be: {  	_ = 	snop;
	(pc) =	sbr.rel @p0 .LBB2_1-.Ltmp3, $3  }
0x5bf: {  	_ =	sdelay $0x1  }
0x5c0: {  	[sflag:s1] =	ssyncset.done $0x0  }
0x5c1: {  	[sflag:s1] =	ssyncadd.s32 $0xFFFF8000  }
0x5c2: {  	_ =	sfence.sel $0x180000  }
0x5c3: {  	[bflag:$0x0] =	sbarrier.arrive $0xFFFF  }
0x5c4: {  	_ =	strace $0x90000047  }
0x5c5: {  	s0 =	stileid.u32;
	[bflag:$0x2] =	sbarrier.arrive $0xFFFF  }
0x5c6: {  	p0 =	sne.s32 s0, $0x0;
	s0 =	rddreg [dreg:$0x2]  }
0x5c7: {  	s0 =	sadd.s32 @!p0 $0x100000, s0  }
0x5c8: {  	[sflag:s0] =	ssyncadd.tile.s32 @!p0 $0x1;
	_ =	shalt  }
.Lfunc_end2:
_tile_overlayer_lowered:
.L_overlay_start_2:
0x5c9: {  	(tag) =	ssettag $0x2  }
0x5ca: {  	s0 =	rddreg [dreg:$0x0];
	s2 =	stileid.u32  }
0x5cb: {  	s1 =	rddreg [dreg:$0x1];
	p0 =	sne.s32 s2, $0x0  }
0x5cc: {  	s3 =	rddreg [dreg:$0x2];
	[bflag:$0x3] =	sbarrier.arrive $0xFFFF;
	s2 =	simm.s32 @!p0 $0x1C05  }
0x5cd: {  	[timem:s3], [sflag:s2] =	dma.local @!p0 [hbm:s0], s1  }
0x5ce: {  	s0 =	simm.s32 @!p0 $0x5  }
0x5cf: {  	_ =	swait.ge @!p0 [sflag:s0], s1  }
0x5d0: {  	s1 =	ssub.s32 @!p0 $0x0, s1;
	[sflag:s0] =	ssyncset.done @!p0 $0x0  }
0x5d1: {  	[sflag:s0] =	ssyncadd.s32 @!p0 s1  }
0x5d2: {  	[bflag:$0x3] =	sbarrier.arrive $0xFFFF  }
0x5d3: {  	_ =	shalt  }

// kernel: sparse-core-data-format-call.cloned.1.call-start
scs
called_computation_lowered:
.L_overlay_start_0:
0x0: {  	s2 =	sld [smem:$0x3FD9]  }
0x1: {  	s3 =	sld [smem:$0x3FFE];
	_ =	sdelay $0x1  }
0x2: {  	s1 =	srdreg.scid  }
0x3: {  	s0 =	sand.u32 $0x1, s1  }
0x4: {  	s18 =	sshll.u32 s0, $0xA;
	s2 =	sadd.s32 s3, s2  }
0x5: {  	s2 =	sadd.s32 s2, s18  }
0x6: {  	[smem:$0x3FC6] =	sst s2  }
0x7: {  	_ = 	snop  }
0x8: {  	s2 =	sld [smem:$0x3FD0];
	(tm) =	ssettm $0x1  }
0x9: {  	s19 =	sld [smem:$0x3FFB];
	_ =	sdelay $0x3  }
0xa: {  	_ =	strace s19  }
0xb: {  	s3 =	sld [smem:$0x3FFC];
	_ =	sdelay $0x3  }
0xc: {  	_ =	strace s3  }
0xd: {  	s3 =	sld [smem:$0x3FFD];
	_ =	sdelay $0x3  }
0xe: {  	_ =	strace s3  }
0xf: {  	_ =	strace $0x8FFFFFFF  }
0x10: {  	s20 =	sld [smem:$0x3FDB];
	_ =	sdelay $0x1  }
0x11: {  	s4 =	simm.s32 $_scs_section_size  }
0x12: {  	s5 =	simm.s32 $_size__tile_overlayer_lowered;
	s6 =	simm.s32 $_tile_overlayer_lowered  }
0x13: {  	s23 =	simm.s32 $0x1BFF;
	s22 =	sshll.u32 s6, $0x1;
	s3 =	sadd.s32 s4, s20  }
0x14: {  	s7 =	simm.s32 $0x0;
	s21 =	sshll.u32 s5, $0x1;
	s5 =	sadd.s32 s22, s3  }
0x15: {  	[timem:s7], [sflag:s23] =	dma.local [hbm:s5], s21  }
0x16: {  	_ =	swait.ge [sflag:s23], s21  }
0x17: {  	s4 =	ssub.s32 $0x0, s21;
	[sflag:s23] =	ssyncset.done $0x0  }
0x18: {  	[sflag:s23] =	ssyncadd.s32 s4;
	_ =	sdelay $0x1  }
0x19: {  	s24 =	simm.s32 $0x1B8B  }
0x1a: {  	_ =	swait.ge [sflag:s24], $0x1  }
0x1b: {  	[sflag:s24] =	ssyncset.done $0x0  }
0x1c: {  	s26 =	simm.s32 $0x1B8E;
	s25 =	sld [smem:$0x3FFE];
	[sflag:s24] =	ssyncadd.s32 $0xFFFFFFFF  }
0x1d: {  	s27 =	simm.s32 $execute0_lowered;
	[smem:$0x3FD2] =	sst s26  }
0x1e: {  	s5 =	sshll.u32 s27, $0x1;
	_ =	strace $0x80000049;
	[dreg:$0x1] =	wrdreg $0xFFFFFFFF  }
0x1f: {  	s28 =	simm.s32 $_size_execute0_lowered;
	s3 =	sadd.s32 s3, s5;
	[dreg:$0x0] =	wrdreg $0x0  }
0x20: {  	s5 =	sshll.u32 s28, $0x1;
	[dreg:$0x2] =	wrdreg s3  }
0x21: {  	[dreg:$0x3] =	wrdreg s5  }
0x22: {  	[dreg:$0x4] =	wrdreg $0xC0  }
0x23: {  	_ =	task [dreg:s7], $0x5FFFF  }
0x24: {  	[dreg:$0x1] =	wrdreg $0xFFFFFFFF  }
0x25: {  	[dreg:$0x0] =	wrdreg $0x60  }
0x26: {  	[dreg:$0x2] =	wrdreg s25  }
0x27: {  	[dreg:$0x3] =	wrdreg s2  }
0x28: {  	[dreg:$0x4] =	wrdreg $0x9  }
0x29: {  	_ =	task.clear_ibuf [dreg:s7], $0x5FFFF;
	_ =	strace $0x90000049  }
0x2a: {  	s29 =	simm.s32 $0x9;
	_ =	strace $0x8000004B  }
0x2b: {  	_ =	swait.ge [sflag:s29], $0x1  }
0x2c: {  	[sflag:s29] =	ssyncadd.s32 $0xFFFFFFFF  }
0x2d: {  	_ =	strace $0x9000004B  }
0x2e: {  	_ =	sfence  }
0x2f: {  	s30 =	sld [smem:$0x0];
	_ =	sdelay $0x2  }
0x30: {  	s31 =	sshll.u32 s1, $0xD;
	s1 =	sshrl.u32 s1, $0x2  }
0x31: {  	s3 =	sand.u32 $0x4000, s31;
	s1 =	sadd.s32 s1, s30  }
0x32: {  	s0 =	sor.u32 s3, s0;
	s1 =	sshll.u32 s1, $0x11  }
0x33: {  	s0 =	sor.u32 s1, s0  }
0x34: {  	s0 =	sadd.s32 $0x8F2B, s0  }
0x35: {  	[sflag:s0] =	ssyncadd.remote.s32 $0x1  }
0x36: {  	_ =	sfence.sel $0xFFFF  }
0x37: {  	[dreg:$0x0] =	wrdreg $0xFFFFFFFF;
	(pc) =	sbr.abs _section_cstart, $3  }
0x38: {  	[dreg:$0x1] =	wrdreg $0xFFFFFFFF  }
0x39: {  	_ =	task.clear_ibuf [dreg:s7], $0x2FFFF;
	_ =	strace $0x9FFFFFFF  }
0x3a: {  	(tm) =	ssettm $0x7FFFFFFF  }
0x3b: {  	_ =	shalt  }
tec
execute0_lowered:
.L_overlay_start_1:
0x0: {  	(tag) =	ssettag $0x1  }
0x1: {  	s0 =	srdreg.scid  }
0x2: {  	s1 =	sshll.u32 s0, $0x4  }
0x3: {  	s0 =	stileid.u32;
	s1 =	sand.u32 $0x10, s1  }
0x4: {  	s1 =	sor.u32 s0, s1  }
0x5: {  	s6 =	rddreg [dreg:$0x0];
	s4 =	simm.s32 $0x1;
	s2 =	sshll.u32 s1, $0x7  }
0x6: {  	s7 =	simm.s32 $0x2;
	s12 =	simm.s32 $0x0;
	s1 =	ssub.s32 $0x4000, s2  }
0x7: {  	s8 =	simm.s32 $0x20000;
	s13 =	simm.s32 $0x0;
	s3 =	sand.u32 $0xF80, s1  }
0x8: {  	s9 =	simm.s32 $0x0;
	s5 =	sshrl.u32 s1, $0xC;
	p0 =	sne.s32 s3, $0x0  }
.Ltmp0:
0x9: {  	s1 =	rddreg [dreg:$0x2];
	s4 =	simm.s32 @!p0 $0x0;
	(pc) =	sbr.rel .LBB1_1-.Ltmp0, $4  }
0xa: {  	s11 =	simm.s32 $0x0;
	s3 =	rddreg [dreg:$0x1];
	s5 =	sadd.s32 s4, s5  }
0xb: {  	_ =	strace $0x8000004A;
	s4 =	simm.s32 $0x1;
	s5 =	smul.u32 $0x32, s5  }
0xc: {  	s6 =	sadd.s32 $0x800, s6;
	s10 =	smov.u32 s2;
	[sflag:s4] =	ssyncpa.u1 $0x0  }
0xd: {  	p0 =	por $0x0, $0x0;
	[sflag:s7] =	ssyncpa.u1 $0x0;
	s7 =	sor.u32 $0x1, s5  }
.LBB1_4:
0xe: {  	s16 =	sshll.u32 s13, $0x3;
	s17 =	sand.u32 $0x78, s13  }
0xf: {  	s30 =	sand.u32 $0x1F800, s13;
	s12 =	sshll.u32 s12, $0x11;
	s16 =	sand.u32 $0x3C00, s16  }
0x10: {  	[tilespmem:s15+$0x810 ss:$0x81] =	vst.msk $0xffff, v2;
	s31 =	sand.u32 $0x7, s13;
	s16 =	sor.u32 s17, s16;
	s17 =	sadd.s32 s3, s30  }
0x11: {  	[tilespmem:s15+$0x1020 ss:$0x81] =	vst.msk $0xffff, v0;
	s13 =	sshll.u32 s31, $0x12;
	s12 =	sadd.s32 s12, s17;
	s16 =	sshrl.u32 s16, $0x3  }
0x12: {  	[tilespmem:s15+$0x0 ss:$0x81] =	vst.msk $0xffff, v1;
	s13 =	sor.u32 $0x400, s13;
	s12 =	sadd.s32 s16, s12  }
0x13: {  	[hbm4b:s12+s13] =	stream.strided.scatter [tilespmem:s14], [sflag:$0x2], $0x2000, s8, s13, $0x20;
	[tilespmem:$0x8080] =	vst v63  }
.LBB1_5:
0x14: {  	s14 =	sadd.s32 $0x1, s9  }
0x15: {  	s12 =	sadd.s32 $0x1000, s10;
	s16 =	smov.u32 s10;
	p2 =	sgt.s32 s14, $0x31  }
0x16: {  	s16 =	smov.u32 @p2 s12  }
0x17: {  	s14 =	simm.s32 @p2 $0x0;
	p2 =	sgt.s32 s16, $0x3FFF  }
0x18: {  	s16 =	smov.u32 @p2 s2;
	p2 =	sne.s32 s11, s7  }
.Ltmp1:
0x19: {  	p1 =	slt.u32 s11, $0x2;
	(pc) =	sbr.rel @!p2 .LBB1_6-.Ltmp1, $4  }
0x1a: {  	s15 =	simm.s32 @!p1 $0x2  }
0x1b: {  	s13 =	smov.u32 s10;
	p0 =	por !p0, !p0;
	_ =	swait.ge @!p1 [sflag:s15], $0x2000  }
0x1c: {  	s12 =	smov.u32 s9;
	[sflag:s15] =	ssyncset.done @!p1 $0x0;
	s9 =	smov.u32 s14  }
0x1d: {  	s11 =	sadd.s32 $0x1, s11;
	[sflag:s15] =	ssyncadd.s32 @!p1 $0xFFFFE000;
	s10 =	smov.u32 s16  }
.LBB1_1:
0x1e: {  	p1 =	sge.u32 s11, s5  }
0x1f: {  	s14 =	sand.u32 @!p1 $0x1FFFFFF, s9  }
0x20: {  	s15 =	smulhi.u32 @!p1 $0x4924925, s14;
	_ =	sdelay $0x1  }
0x21: {  	s15 =	smul.u32 @!p1 $0x38, s15  }
0x22: {  	s16 =	sxor.u32 @!p1 $0xFFFFFFFF, s11;
	s17 =	smul.u32 @!p1 $0x380, s10  }
0x23: {  	s31 =	sadd.s32 $0xFFFFFFFF, s11;
	s16 =	sshll.u32 @!p1 s16, $0xD;
	s14 =	ssub.s32 @!p1 s14, s15  }
0x24: {  	s15 =	sand.u32 @!p1 $0x2000, s16;
	s16 =	sadd.s32 @!p1 s6, s17;
	s14 =	sshll.u32 @!p1 s14, $0x4  }
0x25: {  	s17 =	simm.s32 @!p1 $0x1C00;
	s14 =	sadd.s32 @!p1 s14, s16;
	s16 =	simm.s32 @!p1 $0x40  }
0x26: {  	[tilespmem:s15], [sflag:$0x1] =	stream.strided.gather @!p1 [hbm4b:s14+s16], $0x2000, s17, s16, $0x38;
	[tilespmem:$0x8080] =	vst v63  }
0x27: {  	p1 =	sge.u32 s31, s5  }
.Ltmp2:
0x28: {  	_ = 	snop;
	(pc) =	sbr.rel @p1 .LBB1_5-.Ltmp2, $1  }
0x29: {  	_ =	sdelay $0x3  }
0x2a: {  	s14 =	simm.s32 $0x1  }
0x2b: {  	_ =	swait.ge [sflag:s4], $0x2000;
	s14 =	simm.s32 @!p0 $0x0  }
0x2c: {  	[sflag:s4] =	ssyncset.done $0x0;
	s15 =	sshll.u32 s14, $0xD  }
0x2d: {  	[sflag:s4] =	ssyncadd.s32 $0xFFFFE000;
	s18 =	sor.u32 $0x20, s15  }
0x2e: {  	s14 =	smul.u32 $0x8100, s14;
	v3 =	vld [tilespmem:s18+$0x10]  }
0x2f: {  	s30 =	sand.u32 $0x1, s11;
	v2 =	vld [tilespmem:s18+$0xFFFFFFF0]  }
0x30: {  	s15 =	smul.u32 $0x8100, s30;
	s14 =	sshrl.u32 s14, $0x2;
	v0 =	vld [tilespmem:s18+$0x0]  }
0x31: {  	v1 =	vld [tilespmem:s18+$0xFFFFFFE0];
	s16 =	sor.u32 $0x4000, s14  }
0x32: {  	s31 =	sshrl.u32 s15, $0x2;
	s15 =	sadd.s32 $0x0, s16  }
0x33: {  	s17 =	simm.s32 $0x4;
	s18 =	sadd.s32 $0x40, s18;
	s14 =	sor.u32 $0x4000, s31;
	[tilespmem:s15+$0x1830 ss:$0x81] =	vst.msk $0xffff, v3  }
.LBB1_3:
0x34: {  	v3 =	vld [tilespmem:s18+$0x10];
	p1 =	sne.s32 s17, $0x1FC;
	[tilespmem:s15+$0x810 ss:$0x81] =	vst.msk $0xffff, v2;
	s19 =	smov.u32 s17;
	s17 =	sadd.s32 $0x4, s17  }
.Ltmp3:
0x35: {  	v2 =	vld [tilespmem:s18+$0xFFFFFFF0];
	[tilespmem:s15+$0x1020 ss:$0x81] =	vst.msk $0xffff, v0;
	(pc) =	sbr.rel @p1 .LBB1_3-.Ltmp3, $4  }
0x36: {  	v0 =	vld [tilespmem:s18+$0x0];
	[tilespmem:s15+$0x0 ss:$0x81] =	vst.msk $0xffff, v1  }
0x37: {  	s15 =	sshra.s32 s19, $0x2;
	v1 =	vld [tilespmem:s18+$0xFFFFFFE0]  }
0x38: {  	s15 =	sadd.s32 s15, s16  }
0x39: {  	s18 =	sadd.s32 $0x40, s18;
	[tilespmem:s15+$0x1830 ss:$0x81] =	vst.msk $0xffff, v3  }
.Ltmp4:
0x3a: {  	_ = 	snop;
	(pc) =	sbr.rel .LBB1_4-.Ltmp4, $1  }
0x3b: {  	_ =	sdelay $0x3  }
.LBB1_6:
0x3c: {  	_ =	sfence.sel $0x180000  }
0x3d: {  	s2 =	simm.s32 $0x1;
	[bflag:$0x0] =	sbarrier.arrive $0xFFFF  }
0x3e: {  	s31 =	simm.s32 $0x2;
	[sflag:s2] =	ssyncpa.u1 $0x1  }
0x3f: {  	[sflag:s31] =	ssyncpa.u1 $0x1  }
0x40: {  	p0 =	sne.s32 s0, $0x0;
	_ =	strace $0x9000004A  }
0x41: {  	s0 =	sadd.s32 @!p0 $0x100000, s1;
	[bflag:$0x2] =	sbarrier.arrive $0xFFFF  }
0x42: {  	[sflag:s0] =	ssyncadd.tile.s32 @!p0 $0x1;
	_ =	shalt  }
.Lfunc_end1:
_tile_overlayer_lowered:
.L_overlay_start_2:
0x43: {  	(tag) =	ssettag $0x2  }
0x44: {  	s0 =	rddreg [dreg:$0x0];
	s2 =	stileid.u32  }
0x45: {  	s1 =	rddreg [dreg:$0x1];
	p0 =	sne.s32 s2, $0x0  }
0x46: {  	s3 =	rddreg [dreg:$0x2];
	[bflag:$0x3] =	sbarrier.arrive $0xFFFF;
	s2 =	simm.s32 @!p0 $0x1C01  }
0x47: {  	[timem:s3], [sflag:s2] =	dma.local @!p0 [hbm:s0], s1  }
0x48: {  	s0 =	simm.s32 @!p0 $0x1  }
0x49: {  	_ =	swait.ge @!p0 [sflag:s0], s1  }
0x4a: {  	s1 =	ssub.s32 @!p0 $0x0, s1;
	[sflag:s0] =	ssyncset.done @!p0 $0x0  }
0x4b: {  	[sflag:s0] =	ssyncadd.s32 @!p0 s1  }
0x4c: {  	[bflag:$0x3] =	sbarrier.arrive $0xFFFF  }
0x4d: {  	_ =	shalt  }

</sc_bundles>
